<compile_context>
chip_gen: v7x
topology: tpu7x:2x2x1
jax: 0.10.2.dev20260603
libtpu: 0.0.44.dev20260713+nightly
codegen_flags: <defaults>
</compile_context>

<pallas_src>
import functools

import jax
import jax.numpy as jnp
from jax import lax
from jax.experimental import pallas as pl
from jax.experimental.pallas import tpu as pltpu
from jax.experimental.pallas import tpu_sc as plsc

EPS = 1e-08

NC = 2
NS = 16
NW = NC * NS
L = 16


def _make_sc_kernel(B, A, N, CH):
    WPB = NW // B
    APW = A // WPB
    NCHUNK = APW // CH
    assert NCHUNK * CH == APW and N % (4 * L) == 0 and NCHUNK % 2 == 0
    CHN = CH * N

    mesh = plsc.VectorSubcoreMesh(
        core_axis_name="c", subcore_axis_name="s",
        num_cores=NC, num_subcores=NS)

    @functools.partial(
        pl.kernel,
        out_type=(
            jax.ShapeDtypeStruct((B * A * N,), jnp.float32),
            jax.ShapeDtypeStruct((B * A * N * 3,), jnp.float32),
        ),
        mesh=mesh,
        compiler_params=pltpu.CompilerParams(needs_layout_passes=False),
        scratch_types=[
            pltpu.VMEM((A * 3,), jnp.float32),
            pltpu.VMEM((CHN,), jnp.int32),
            pltpu.VMEM((CHN,), jnp.int32),
            pltpu.VMEM((CHN,), jnp.int32),
            pltpu.VMEM((CHN,), jnp.int32),
            pltpu.VMEM((CHN,), jnp.float32),
            pltpu.VMEM((CHN,), jnp.float32),
            pltpu.VMEM((CHN * 3,), jnp.float32),
            pltpu.VMEM((CHN * 3,), jnp.float32),
            pltpu.SemaphoreType.DMA,
            pltpu.SemaphoreType.DMA,
            pltpu.SemaphoreType.DMA,
            pltpu.SemaphoreType.DMA,
        ],
    )
    def sc_kernel(atm_hbm, nbr_hbm, msk_hbm, dist_hbm, dvec_hbm,
                  tbl, nb0, nb1, mk0, mk1, di0, di1, dv0, dv1,
                  isem0, isem1, osem0, osem1):
        nb = (nb0, nb1)
        mk = (mk0, mk1)
        di = (di0, di1)
        dv = (dv0, dv1)
        isem = (isem0, isem1)
        osem = (osem0, osem1)

        cid = lax.axis_index("c")
        sid = lax.axis_index("s")
        wid = sid * NC + cid
        b = wid // WPB
        a0 = (wid % WPB) * APW

        pltpu.sync_copy(atm_hbm.at[pl.ds(b * A * 3, A * 3)], tbl)

        base_slot = (b * A + a0) * N

        def start_in(ck, p):
            off = base_slot + ck * CHN
            pltpu.async_copy(nbr_hbm.at[pl.ds(off, CHN)], nb[p], isem[p])
            pltpu.async_copy(msk_hbm.at[pl.ds(off, CHN)], mk[p], isem[p])

        def wait_in(p):
            pltpu.make_async_copy(nbr_hbm.at[pl.ds(0, CHN)], nb[p], isem[p]).wait()
            pltpu.make_async_copy(msk_hbm.at[pl.ds(0, CHN)], mk[p], isem[p]).wait()

        def start_out(ck, p):
            off = base_slot + ck * CHN
            pltpu.async_copy(di[p], dist_hbm.at[pl.ds(off, CHN)], osem[p])
            pltpu.async_copy(dv[p], dvec_hbm.at[pl.ds(off * 3, CHN * 3)], osem[p])

        def wait_out(p):
            pltpu.make_async_copy(di[p], dist_hbm.at[pl.ds(0, CHN)], osem[p]).wait()
            pltpu.make_async_copy(dv[p], dvec_hbm.at[pl.ds(0, CHN * 3)], osem[p]).wait()

        iota = lax.iota(jnp.int32, L)
        i4 = iota * 4
        i12 = iota * 12

        def compute(ck, p):
            nb_v, mk_v, di_v, dv_v = nb[p], mk[p], di[p], dv[p]
            ac = a0 + ck * CH

            def center_body(lc, carry2):
                o0 = lc * N
                C4 = range(4)
                av = jnp.full((L,), (ac + lc) * 3, dtype=jnp.int32)
                cx = plsc.load_gather(tbl, [av])
                cy = plsc.load_gather(tbl, [av + 1])
                cz = plsc.load_gather(tbl, [av + 2])
                sl = [i4 + (o0 + c) for c in C4]
                mv = [plsc.load_gather(mk_v, [sl[c]]) for c in C4]
                idxv = [plsc.load_gather(nb_v, [sl[c]]) for c in C4]
                ix = [idxv[c] * 3 for c in C4]
                gx = [plsc.load_gather(tbl, [ix[c]]) for c in C4]
                gy = [plsc.load_gather(tbl, [ix[c] + 1]) for c in C4]
                gz = [plsc.load_gather(tbl, [ix[c] + 2]) for c in C4]
                dx = [gx[c] - cx for c in C4]
                dy = [gy[c] - cy for c in C4]
                dz = [gz[c] - cz for c in C4]
                ss = [dx[c] * dx[c] + dy[c] * dy[c] + dz[c] * dz[c]
                      for c in C4]
                seed = [jnp.int32(0x5F3759DF) - lax.shift_right_logical(
                    plsc.bitcast(ss[c], jnp.int32), 1) for c in C4]
                y = [plsc.bitcast(seed[c], jnp.float32) for c in C4]
                h = [ss[c] * 0.5 for c in C4]
                y = [y[c] * (1.5 - h[c] * y[c] * y[c]) for c in C4]
                y = [y[c] * (1.5 - h[c] * y[c] * y[c]) for c in C4]
                d = [ss[c] * y[c] for c in C4]
                d = [jnp.where(ss[c] > 0.0, d[c], 0.0) for c in C4]
                m = [mv[c] != 0 for c in C4]
                for c in C4:
                    plsc.store_scatter(di_v, [sl[c]],
                                       jnp.where(m[c], d[c], 0.0))
                r = [1.0 / jnp.where(m[c], d[c] + EPS, 1.0) for c in C4]
                sidx = [i12 + (3 * (o0 + c)) for c in C4]
                for c in C4:
                    plsc.store_scatter(dv_v, [sidx[c]], dx[c] * r[c])
                    plsc.store_scatter(dv_v, [sidx[c] + 1], dy[c] * r[c])
                    plsc.store_scatter(dv_v, [sidx[c] + 2], dz[c] * r[c])
                return carry2

            lax.fori_loop(0, CH, center_body, 0)

        start_in(0, 0)
        start_in(1, 1)
        for ck in range(NCHUNK):
            p = ck % 2
            wait_in(p)
            if ck >= 2:
                wait_out(p)
            compute(ck, p)
            start_out(ck, p)
            if ck + 2 < NCHUNK:
                start_in(ck + 2, p)
        wait_out(0)
        wait_out(1)

    return sc_kernel


def kernel(atoms, neighbors, neighbor_mask):
    B, A, _ = atoms.shape
    N = neighbors.shape[-1]
    atoms_flat = atoms.reshape(B * A * 3)
    nbr_flat = neighbors.reshape(B * A * N)
    msk_flat = neighbor_mask.astype(jnp.int32).reshape(B * A * N)

    sc_kernel = _make_sc_kernel(B, A, N, CH=128)
    dist_flat, dvec_flat = sc_kernel(atoms_flat, nbr_flat, msk_flat)

    distances = dist_flat.reshape(B, A, N)
    distance_vector = dvec_flat.reshape(B, A, N, 3)
    return (distances, distance_vector, neighbors, neighbor_mask)

# --- scband reference (transcript-rebuilt; emitter-appended) ---
"""Pipeline reference for scband-shell-provider-66245575573883 (READ-ONLY COPY).

The authoritative reference and input builder live on the scoring server;
editing this copy changes nothing except your own understanding.
"""

import jax, jax.numpy as jnp
import numpy as np

B, A, N = 8, 2048, 64
EPS = 1e-08


def setup_inputs(seed: int = 0) -> dict:
    key = jax.random.key(seed)
    k1, k2, k3 = jax.random.split(key, 3)
    atoms = jax.random.normal(k1, (B, A, 3), dtype=jnp.float32) * 5.0
    # neighbor indices in [0, A); offset construction avoids self-neighbors
    # (self-neighbor => zero distance vector => NaN gradients through norm)
    offs = jax.random.randint(k2, (B, A, N), 1, A)
    neighbors = (jnp.arange(A, dtype=jnp.int32)[None, :, None] + offs.astype(jnp.int32)) % A
    neighbor_mask = jax.random.randint(k3, (B, A, N), 0, 2).astype(bool)
    return {"atoms": atoms, "neighbors": neighbors, "neighbor_mask": neighbor_mask}


def reference(atoms, neighbors, neighbor_mask):
    Bn = atoms.shape[0]
    idx_m = jnp.arange(Bn)[:, None, None]
    # gather neighbor coordinates: (B, A, N, 3)
    ngh_atoms_xyz = atoms[idx_m, neighbors]
    distance_vector = ngh_atoms_xyz - atoms[:, :, None, :]
    distances = jnp.linalg.norm(distance_vector, axis=3)
    # zero out masked-off neighbor distances (neighbor_mask != 0 selection)
    distances = jnp.where(neighbor_mask, distances, 0.0)
    # return_vecs=True, normalize_vecs=True branch
    tmp_distances = jnp.where(neighbor_mask, distances + EPS, 1.0)
    distance_vector = distance_vector / tmp_distances[:, :, :, None]
    return (distances, distance_vector, neighbors, neighbor_mask)

if __name__ == "__main__":
    import jax
    _d = setup_inputs()
    print(jax.jit(kernel)(*tuple(_d.values())))

</pallas_src>

<mosaic_0001>
#map = affine_map<(d0, d1) -> (0)>
module attributes {stable_mosaic.version = 14 : i64} {
  func.func @sc_kernel(%arg0: i32, %arg1: i32, %arg2: memref<49152xf32, #tpu.memory_space<hbm>>, %arg3: memref<1048576xi32, #tpu.memory_space<hbm>>, %arg4: memref<1048576xi32, #tpu.memory_space<hbm>>, %arg5: memref<1048576xf32, #tpu.memory_space<hbm>>, %arg6: memref<3145728xf32, #tpu.memory_space<hbm>>, %arg7: memref<6144xf32, #tpu.memory_space<vmem>>, %arg8: memref<8192xi32, #tpu.memory_space<vmem>>, %arg9: memref<8192xi32, #tpu.memory_space<vmem>>, %arg10: memref<8192xi32, #tpu.memory_space<vmem>>, %arg11: memref<8192xi32, #tpu.memory_space<vmem>>, %arg12: memref<8192xf32, #tpu.memory_space<vmem>>, %arg13: memref<8192xf32, #tpu.memory_space<vmem>>, %arg14: memref<24576xf32, #tpu.memory_space<vmem>>, %arg15: memref<24576xf32, #tpu.memory_space<vmem>>, %arg16: memref<!tpu.dma_semaphore, #tpu.memory_space<semaphore_mem>>, %arg17: memref<!tpu.dma_semaphore, #tpu.memory_space<semaphore_mem>>, %arg18: memref<!tpu.dma_semaphore, #tpu.memory_space<semaphore_mem>>, %arg19: memref<!tpu.dma_semaphore, #tpu.memory_space<semaphore_mem>>) attributes {dimension_semantics = [#tpu.dimension_semantics<core_parallel>, #tpu.dimension_semantics<subcore_parallel>], iteration_bounds = array<i64: 2, 16>, scalar_prefetch = 0 : i64, scratch_operands = 13 : i64, tpu.core_type = #tpu.core_type<sc_vector_subcore>, window_params = [{transform_indices = #map}, {transform_indices = #map}, {transform_indices = #map}, {transform_indices = #map}, {transform_indices = #map}]} {
    %mul3A = arith.constant 2 : i32
    %mul3A_0 = arith.muli %arg1, %mul3A : i32
    %add3A = arith.addi %mul3A_0, %arg0 : i32
    %jit3A = arith.constant 4 : i32
    %div3A = arith.divsi %add3A, %jit3A : i32
    %sign3A = arith.constant 0 : i32
    %sign3A_1 = arith.cmpi sgt, %add3A, %sign3A : i32
    %sign3A_2 = arith.extui %sign3A_1 : i1 to i32
    %sign3A_3 = arith.constant 0 : i32
    %sign3A_4 = arith.cmpi slt, %add3A, %sign3A_3 : i32
    %sign3A_5 = arith.extui %sign3A_4 : i1 to i32
    %sign3A_6 = arith.subi %sign3A_2, %sign3A_5 : i32
    %sign3A_7 = arith.constant 0 : i32
    %sign3A_8 = arith.cmpi sgt, %jit3A, %sign3A_7 : i32
    %sign3A_9 = arith.extui %sign3A_8 : i1 to i32
    %sign3A_10 = arith.constant 0 : i32
    %sign3A_11 = arith.cmpi slt, %jit3A, %sign3A_10 : i32
    %sign3A_12 = arith.extui %sign3A_11 : i1 to i32
    %sign3A_13 = arith.subi %sign3A_9, %sign3A_12 : i32
    %ne3A = arith.cmpi ne, %sign3A_6, %sign3A_13 : i32
    %rem3A = arith.remsi %add3A, %jit3A : i32
    %ne3A_14 = arith.constant 0 : i32
    %ne3A_15 = arith.cmpi ne, %rem3A, %ne3A_14 : i32
    %and3A = arith.andi %ne3A, %ne3A_15 : i1
    %sub3A = arith.constant 1 : i32
    %sub3A_16 = arith.subi %div3A, %sub3A : i32
    %select_n3A = arith.select %and3A, %sub3A_16, %div3A : i32
    %jit3A_17 = arith.constant 4 : i32
    %eq3A = arith.constant 0 : i32
    %eq3A_18 = arith.cmpi eq, %jit3A_17, %eq3A : i32
    %jit3A_19 = arith.constant 1 : i32
    %select_n3A_20 = arith.select %eq3A_18, %jit3A_19, %jit3A_17 : i32
    %rem3A_21 = arith.remsi %add3A, %select_n3A_20 : i32
    %ne3A_22 = arith.constant 0 : i32
    %ne3A_23 = arith.cmpi ne, %rem3A_21, %ne3A_22 : i32
    %lt3A = arith.constant 0 : i32
    %lt3A_24 = arith.cmpi slt, %rem3A_21, %lt3A : i32
    %lt3A_25 = arith.constant 0 : i32
    %lt3A_26 = arith.cmpi slt, %select_n3A_20, %lt3A_25 : i32
    %ne3A_27 = arith.xori %lt3A_24, %lt3A_26 : i1
    %and3A_28 = arith.andi %ne3A_27, %ne3A_23 : i1
    %add3A_29 = arith.addi %rem3A_21, %select_n3A_20 : i32
    %select_n3A_30 = arith.select %and3A_28, %add3A_29, %rem3A_21 : i32
    %mul3A_31 = arith.constant 512 : i32
    %mul3A_32 = arith.muli %select_n3A_30, %mul3A_31 : i32
    %mul3A_33 = arith.constant 2048 : i32
    %mul3A_34 = arith.muli %select_n3A, %mul3A_33 : i32
    %mul3A_35 = arith.constant 3 : i32
    %mul3A_36 = arith.muli %mul3A_34, %mul3A_35 : i32
    "tpu.region"() ({
      %run_scoped3A = tpu.sem_alloc : memref<!tpu.dma_semaphore, #tpu.memory_space<semaphore_mem>>
      %dma_start3A_197 = tpu.memref_slice %arg2[%mul3A_36] : memref<49152xf32, #tpu.memory_space<hbm>> -> memref<6144xf32, #tpu.memory_space<hbm>>
      %dma_start3A_198 = tpu.memref_slice %arg2[%mul3A_36] : memref<49152xf32, #tpu.memory_space<hbm>> -> memref<6144xf32, #tpu.memory_space<hbm>>
      tpu.enqueue_dma source(%dma_start3A_198 : memref<6144xf32, #tpu.memory_space<hbm>>) target(%arg7 : memref<6144xf32, #tpu.memory_space<vmem>>) target_semaphore(%run_scoped3A : memref<!tpu.dma_semaphore, #tpu.memory_space<semaphore_mem>>)
      %dma_wait3A_199 = tpu.memref_slice %arg2[%mul3A_36] : memref<49152xf32, #tpu.memory_space<hbm>> -> memref<6144xf32, #tpu.memory_space<hbm>>
      %dma_wait3A_200 = tpu.memref_slice %arg2[%mul3A_36] : memref<49152xf32, #tpu.memory_space<hbm>> -> memref<6144xf32, #tpu.memory_space<hbm>>
      tpu.wait_dma2 semaphore(%run_scoped3A : memref<!tpu.dma_semaphore, #tpu.memory_space<semaphore_mem>>) src(%dma_wait3A_200 : memref<6144xf32, #tpu.memory_space<hbm>>) dst(%arg7 : memref<6144xf32, #tpu.memory_space<vmem>>)
      tpu.yield
    }) : () -> ()
    %mul3A_37 = arith.constant 2048 : i32
    %mul3A_38 = arith.muli %select_n3A, %mul3A_37 : i32
    %add3A_39 = arith.addi %mul3A_38, %mul3A_32 : i32
    %mul3A_40 = arith.constant 64 : i32
    %mul3A_41 = arith.muli %add3A_39, %mul3A_40 : i32
    %iota3A = tpu.iota {dimensions = array<i32: 0>} : vector<16xi32>
    %mul3A_42 = arith.constant 4 : i32
    %mul3A_43 = vector.broadcast %mul3A_42 : i32 to vector<16xi32>
    %mul3A_44 = arith.muli %iota3A, %mul3A_43 : vector<16xi32>
    %mul3A_45 = arith.constant 12 : i32
    %mul3A_46 = vector.broadcast %mul3A_45 : i32 to vector<16xi32>
    %mul3A_47 = arith.muli %iota3A, %mul3A_46 : vector<16xi32>
    %add3A_48 = arith.constant 0 : i32
    %add3A_49 = arith.addi %mul3A_41, %add3A_48 : i32
    %dma_start3A = tpu.memref_slice %arg3[%add3A_49] : memref<1048576xi32, #tpu.memory_space<hbm>> -> memref<8192xi32, #tpu.memory_space<hbm>>
    %dma_start3A_50 = tpu.memref_slice %arg3[%add3A_49] : memref<1048576xi32, #tpu.memory_space<hbm>> -> memref<8192xi32, #tpu.memory_space<hbm>>
    tpu.enqueue_dma source(%dma_start3A_50 : memref<8192xi32, #tpu.memory_space<hbm>>) target(%arg8 : memref<8192xi32, #tpu.memory_space<vmem>>) target_semaphore(%arg16 : memref<!tpu.dma_semaphore, #tpu.memory_space<semaphore_mem>>)
    %dma_start3A_51 = tpu.memref_slice %arg4[%add3A_49] : memref<1048576xi32, #tpu.memory_space<hbm>> -> memref<8192xi32, #tpu.memory_space<hbm>>
    %dma_start3A_52 = tpu.memref_slice %arg4[%add3A_49] : memref<1048576xi32, #tpu.memory_space<hbm>> -> memref<8192xi32, #tpu.memory_space<hbm>>
    tpu.enqueue_dma source(%dma_start3A_52 : memref<8192xi32, #tpu.memory_space<hbm>>) target(%arg10 : memref<8192xi32, #tpu.memory_space<vmem>>) target_semaphore(%arg16 : memref<!tpu.dma_semaphore, #tpu.memory_space<semaphore_mem>>)
    %add3A_53 = arith.constant 8192 : i32
    %add3A_54 = arith.addi %mul3A_41, %add3A_53 : i32
    %dma_start3A_55 = tpu.memref_slice %arg3[%add3A_54] : memref<1048576xi32, #tpu.memory_space<hbm>> -> memref<8192xi32, #tpu.memory_space<hbm>>
    %dma_start3A_56 = tpu.memref_slice %arg3[%add3A_54] : memref<1048576xi32, #tpu.memory_space<hbm>> -> memref<8192xi32, #tpu.memory_space<hbm>>
    tpu.enqueue_dma source(%dma_start3A_56 : memref<8192xi32, #tpu.memory_space<hbm>>) target(%arg9 : memref<8192xi32, #tpu.memory_space<vmem>>) target_semaphore(%arg17 : memref<!tpu.dma_semaphore, #tpu.memory_space<semaphore_mem>>)
    %dma_start3A_57 = tpu.memref_slice %arg4[%add3A_54] : memref<1048576xi32, #tpu.memory_space<hbm>> -> memref<8192xi32, #tpu.memory_space<hbm>>
    %dma_start3A_58 = tpu.memref_slice %arg4[%add3A_54] : memref<1048576xi32, #tpu.memory_space<hbm>> -> memref<8192xi32, #tpu.memory_space<hbm>>
    tpu.enqueue_dma source(%dma_start3A_58 : memref<8192xi32, #tpu.memory_space<hbm>>) target(%arg11 : memref<8192xi32, #tpu.memory_space<vmem>>) target_semaphore(%arg17 : memref<!tpu.dma_semaphore, #tpu.memory_space<semaphore_mem>>)
    %dma_wait3A = arith.constant 0 : i32
    %dma_wait3A_59 = tpu.memref_slice %arg3[%dma_wait3A] : memref<1048576xi32, #tpu.memory_space<hbm>> -> memref<8192xi32, #tpu.memory_space<hbm>>
    %dma_wait3A_60 = arith.constant 0 : i32
    %dma_wait3A_61 = tpu.memref_slice %arg3[%dma_wait3A_60] : memref<1048576xi32, #tpu.memory_space<hbm>> -> memref<8192xi32, #tpu.memory_space<hbm>>
    tpu.wait_dma2 semaphore(%arg16 : memref<!tpu.dma_semaphore, #tpu.memory_space<semaphore_mem>>) src(%dma_wait3A_61 : memref<8192xi32, #tpu.memory_space<hbm>>) dst(%arg8 : memref<8192xi32, #tpu.memory_space<vmem>>)
    %dma_wait3A_62 = arith.constant 0 : i32
    %dma_wait3A_63 = tpu.memref_slice %arg4[%dma_wait3A_62] : memref<1048576xi32, #tpu.memory_space<hbm>> -> memref<8192xi32, #tpu.memory_space<hbm>>
    %dma_wait3A_64 = arith.constant 0 : i32
    %dma_wait3A_65 = tpu.memref_slice %arg4[%dma_wait3A_64] : memref<1048576xi32, #tpu.memory_space<hbm>> -> memref<8192xi32, #tpu.memory_space<hbm>>
    tpu.wait_dma2 semaphore(%arg16 : memref<!tpu.dma_semaphore, #tpu.memory_space<semaphore_mem>>) src(%dma_wait3A_65 : memref<8192xi32, #tpu.memory_space<hbm>>) dst(%arg10 : memref<8192xi32, #tpu.memory_space<vmem>>)
    %add3A_66 = arith.constant 0 : i32
    %add3A_67 = arith.addi %mul3A_32, %add3A_66 : i32
    %scan3A = arith.constant 0 : i32
    %scan3A_68 = arith.constant 0 : i32
    %scan3A_69 = arith.constant 128 : i32
    %scan3A_70 = arith.addi %scan3A_68, %scan3A_69 : i32
    %scan3A_71 = arith.constant 1 : i32
    scf.for %scan3A_197 = %scan3A_68 to %scan3A_70 step %scan3A_71  : i32 {
      %mul3A_198 = arith.constant 64 : i32
      %mul3A_199 = arith.muli %scan3A_197, %mul3A_198 : i32
      %add3A_200 = arith.addi %add3A_67, %scan3A_197 : i32
      %mul3A_201 = arith.constant 3 : i32
      %mul3A_202 = arith.muli %add3A_200, %mul3A_201 : i32
      %broadcast_in_dim3A = vector.broadcast %mul3A_202 : i32 to vector<16xi32>
      %gather3A = tpu.vector_load_idx %arg7[%broadcast_in_dim3A] : memref<6144xf32, #tpu.memory_space<vmem>>[vector<16xi32>], vector<16xf32>,
      %add3A_203 = arith.constant 1 : i32
      %add3A_204 = vector.broadcast %add3A_203 : i32 to vector<16xi32>
      %add3A_205 = arith.addi %broadcast_in_dim3A, %add3A_204 : vector<16xi32>
      %gather3A_206 = tpu.vector_load_idx %arg7[%add3A_205] : memref<6144xf32, #tpu.memory_space<vmem>>[vector<16xi32>], vector<16xf32>,
      %add3A_207 = arith.constant 2 : i32
      %add3A_208 = vector.broadcast %add3A_207 : i32 to vector<16xi32>
      %add3A_209 = arith.addi %broadcast_in_dim3A, %add3A_208 : vector<16xi32>
      %gather3A_210 = tpu.vector_load_idx %arg7[%add3A_209] : memref<6144xf32, #tpu.memory_space<vmem>>[vector<16xi32>], vector<16xf32>,
      %add3A_211 = arith.constant 0 : i32
      %add3A_212 = arith.addi %mul3A_199, %add3A_211 : i32
      %add3A_213 = vector.broadcast %add3A_212 : i32 to vector<16xi32>
      %add3A_214 = arith.addi %mul3A_44, %add3A_213 : vector<16xi32>
      %add3A_215 = arith.constant 1 : i32
      %add3A_216 = arith.addi %mul3A_199, %add3A_215 : i32
      %add3A_217 = vector.broadcast %add3A_216 : i32 to vector<16xi32>
      %add3A_218 = arith.addi %mul3A_44, %add3A_217 : vector<16xi32>
      %add3A_219 = arith.constant 2 : i32
      %add3A_220 = arith.addi %mul3A_199, %add3A_219 : i32
      %add3A_221 = vector.broadcast %add3A_220 : i32 to vector<16xi32>
      %add3A_222 = arith.addi %mul3A_44, %add3A_221 : vector<16xi32>
      %add3A_223 = arith.constant 3 : i32
      %add3A_224 = arith.addi %mul3A_199, %add3A_223 : i32
      %add3A_225 = vector.broadcast %add3A_224 : i32 to vector<16xi32>
      %add3A_226 = arith.addi %mul3A_44, %add3A_225 : vector<16xi32>
      %gather3A_227 = tpu.vector_load_idx %arg10[%add3A_214] : memref<8192xi32, #tpu.memory_space<vmem>>[vector<16xi32>], vector<16xi32>,
      %gather3A_228 = tpu.vector_load_idx %arg10[%add3A_218] : memref<8192xi32, #tpu.memory_space<vmem>>[vector<16xi32>], vector<16xi32>,
      %gather3A_229 = tpu.vector_load_idx %arg10[%add3A_222] : memref<8192xi32, #tpu.memory_space<vmem>>[vector<16xi32>], vector<16xi32>,
      %gather3A_230 = tpu.vector_load_idx %arg10[%add3A_226] : memref<8192xi32, #tpu.memory_space<vmem>>[vector<16xi32>], vector<16xi32>,
      %gather3A_231 = tpu.vector_load_idx %arg8[%add3A_214] : memref<8192xi32, #tpu.memory_space<vmem>>[vector<16xi32>], vector<16xi32>,
      %gather3A_232 = tpu.vector_load_idx %arg8[%add3A_218] : memref<8192xi32, #tpu.memory_space<vmem>>[vector<16xi32>], vector<16xi32>,
      %gather3A_233 = tpu.vector_load_idx %arg8[%add3A_222] : memref<8192xi32, #tpu.memory_space<vmem>>[vector<16xi32>], vector<16xi32>,
      %gather3A_234 = tpu.vector_load_idx %arg8[%add3A_226] : memref<8192xi32, #tpu.memory_space<vmem>>[vector<16xi32>], vector<16xi32>,
      %mul3A_235 = arith.constant 3 : i32
      %mul3A_236 = vector.broadcast %mul3A_235 : i32 to vector<16xi32>
      %mul3A_237 = arith.muli %gather3A_231, %mul3A_236 : vector<16xi32>
      %mul3A_238 = arith.constant 3 : i32
      %mul3A_239 = vector.broadcast %mul3A_238 : i32 to vector<16xi32>
      %mul3A_240 = arith.muli %gather3A_232, %mul3A_239 : vector<16xi32>
      %mul3A_241 = arith.constant 3 : i32
      %mul3A_242 = vector.broadcast %mul3A_241 : i32 to vector<16xi32>
      %mul3A_243 = arith.muli %gather3A_233, %mul3A_242 : vector<16xi32>
      %mul3A_244 = arith.constant 3 : i32
      %mul3A_245 = vector.broadcast %mul3A_244 : i32 to vector<16xi32>
      %mul3A_246 = arith.muli %gather3A_234, %mul3A_245 : vector<16xi32>
      %gather3A_247 = tpu.vector_load_idx %arg7[%mul3A_237] : memref<6144xf32, #tpu.memory_space<vmem>>[vector<16xi32>], vector<16xf32>,
      %gather3A_248 = tpu.vector_load_idx %arg7[%mul3A_240] : memref<6144xf32, #tpu.memory_space<vmem>>[vector<16xi32>], vector<16xf32>,
      %gather3A_249 = tpu.vector_load_idx %arg7[%mul3A_243] : memref<6144xf32, #tpu.memory_space<vmem>>[vector<16xi32>], vector<16xf32>,
      %gather3A_250 = tpu.vector_load_idx %arg7[%mul3A_246] : memref<6144xf32, #tpu.memory_space<vmem>>[vector<16xi32>], vector<16xf32>,
      %add3A_251 = arith.constant 1 : i32
      %add3A_252 = vector.broadcast %add3A_251 : i32 to vector<16xi32>
      %add3A_253 = arith.addi %mul3A_237, %add3A_252 : vector<16xi32>
      %gather3A_254 = tpu.vector_load_idx %arg7[%add3A_253] : memref<6144xf32, #tpu.memory_space<vmem>>[vector<16xi32>], vector<16xf32>,
      %add3A_255 = arith.constant 1 : i32
      %add3A_256 = vector.broadcast %add3A_255 : i32 to vector<16xi32>
      %add3A_257 = arith.addi %mul3A_240, %add3A_256 : vector<16xi32>
      %gather3A_258 = tpu.vector_load_idx %arg7[%add3A_257] : memref<6144xf32, #tpu.memory_space<vmem>>[vector<16xi32>], vector<16xf32>,
      %add3A_259 = arith.constant 1 : i32
      %add3A_260 = vector.broadcast %add3A_259 : i32 to vector<16xi32>
      %add3A_261 = arith.addi %mul3A_243, %add3A_260 : vector<16xi32>
      %gather3A_262 = tpu.vector_load_idx %arg7[%add3A_261] : memref<6144xf32, #tpu.memory_space<vmem>>[vector<16xi32>], vector<16xf32>,
      %add3A_263 = arith.constant 1 : i32
      %add3A_264 = vector.broadcast %add3A_263 : i32 to vector<16xi32>
      %add3A_265 = arith.addi %mul3A_246, %add3A_264 : vector<16xi32>
      %gather3A_266 = tpu.vector_load_idx %arg7[%add3A_265] : memref<6144xf32, #tpu.memory_space<vmem>>[vector<16xi32>], vector<16xf32>,
      %add3A_267 = arith.constant 2 : i32
      %add3A_268 = vector.broadcast %add3A_267 : i32 to vector<16xi32>
      %add3A_269 = arith.addi %mul3A_237, %add3A_268 : vector<16xi32>
      %gather3A_270 = tpu.vector_load_idx %arg7[%add3A_269] : memref<6144xf32, #tpu.memory_space<vmem>>[vector<16xi32>], vector<16xf32>,
      %add3A_271 = arith.constant 2 : i32
      %add3A_272 = vector.broadcast %add3A_271 : i32 to vector<16xi32>
      %add3A_273 = arith.addi %mul3A_240, %add3A_272 : vector<16xi32>
      %gather3A_274 = tpu.vector_load_idx %arg7[%add3A_273] : memref<6144xf32, #tpu.memory_space<vmem>>[vector<16xi32>], vector<16xf32>,
      %add3A_275 = arith.constant 2 : i32
      %add3A_276 = vector.broadcast %add3A_275 : i32 to vector<16xi32>
      %add3A_277 = arith.addi %mul3A_243, %add3A_276 : vector<16xi32>
      %gather3A_278 = tpu.vector_load_idx %arg7[%add3A_277] : memref<6144xf32, #tpu.memory_space<vmem>>[vector<16xi32>], vector<16xf32>,
      %add3A_279 = arith.constant 2 : i32
      %add3A_280 = vector.broadcast %add3A_279 : i32 to vector<16xi32>
      %add3A_281 = arith.addi %mul3A_246, %add3A_280 : vector<16xi32>
      %gather3A_282 = tpu.vector_load_idx %arg7[%add3A_281] : memref<6144xf32, #tpu.memory_space<vmem>>[vector<16xi32>], vector<16xf32>,
      %sub3A_283 = arith.subf %gather3A_247, %gather3A : vector<16xf32>
      %sub3A_284 = arith.subf %gather3A_248, %gather3A : vector<16xf32>
      %sub3A_285 = arith.subf %gather3A_249, %gather3A : vector<16xf32>
      %sub3A_286 = arith.subf %gather3A_250, %gather3A : vector<16xf32>
      %sub3A_287 = arith.subf %gather3A_254, %gather3A_206 : vector<16xf32>
      %sub3A_288 = arith.subf %gather3A_258, %gather3A_206 : vector<16xf32>
      %sub3A_289 = arith.subf %gather3A_262, %gather3A_206 : vector<16xf32>
      %sub3A_290 = arith.subf %gather3A_266, %gather3A_206 : vector<16xf32>
      %sub3A_291 = arith.subf %gather3A_270, %gather3A_210 : vector<16xf32>
      %sub3A_292 = arith.subf %gather3A_274, %gather3A_210 : vector<16xf32>
      %sub3A_293 = arith.subf %gather3A_278, %gather3A_210 : vector<16xf32>
      %sub3A_294 = arith.subf %gather3A_282, %gather3A_210 : vector<16xf32>
      %mul3A_295 = arith.mulf %sub3A_283, %sub3A_283 : vector<16xf32>
      %mul3A_296 = arith.mulf %sub3A_287, %sub3A_287 : vector<16xf32>
      %add3A_297 = arith.addf %mul3A_295, %mul3A_296 : vector<16xf32>
      %mul3A_298 = arith.mulf %sub3A_291, %sub3A_291 : vector<16xf32>
      %add3A_299 = arith.addf %add3A_297, %mul3A_298 : vector<16xf32>
      %mul3A_300 = arith.mulf %sub3A_284, %sub3A_284 : vector<16xf32>
      %mul3A_301 = arith.mulf %sub3A_288, %sub3A_288 : vector<16xf32>
      %add3A_302 = arith.addf %mul3A_300, %mul3A_301 : vector<16xf32>
      %mul3A_303 = arith.mulf %sub3A_292, %sub3A_292 : vector<16xf32>
      %add3A_304 = arith.addf %add3A_302, %mul3A_303 : vector<16xf32>
      %mul3A_305 = arith.mulf %sub3A_285, %sub3A_285 : vector<16xf32>
      %mul3A_306 = arith.mulf %sub3A_289, %sub3A_289 : vector<16xf32>
      %add3A_307 = arith.addf %mul3A_305, %mul3A_306 : vector<16xf32>
      %mul3A_308 = arith.mulf %sub3A_293, %sub3A_293 : vector<16xf32>
      %add3A_309 = arith.addf %add3A_307, %mul3A_308 : vector<16xf32>
      %mul3A_310 = arith.mulf %sub3A_286, %sub3A_286 : vector<16xf32>
      %mul3A_311 = arith.mulf %sub3A_290, %sub3A_290 : vector<16xf32>
      %add3A_312 = arith.addf %mul3A_310, %mul3A_311 : vector<16xf32>
      %mul3A_313 = arith.mulf %sub3A_294, %sub3A_294 : vector<16xf32>
      %add3A_314 = arith.addf %add3A_312, %mul3A_313 : vector<16xf32>
      %bitcast3A = vector.bitcast %add3A_299 : vector<16xf32> to vector<16xi32>
      %shift_right_logical3A = arith.constant 1 : i32
      %shift_right_logical3A_315 = vector.broadcast %shift_right_logical3A : i32 to vector<16xi32>
      %shift_right_logical3A_316 = arith.shrui %bitcast3A, %shift_right_logical3A_315 : vector<16xi32>
      %sub3A_317 = arith.constant 1597463007 : i32
      %sub3A_318 = vector.broadcast %sub3A_317 : i32 to vector<16xi32>
      %sub3A_319 = arith.subi %sub3A_318, %shift_right_logical3A_316 : vector<16xi32>
      %bitcast3A_320 = vector.bitcast %add3A_304 : vector<16xf32> to vector<16xi32>
      %shift_right_logical3A_321 = arith.constant 1 : i32
      %shift_right_logical3A_322 = vector.broadcast %shift_right_logical3A_321 : i32 to vector<16xi32>
      %shift_right_logical3A_323 = arith.shrui %bitcast3A_320, %shift_right_logical3A_322 : vector<16xi32>
      %sub3A_324 = arith.constant 1597463007 : i32
      %sub3A_325 = vector.broadcast %sub3A_324 : i32 to vector<16xi32>
      %sub3A_326 = arith.subi %sub3A_325, %shift_right_logical3A_323 : vector<16xi32>
      %bitcast3A_327 = vector.bitcast %add3A_309 : vector<16xf32> to vector<16xi32>
      %shift_right_logical3A_328 = arith.constant 1 : i32
      %shift_right_logical3A_329 = vector.broadcast %shift_right_logical3A_328 : i32 to vector<16xi32>
      %shift_right_logical3A_330 = arith.shrui %bitcast3A_327, %shift_right_logical3A_329 : vector<16xi32>
      %sub3A_331 = arith.constant 1597463007 : i32
      %sub3A_332 = vector.broadcast %sub3A_331 : i32 to vector<16xi32>
      %sub3A_333 = arith.subi %sub3A_332, %shift_right_logical3A_330 : vector<16xi32>
      %bitcast3A_334 = vector.bitcast %add3A_314 : vector<16xf32> to vector<16xi32>
      %shift_right_logical3A_335 = arith.constant 1 : i32
      %shift_right_logical3A_336 = vector.broadcast %shift_right_logical3A_335 : i32 to vector<16xi32>
      %shift_right_logical3A_337 = arith.shrui %bitcast3A_334, %shift_right_logical3A_336 : vector<16xi32>
      %sub3A_338 = arith.constant 1597463007 : i32
      %sub3A_339 = vector.broadcast %sub3A_338 : i32 to vector<16xi32>
      %sub3A_340 = arith.subi %sub3A_339, %shift_right_logical3A_337 : vector<16xi32>
      %bitcast3A_341 = vector.bitcast %sub3A_319 : vector<16xi32> to vector<16xf32>
      %bitcast3A_342 = vector.bitcast %sub3A_326 : vector<16xi32> to vector<16xf32>
      %bitcast3A_343 = vector.bitcast %sub3A_333 : vector<16xi32> to vector<16xf32>
      %bitcast3A_344 = vector.bitcast %sub3A_340 : vector<16xi32> to vector<16xf32>
      %mul3A_345 = arith.constant 5.000000e-01 : f32
      %mul3A_346 = vector.broadcast %mul3A_345 : f32 to vector<16xf32>
      %mul3A_347 = arith.mulf %add3A_299, %mul3A_346 : vector<16xf32>
      %mul3A_348 = arith.constant 5.000000e-01 : f32
      %mul3A_349 = vector.broadcast %mul3A_348 : f32 to vector<16xf32>
      %mul3A_350 = arith.mulf %add3A_304, %mul3A_349 : vector<16xf32>
      %mul3A_351 = arith.constant 5.000000e-01 : f32
      %mul3A_352 = vector.broadcast %mul3A_351 : f32 to vector<16xf32>
      %mul3A_353 = arith.mulf %add3A_309, %mul3A_352 : vector<16xf32>
      %mul3A_354 = arith.constant 5.000000e-01 : f32
      %mul3A_355 = vector.broadcast %mul3A_354 : f32 to vector<16xf32>
      %mul3A_356 = arith.mulf %add3A_314, %mul3A_355 : vector<16xf32>
      %mul3A_357 = arith.mulf %mul3A_347, %bitcast3A_341 : vector<16xf32>
      %mul3A_358 = arith.mulf %mul3A_357, %bitcast3A_341 : vector<16xf32>
      %sub3A_359 = arith.constant 1.500000e+00 : f32
      %sub3A_360 = vector.broadcast %sub3A_359 : f32 to vector<16xf32>
      %sub3A_361 = arith.subf %sub3A_360, %mul3A_358 : vector<16xf32>
      %mul3A_362 = arith.mulf %bitcast3A_341, %sub3A_361 : vector<16xf32>
      %mul3A_363 = arith.mulf %mul3A_350, %bitcast3A_342 : vector<16xf32>
      %mul3A_364 = arith.mulf %mul3A_363, %bitcast3A_342 : vector<16xf32>
      %sub3A_365 = arith.constant 1.500000e+00 : f32
      %sub3A_366 = vector.broadcast %sub3A_365 : f32 to vector<16xf32>
      %sub3A_367 = arith.subf %sub3A_366, %mul3A_364 : vector<16xf32>
      %mul3A_368 = arith.mulf %bitcast3A_342, %sub3A_367 : vector<16xf32>
      %mul3A_369 = arith.mulf %mul3A_353, %bitcast3A_343 : vector<16xf32>
      %mul3A_370 = arith.mulf %mul3A_369, %bitcast3A_343 : vector<16xf32>
      %sub3A_371 = arith.constant 1.500000e+00 : f32
      %sub3A_372 = vector.broadcast %sub3A_371 : f32 to vector<16xf32>
      %sub3A_373 = arith.subf %sub3A_372, %mul3A_370 : vector<16xf32>
      %mul3A_374 = arith.mulf %bitcast3A_343, %sub3A_373 : vector<16xf32>
      %mul3A_375 = arith.mulf %mul3A_356, %bitcast3A_344 : vector<16xf32>
      %mul3A_376 = arith.mulf %mul3A_375, %bitcast3A_344 : vector<16xf32>
      %sub3A_377 = arith.constant 1.500000e+00 : f32
      %sub3A_378 = vector.broadcast %sub3A_377 : f32 to vector<16xf32>
      %sub3A_379 = arith.subf %sub3A_378, %mul3A_376 : vector<16xf32>
      %mul3A_380 = arith.mulf %bitcast3A_344, %sub3A_379 : vector<16xf32>
      %mul3A_381 = arith.mulf %mul3A_347, %mul3A_362 : vector<16xf32>
      %mul3A_382 = arith.mulf %mul3A_381, %mul3A_362 : vector<16xf32>
      %sub3A_383 = arith.constant 1.500000e+00 : f32
      %sub3A_384 = vector.broadcast %sub3A_383 : f32 to vector<16xf32>
      %sub3A_385 = arith.subf %sub3A_384, %mul3A_382 : vector<16xf32>
      %mul3A_386 = arith.mulf %mul3A_362, %sub3A_385 : vector<16xf32>
      %mul3A_387 = arith.mulf %mul3A_350, %mul3A_368 : vector<16xf32>
      %mul3A_388 = arith.mulf %mul3A_387, %mul3A_368 : vector<16xf32>
      %sub3A_389 = arith.constant 1.500000e+00 : f32
      %sub3A_390 = vector.broadcast %sub3A_389 : f32 to vector<16xf32>
      %sub3A_391 = arith.subf %sub3A_390, %mul3A_388 : vector<16xf32>
      %mul3A_392 = arith.mulf %mul3A_368, %sub3A_391 : vector<16xf32>
      %mul3A_393 = arith.mulf %mul3A_353, %mul3A_374 : vector<16xf32>
      %mul3A_394 = arith.mulf %mul3A_393, %mul3A_374 : vector<16xf32>
      %sub3A_395 = arith.constant 1.500000e+00 : f32
      %sub3A_396 = vector.broadcast %sub3A_395 : f32 to vector<16xf32>
      %sub3A_397 = arith.subf %sub3A_396, %mul3A_394 : vector<16xf32>
      %mul3A_398 = arith.mulf %mul3A_374, %sub3A_397 : vector<16xf32>
      %mul3A_399 = arith.mulf %mul3A_356, %mul3A_380 : vector<16xf32>
      %mul3A_400 = arith.mulf %mul3A_399, %mul3A_380 : vector<16xf32>
      %sub3A_401 = arith.constant 1.500000e+00 : f32
      %sub3A_402 = vector.broadcast %sub3A_401 : f32 to vector<16xf32>
      %sub3A_403 = arith.subf %sub3A_402, %mul3A_400 : vector<16xf32>
      %mul3A_404 = arith.mulf %mul3A_380, %sub3A_403 : vector<16xf32>
      %mul3A_405 = arith.mulf %add3A_299, %mul3A_386 : vector<16xf32>
      %mul3A_406 = arith.mulf %add3A_304, %mul3A_392 : vector<16xf32>
      %mul3A_407 = arith.mulf %add3A_309, %mul3A_398 : vector<16xf32>
      %mul3A_408 = arith.mulf %add3A_314, %mul3A_404 : vector<16xf32>
      %gt3A = arith.constant 0.000000e+00 : f32
      %gt3A_409 = vector.broadcast %gt3A : f32 to vector<16xf32>
      %gt3A_410 = arith.cmpf ogt, %add3A_299, %gt3A_409 : vector<16xf32>
      %jit3A_411 = arith.constant 0.000000e+00 : f32
      %broadcast_in_dim3A_412 = vector.broadcast %jit3A_411 : f32 to vector<16xf32>
      %select_n3A_413 = arith.select %gt3A_410, %mul3A_405, %broadcast_in_dim3A_412 : vector<16xi1>, vector<16xf32>
      %gt3A_414 = arith.constant 0.000000e+00 : f32
      %gt3A_415 = vector.broadcast %gt3A_414 : f32 to vector<16xf32>
      %gt3A_416 = arith.cmpf ogt, %add3A_304, %gt3A_415 : vector<16xf32>
      %jit3A_417 = arith.constant 0.000000e+00 : f32
      %broadcast_in_dim3A_418 = vector.broadcast %jit3A_417 : f32 to vector<16xf32>
      %select_n3A_419 = arith.select %gt3A_416, %mul3A_406, %broadcast_in_dim3A_418 : vector<16xi1>, vector<16xf32>
      %gt3A_420 = arith.constant 0.000000e+00 : f32
      %gt3A_421 = vector.broadcast %gt3A_420 : f32 to vector<16xf32>
      %gt3A_422 = arith.cmpf ogt, %add3A_309, %gt3A_421 : vector<16xf32>
      %jit3A_423 = arith.constant 0.000000e+00 : f32
      %broadcast_in_dim3A_424 = vector.broadcast %jit3A_423 : f32 to vector<16xf32>
      %select_n3A_425 = arith.select %gt3A_422, %mul3A_407, %broadcast_in_dim3A_424 : vector<16xi1>, vector<16xf32>
      %gt3A_426 = arith.constant 0.000000e+00 : f32
      %gt3A_427 = vector.broadcast %gt3A_426 : f32 to vector<16xf32>
      %gt3A_428 = arith.cmpf ogt, %add3A_314, %gt3A_427 : vector<16xf32>
      %jit3A_429 = arith.constant 0.000000e+00 : f32
      %broadcast_in_dim3A_430 = vector.broadcast %jit3A_429 : f32 to vector<16xf32>
      %select_n3A_431 = arith.select %gt3A_428, %mul3A_408, %broadcast_in_dim3A_430 : vector<16xi1>, vector<16xf32>
      %ne3A_432 = arith.constant 0 : i32
      %ne3A_433 = vector.broadcast %ne3A_432 : i32 to vector<16xi32>
      %ne3A_434 = arith.cmpi ne, %gather3A_227, %ne3A_433 : vector<16xi32>
      %ne3A_435 = arith.constant 0 : i32
      %ne3A_436 = vector.broadcast %ne3A_435 : i32 to vector<16xi32>
      %ne3A_437 = arith.cmpi ne, %gather3A_228, %ne3A_436 : vector<16xi32>
      %ne3A_438 = arith.constant 0 : i32
      %ne3A_439 = vector.broadcast %ne3A_438 : i32 to vector<16xi32>
      %ne3A_440 = arith.cmpi ne, %gather3A_229, %ne3A_439 : vector<16xi32>
      %ne3A_441 = arith.constant 0 : i32
      %ne3A_442 = vector.broadcast %ne3A_441 : i32 to vector<16xi32>
      %ne3A_443 = arith.cmpi ne, %gather3A_230, %ne3A_442 : vector<16xi32>
      %jit3A_444 = arith.constant 0.000000e+00 : f32
      %broadcast_in_dim3A_445 = vector.broadcast %jit3A_444 : f32 to vector<16xf32>
      %select_n3A_446 = arith.select %ne3A_434, %select_n3A_413, %broadcast_in_dim3A_445 : vector<16xi1>, vector<16xf32>
      tpu.vector_store_idx %arg12[%add3A_214], %select_n3A_446 : memref<8192xf32, #tpu.memory_space<vmem>>[vector<16xi32>], vector<16xf32>,
      %jit3A_447 = arith.constant 0.000000e+00 : f32
      %broadcast_in_dim3A_448 = vector.broadcast %jit3A_447 : f32 to vector<16xf32>
      %select_n3A_449 = arith.select %ne3A_437, %select_n3A_419, %broadcast_in_dim3A_448 : vector<16xi1>, vector<16xf32>
      tpu.vector_store_idx %arg12[%add3A_218], %select_n3A_449 : memref<8192xf32, #tpu.memory_space<vmem>>[vector<16xi32>], vector<16xf32>,
      %jit3A_450 = arith.constant 0.000000e+00 : f32
      %broadcast_in_dim3A_451 = vector.broadcast %jit3A_450 : f32 to vector<16xf32>
      %select_n3A_452 = arith.select %ne3A_440, %select_n3A_425, %broadcast_in_dim3A_451 : vector<16xi1>, vector<16xf32>
      tpu.vector_store_idx %arg12[%add3A_222], %select_n3A_452 : memref<8192xf32, #tpu.memory_space<vmem>>[vector<16xi32>], vector<16xf32>,
      %jit3A_453 = arith.constant 0.000000e+00 : f32
      %broadcast_in_dim3A_454 = vector.broadcast %jit3A_453 : f32 to vector<16xf32>
      %select_n3A_455 = arith.select %ne3A_443, %select_n3A_431, %broadcast_in_dim3A_454 : vector<16xi1>, vector<16xf32>
      tpu.vector_store_idx %arg12[%add3A_226], %select_n3A_455 : memref<8192xf32, #tpu.memory_space<vmem>>[vector<16xi32>], vector<16xf32>,
      %add3A_456 = arith.constant 9.99999993E-9 : f32
      %add3A_457 = vector.broadcast %add3A_456 : f32 to vector<16xf32>
      %add3A_458 = arith.addf %select_n3A_413, %add3A_457 : vector<16xf32>
      %jit3A_459 = arith.constant 1.000000e+00 : f32
      %broadcast_in_dim3A_460 = vector.broadcast %jit3A_459 : f32 to vector<16xf32>
      %select_n3A_461 = arith.select %ne3A_434, %add3A_458, %broadcast_in_dim3A_460 : vector<16xi1>, vector<16xf32>
      %div3A_462 = arith.constant 1.000000e+00 : f32
      %div3A_463 = vector.broadcast %div3A_462 : f32 to vector<16xf32>
      %div3A_464 = arith.divf %div3A_463, %select_n3A_461 : vector<16xf32>
      %add3A_465 = arith.constant 9.99999993E-9 : f32
      %add3A_466 = vector.broadcast %add3A_465 : f32 to vector<16xf32>
      %add3A_467 = arith.addf %select_n3A_419, %add3A_466 : vector<16xf32>
      %jit3A_468 = arith.constant 1.000000e+00 : f32
      %broadcast_in_dim3A_469 = vector.broadcast %jit3A_468 : f32 to vector<16xf32>
      %select_n3A_470 = arith.select %ne3A_437, %add3A_467, %broadcast_in_dim3A_469 : vector<16xi1>, vector<16xf32>
      %div3A_471 = arith.constant 1.000000e+00 : f32
      %div3A_472 = vector.broadcast %div3A_471 : f32 to vector<16xf32>
      %div3A_473 = arith.divf %div3A_472, %select_n3A_470 : vector<16xf32>
      %add3A_474 = arith.constant 9.99999993E-9 : f32
      %add3A_475 = vector.broadcast %add3A_474 : f32 to vector<16xf32>
      %add3A_476 = arith.addf %select_n3A_425, %add3A_475 : vector<16xf32>
      %jit3A_477 = arith.constant 1.000000e+00 : f32
      %broadcast_in_dim3A_478 = vector.broadcast %jit3A_477 : f32 to vector<16xf32>
      %select_n3A_479 = arith.select %ne3A_440, %add3A_476, %broadcast_in_dim3A_478 : vector<16xi1>, vector<16xf32>
      %div3A_480 = arith.constant 1.000000e+00 : f32
      %div3A_481 = vector.broadcast %div3A_480 : f32 to vector<16xf32>
      %div3A_482 = arith.divf %div3A_481, %select_n3A_479 : vector<16xf32>
      %add3A_483 = arith.constant 9.99999993E-9 : f32
      %add3A_484 = vector.broadcast %add3A_483 : f32 to vector<16xf32>
      %add3A_485 = arith.addf %select_n3A_431, %add3A_484 : vector<16xf32>
      %jit3A_486 = arith.constant 1.000000e+00 : f32
      %broadcast_in_dim3A_487 = vector.broadcast %jit3A_486 : f32 to vector<16xf32>
      %select_n3A_488 = arith.select %ne3A_443, %add3A_485, %broadcast_in_dim3A_487 : vector<16xi1>, vector<16xf32>
      %div3A_489 = arith.constant 1.000000e+00 : f32
      %div3A_490 = vector.broadcast %div3A_489 : f32 to vector<16xf32>
      %div3A_491 = arith.divf %div3A_490, %select_n3A_488 : vector<16xf32>
      %add3A_492 = arith.constant 0 : i32
      %add3A_493 = arith.addi %mul3A_199, %add3A_492 : i32
      %mul3A_494 = arith.constant 3 : i32
      %mul3A_495 = arith.muli %mul3A_494, %add3A_493 : i32
      %add3A_496 = vector.broadcast %mul3A_495 : i32 to vector<16xi32>
      %add3A_497 = arith.addi %mul3A_47, %add3A_496 : vector<16xi32>
      %add3A_498 = arith.constant 1 : i32
      %add3A_499 = arith.addi %mul3A_199, %add3A_498 : i32
      %mul3A_500 = arith.constant 3 : i32
      %mul3A_501 = arith.muli %mul3A_500, %add3A_499 : i32
      %add3A_502 = vector.broadcast %mul3A_501 : i32 to vector<16xi32>
      %add3A_503 = arith.addi %mul3A_47, %add3A_502 : vector<16xi32>
      %add3A_504 = arith.constant 2 : i32
      %add3A_505 = arith.addi %mul3A_199, %add3A_504 : i32
      %mul3A_506 = arith.constant 3 : i32
      %mul3A_507 = arith.muli %mul3A_506, %add3A_505 : i32
      %add3A_508 = vector.broadcast %mul3A_507 : i32 to vector<16xi32>
      %add3A_509 = arith.addi %mul3A_47, %add3A_508 : vector<16xi32>
      %add3A_510 = arith.constant 3 : i32
      %add3A_511 = arith.addi %mul3A_199, %add3A_510 : i32
      %mul3A_512 = arith.constant 3 : i32
      %mul3A_513 = arith.muli %mul3A_512, %add3A_511 : i32
      %add3A_514 = vector.broadcast %mul3A_513 : i32 to vector<16xi32>
      %add3A_515 = arith.addi %mul3A_47, %add3A_514 : vector<16xi32>
      %mul3A_516 = arith.mulf %sub3A_283, %div3A_464 : vector<16xf32>
      tpu.vector_store_idx %arg14[%add3A_497], %mul3A_516 : memref<24576xf32, #tpu.memory_space<vmem>>[vector<16xi32>], vector<16xf32>,
      %add3A_517 = arith.constant 1 : i32
      %add3A_518 = vector.broadcast %add3A_517 : i32 to vector<16xi32>
      %add3A_519 = arith.addi %add3A_497, %add3A_518 : vector<16xi32>
      %mul3A_520 = arith.mulf %sub3A_287, %div3A_464 : vector<16xf32>
      tpu.vector_store_idx %arg14[%add3A_519], %mul3A_520 : memref<24576xf32, #tpu.memory_space<vmem>>[vector<16xi32>], vector<16xf32>,
      %add3A_521 = arith.constant 2 : i32
      %add3A_522 = vector.broadcast %add3A_521 : i32 to vector<16xi32>
      %add3A_523 = arith.addi %add3A_497, %add3A_522 : vector<16xi32>
      %mul3A_524 = arith.mulf %sub3A_291, %div3A_464 : vector<16xf32>
      tpu.vector_store_idx %arg14[%add3A_523], %mul3A_524 : memref<24576xf32, #tpu.memory_space<vmem>>[vector<16xi32>], vector<16xf32>,
      %mul3A_525 = arith.mulf %sub3A_284, %div3A_473 : vector<16xf32>
      tpu.vector_store_idx %arg14[%add3A_503], %mul3A_525 : memref<24576xf32, #tpu.memory_space<vmem>>[vector<16xi32>], vector<16xf32>,
      %add3A_526 = arith.constant 1 : i32
      %add3A_527 = vector.broadcast %add3A_526 : i32 to vector<16xi32>
      %add3A_528 = arith.addi %add3A_503, %add3A_527 : vector<16xi32>
      %mul3A_529 = arith.mulf %sub3A_288, %div3A_473 : vector<16xf32>
      tpu.vector_store_idx %arg14[%add3A_528], %mul3A_529 : memref<24576xf32, #tpu.memory_space<vmem>>[vector<16xi32>], vector<16xf32>,
      %add3A_530 = arith.constant 2 : i32
      %add3A_531 = vector.broadcast %add3A_530 : i32 to vector<16xi32>
      %add3A_532 = arith.addi %add3A_503, %add3A_531 : vector<16xi32>
      %mul3A_533 = arith.mulf %sub3A_292, %div3A_473 : vector<16xf32>
      tpu.vector_store_idx %arg14[%add3A_532], %mul3A_533 : memref<24576xf32, #tpu.memory_space<vmem>>[vector<16xi32>], vector<16xf32>,
      %mul3A_534 = arith.mulf %sub3A_285, %div3A_482 : vector<16xf32>
      tpu.vector_store_idx %arg14[%add3A_509], %mul3A_534 : memref<24576xf32, #tpu.memory_space<vmem>>[vector<16xi32>], vector<16xf32>,
      %add3A_535 = arith.constant 1 : i32
      %add3A_536 = vector.broadcast %add3A_535 : i32 to vector<16xi32>
      %add3A_537 = arith.addi %add3A_509, %add3A_536 : vector<16xi32>
      %mul3A_538 = arith.mulf %sub3A_289, %div3A_482 : vector<16xf32>
      tpu.vector_store_idx %arg14[%add3A_537], %mul3A_538 : memref<24576xf32, #tpu.memory_space<vmem>>[vector<16xi32>], vector<16xf32>,
      %add3A_539 = arith.constant 2 : i32
      %add3A_540 = vector.broadcast %add3A_539 : i32 to vector<16xi32>
      %add3A_541 = arith.addi %add3A_509, %add3A_540 : vector<16xi32>
      %mul3A_542 = arith.mulf %sub3A_293, %div3A_482 : vector<16xf32>
      tpu.vector_store_idx %arg14[%add3A_541], %mul3A_542 : memref<24576xf32, #tpu.memory_space<vmem>>[vector<16xi32>], vector<16xf32>,
      %mul3A_543 = arith.mulf %sub3A_286, %div3A_491 : vector<16xf32>
      tpu.vector_store_idx %arg14[%add3A_515], %mul3A_543 : memref<24576xf32, #tpu.memory_space<vmem>>[vector<16xi32>], vector<16xf32>,
      %add3A_544 = arith.constant 1 : i32
      %add3A_545 = vector.broadcast %add3A_544 : i32 to vector<16xi32>
      %add3A_546 = arith.addi %add3A_515, %add3A_545 : vector<16xi32>
      %mul3A_547 = arith.mulf %sub3A_290, %div3A_491 : vector<16xf32>
      tpu.vector_store_idx %arg14[%add3A_546], %mul3A_547 : memref<24576xf32, #tpu.memory_space<vmem>>[vector<16xi32>], vector<16xf32>,
      %add3A_548 = arith.constant 2 : i32
      %add3A_549 = vector.broadcast %add3A_548 : i32 to vector<16xi32>
      %add3A_550 = arith.addi %add3A_515, %add3A_549 : vector<16xi32>
      %mul3A_551 = arith.mulf %sub3A_294, %div3A_491 : vector<16xf32>
      tpu.vector_store_idx %arg14[%add3A_550], %mul3A_551 : memref<24576xf32, #tpu.memory_space<vmem>>[vector<16xi32>], vector<16xf32>,
    }
    %scan3A_72 = arith.constant 128 : i32
    %add3A_73 = arith.constant 0 : i32
    %add3A_74 = arith.addi %mul3A_41, %add3A_73 : i32
    %dma_start3A_75 = tpu.memref_slice %arg5[%add3A_74] : memref<1048576xf32, #tpu.memory_space<hbm>> -> memref<8192xf32, #tpu.memory_space<hbm>>
    %dma_start3A_76 = tpu.memref_slice %arg5[%add3A_74] : memref<1048576xf32, #tpu.memory_space<hbm>> -> memref<8192xf32, #tpu.memory_space<hbm>>
    tpu.enqueue_dma source(%arg12 : memref<8192xf32, #tpu.memory_space<vmem>>) target(%dma_start3A_76 : memref<8192xf32, #tpu.memory_space<hbm>>) target_semaphore(%arg18 : memref<!tpu.dma_semaphore, #tpu.memory_space<semaphore_mem>>)
    %mul3A_77 = arith.constant 3 : i32
    %mul3A_78 = arith.muli %add3A_74, %mul3A_77 : i32
    %dma_start3A_79 = tpu.memref_slice %arg6[%mul3A_78] : memref<3145728xf32, #tpu.memory_space<hbm>> -> memref<24576xf32, #tpu.memory_space<hbm>>
    %dma_start3A_80 = tpu.memref_slice %arg6[%mul3A_78] : memref<3145728xf32, #tpu.memory_space<hbm>> -> memref<24576xf32, #tpu.memory_space<hbm>>
    tpu.enqueue_dma source(%arg14 : memref<24576xf32, #tpu.memory_space<vmem>>) target(%dma_start3A_80 : memref<24576xf32, #tpu.memory_space<hbm>>) target_semaphore(%arg18 : memref<!tpu.dma_semaphore, #tpu.memory_space<semaphore_mem>>)
    %add3A_81 = arith.constant 16384 : i32
    %add3A_82 = arith.addi %mul3A_41, %add3A_81 : i32
    %dma_start3A_83 = tpu.memref_slice %arg3[%add3A_82] : memref<1048576xi32, #tpu.memory_space<hbm>> -> memref<8192xi32, #tpu.memory_space<hbm>>
    %dma_start3A_84 = tpu.memref_slice %arg3[%add3A_82] : memref<1048576xi32, #tpu.memory_space<hbm>> -> memref<8192xi32, #tpu.memory_space<hbm>>
    tpu.enqueue_dma source(%dma_start3A_84 : memref<8192xi32, #tpu.memory_space<hbm>>) target(%arg8 : memref<8192xi32, #tpu.memory_space<vmem>>) target_semaphore(%arg16 : memref<!tpu.dma_semaphore, #tpu.memory_space<semaphore_mem>>)
    %dma_start3A_85 = tpu.memref_slice %arg4[%add3A_82] : memref<1048576xi32, #tpu.memory_space<hbm>> -> memref<8192xi32, #tpu.memory_space<hbm>>
    %dma_start3A_86 = tpu.memref_slice %arg4[%add3A_82] : memref<1048576xi32, #tpu.memory_space<hbm>> -> memref<8192xi32, #tpu.memory_space<hbm>>
    tpu.enqueue_dma source(%dma_start3A_86 : memref<8192xi32, #tpu.memory_space<hbm>>) target(%arg10 : memref<8192xi32, #tpu.memory_space<vmem>>) target_semaphore(%arg16 : memref<!tpu.dma_semaphore, #tpu.memory_space<semaphore_mem>>)
    %dma_wait3A_87 = arith.constant 0 : i32
    %dma_wait3A_88 = tpu.memref_slice %arg3[%dma_wait3A_87] : memref<1048576xi32, #tpu.memory_space<hbm>> -> memref<8192xi32, #tpu.memory_space<hbm>>
    %dma_wait3A_89 = arith.constant 0 : i32
    %dma_wait3A_90 = tpu.memref_slice %arg3[%dma_wait3A_89] : memref<1048576xi32, #tpu.memory_space<hbm>> -> memref<8192xi32, #tpu.memory_space<hbm>>
    tpu.wait_dma2 semaphore(%arg17 : memref<!tpu.dma_semaphore, #tpu.memory_space<semaphore_mem>>) src(%dma_wait3A_90 : memref<8192xi32, #tpu.memory_space<hbm>>) dst(%arg9 : memref<8192xi32, #tpu.memory_space<vmem>>)
    %dma_wait3A_91 = arith.constant 0 : i32
    %dma_wait3A_92 = tpu.memref_slice %arg4[%dma_wait3A_91] : memref<1048576xi32, #tpu.memory_space<hbm>> -> memref<8192xi32, #tpu.memory_space<hbm>>
    %dma_wait3A_93 = arith.constant 0 : i32
    %dma_wait3A_94 = tpu.memref_slice %arg4[%dma_wait3A_93] : memref<1048576xi32, #tpu.memory_space<hbm>> -> memref<8192xi32, #tpu.memory_space<hbm>>
    tpu.wait_dma2 semaphore(%arg17 : memref<!tpu.dma_semaphore, #tpu.memory_space<semaphore_mem>>) src(%dma_wait3A_94 : memref<8192xi32, #tpu.memory_space<hbm>>) dst(%arg11 : memref<8192xi32, #tpu.memory_space<vmem>>)
    %add3A_95 = arith.constant 128 : i32
    %add3A_96 = arith.addi %mul3A_32, %add3A_95 : i32
    %scan3A_97 = arith.constant 0 : i32
    %scan3A_98 = arith.constant 0 : i32
    %scan3A_99 = arith.constant 128 : i32
    %scan3A_100 = arith.addi %scan3A_98, %scan3A_99 : i32
    %scan3A_101 = arith.constant 1 : i32
    scf.for %scan3A_197 = %scan3A_98 to %scan3A_100 step %scan3A_101  : i32 {
      %mul3A_198 = arith.constant 64 : i32
      %mul3A_199 = arith.muli %scan3A_197, %mul3A_198 : i32
      %add3A_200 = arith.addi %add3A_96, %scan3A_197 : i32
      %mul3A_201 = arith.constant 3 : i32
      %mul3A_202 = arith.muli %add3A_200, %mul3A_201 : i32
      %broadcast_in_dim3A = vector.broadcast %mul3A_202 : i32 to vector<16xi32>
      %gather3A = tpu.vector_load_idx %arg7[%broadcast_in_dim3A] : memref<6144xf32, #tpu.memory_space<vmem>>[vector<16xi32>], vector<16xf32>,
      %add3A_203 = arith.constant 1 : i32
      %add3A_204 = vector.broadcast %add3A_203 : i32 to vector<16xi32>
      %add3A_205 = arith.addi %broadcast_in_dim3A, %add3A_204 : vector<16xi32>
      %gather3A_206 = tpu.vector_load_idx %arg7[%add3A_205] : memref<6144xf32, #tpu.memory_space<vmem>>[vector<16xi32>], vector<16xf32>,
      %add3A_207 = arith.constant 2 : i32
      %add3A_208 = vector.broadcast %add3A_207 : i32 to vector<16xi32>
      %add3A_209 = arith.addi %broadcast_in_dim3A, %add3A_208 : vector<16xi32>
      %gather3A_210 = tpu.vector_load_idx %arg7[%add3A_209] : memref<6144xf32, #tpu.memory_space<vmem>>[vector<16xi32>], vector<16xf32>,
      %add3A_211 = arith.constant 0 : i32
      %add3A_212 = arith.addi %mul3A_199, %add3A_211 : i32
      %add3A_213 = vector.broadcast %add3A_212 : i32 to vector<16xi32>
      %add3A_214 = arith.addi %mul3A_44, %add3A_213 : vector<16xi32>
      %add3A_215 = arith.constant 1 : i32
      %add3A_216 = arith.addi %mul3A_199, %add3A_215 : i32
      %add3A_217 = vector.broadcast %add3A_216 : i32 to vector<16xi32>
      %add3A_218 = arith.addi %mul3A_44, %add3A_217 : vector<16xi32>
      %add3A_219 = arith.constant 2 : i32
      %add3A_220 = arith.addi %mul3A_199, %add3A_219 : i32
      %add3A_221 = vector.broadcast %add3A_220 : i32 to vector<16xi32>
      %add3A_222 = arith.addi %mul3A_44, %add3A_221 : vector<16xi32>
      %add3A_223 = arith.constant 3 : i32
      %add3A_224 = arith.addi %mul3A_199, %add3A_223 : i32
      %add3A_225 = vector.broadcast %add3A_224 : i32 to vector<16xi32>
      %add3A_226 = arith.addi %mul3A_44, %add3A_225 : vector<16xi32>
      %gather3A_227 = tpu.vector_load_idx %arg11[%add3A_214] : memref<8192xi32, #tpu.memory_space<vmem>>[vector<16xi32>], vector<16xi32>,
      %gather3A_228 = tpu.vector_load_idx %arg11[%add3A_218] : memref<8192xi32, #tpu.memory_space<vmem>>[vector<16xi32>], vector<16xi32>,
      %gather3A_229 = tpu.vector_load_idx %arg11[%add3A_222] : memref<8192xi32, #tpu.memory_space<vmem>>[vector<16xi32>], vector<16xi32>,
      %gather3A_230 = tpu.vector_load_idx %arg11[%add3A_226] : memref<8192xi32, #tpu.memory_space<vmem>>[vector<16xi32>], vector<16xi32>,
      %gather3A_231 = tpu.vector_load_idx %arg9[%add3A_214] : memref<8192xi32, #tpu.memory_space<vmem>>[vector<16xi32>], vector<16xi32>,
      %gather3A_232 = tpu.vector_load_idx %arg9[%add3A_218] : memref<8192xi32, #tpu.memory_space<vmem>>[vector<16xi32>], vector<16xi32>,
      %gather3A_233 = tpu.vector_load_idx %arg9[%add3A_222] : memref<8192xi32, #tpu.memory_space<vmem>>[vector<16xi32>], vector<16xi32>,
      %gather3A_234 = tpu.vector_load_idx %arg9[%add3A_226] : memref<8192xi32, #tpu.memory_space<vmem>>[vector<16xi32>], vector<16xi32>,
      %mul3A_235 = arith.constant 3 : i32
      %mul3A_236 = vector.broadcast %mul3A_235 : i32 to vector<16xi32>
      %mul3A_237 = arith.muli %gather3A_231, %mul3A_236 : vector<16xi32>
      %mul3A_238 = arith.constant 3 : i32
      %mul3A_239 = vector.broadcast %mul3A_238 : i32 to vector<16xi32>
      %mul3A_240 = arith.muli %gather3A_232, %mul3A_239 : vector<16xi32>
      %mul3A_241 = arith.constant 3 : i32
      %mul3A_242 = vector.broadcast %mul3A_241 : i32 to vector<16xi32>
      %mul3A_243 = arith.muli %gather3A_233, %mul3A_242 : vector<16xi32>
      %mul3A_244 = arith.constant 3 : i32
      %mul3A_245 = vector.broadcast %mul3A_244 : i32 to vector<16xi32>
      %mul3A_246 = arith.muli %gather3A_234, %mul3A_245 : vector<16xi32>
      %gather3A_247 = tpu.vector_load_idx %arg7[%mul3A_237] : memref<6144xf32, #tpu.memory_space<vmem>>[vector<16xi32>], vector<16xf32>,
      %gather3A_248 = tpu.vector_load_idx %arg7[%mul3A_240] : memref<6144xf32, #tpu.memory_space<vmem>>[vector<16xi32>], vector<16xf32>,
      %gather3A_249 = tpu.vector_load_idx %arg7[%mul3A_243] : memref<6144xf32, #tpu.memory_space<vmem>>[vector<16xi32>], vector<16xf32>,
      %gather3A_250 = tpu.vector_load_idx %arg7[%mul3A_246] : memref<6144xf32, #tpu.memory_space<vmem>>[vector<16xi32>], vector<16xf32>,
      %add3A_251 = arith.constant 1 : i32
      %add3A_252 = vector.broadcast %add3A_251 : i32 to vector<16xi32>
      %add3A_253 = arith.addi %mul3A_237, %add3A_252 : vector<16xi32>
      %gather3A_254 = tpu.vector_load_idx %arg7[%add3A_253] : memref<6144xf32, #tpu.memory_space<vmem>>[vector<16xi32>], vector<16xf32>,
      %add3A_255 = arith.constant 1 : i32
      %add3A_256 = vector.broadcast %add3A_255 : i32 to vector<16xi32>
      %add3A_257 = arith.addi %mul3A_240, %add3A_256 : vector<16xi32>
      %gather3A_258 = tpu.vector_load_idx %arg7[%add3A_257] : memref<6144xf32, #tpu.memory_space<vmem>>[vector<16xi32>], vector<16xf32>,
      %add3A_259 = arith.constant 1 : i32
      %add3A_260 = vector.broadcast %add3A_259 : i32 to vector<16xi32>
      %add3A_261 = arith.addi %mul3A_243, %add3A_260 : vector<16xi32>
      %gather3A_262 = tpu.vector_load_idx %arg7[%add3A_261] : memref<6144xf32, #tpu.memory_space<vmem>>[vector<16xi32>], vector<16xf32>,
      %add3A_263 = arith.constant 1 : i32
      %add3A_264 = vector.broadcast %add3A_263 : i32 to vector<16xi32>
      %add3A_265 = arith.addi %mul3A_246, %add3A_264 : vector<16xi32>
      %gather3A_266 = tpu.vector_load_idx %arg7[%add3A_265] : memref<6144xf32, #tpu.memory_space<vmem>>[vector<16xi32>], vector<16xf32>,
      %add3A_267 = arith.constant 2 : i32
      %add3A_268 = vector.broadcast %add3A_267 : i32 to vector<16xi32>
      %add3A_269 = arith.addi %mul3A_237, %add3A_268 : vector<16xi32>
      %gather3A_270 = tpu.vector_load_idx %arg7[%add3A_269] : memref<6144xf32, #tpu.memory_space<vmem>>[vector<16xi32>], vector<16xf32>,
      %add3A_271 = arith.constant 2 : i32
      %add3A_272 = vector.broadcast %add3A_271 : i32 to vector<16xi32>
      %add3A_273 = arith.addi %mul3A_240, %add3A_272 : vector<16xi32>
      %gather3A_274 = tpu.vector_load_idx %arg7[%add3A_273] : memref<6144xf32, #tpu.memory_space<vmem>>[vector<16xi32>], vector<16xf32>,
      %add3A_275 = arith.constant 2 : i32
      %add3A_276 = vector.broadcast %add3A_275 : i32 to vector<16xi32>
      %add3A_277 = arith.addi %mul3A_243, %add3A_276 : vector<16xi32>
      %gather3A_278 = tpu.vector_load_idx %arg7[%add3A_277] : memref<6144xf32, #tpu.memory_space<vmem>>[vector<16xi32>], vector<16xf32>,
      %add3A_279 = arith.constant 2 : i32
      %add3A_280 = vector.broadcast %add3A_279 : i32 to vector<16xi32>
      %add3A_281 = arith.addi %mul3A_246, %add3A_280 : vector<16xi32>
      %gather3A_282 = tpu.vector_load_idx %arg7[%add3A_281] : memref<6144xf32, #tpu.memory_space<vmem>>[vector<16xi32>], vector<16xf32>,
      %sub3A_283 = arith.subf %gather3A_247, %gather3A : vector<16xf32>
      %sub3A_284 = arith.subf %gather3A_248, %gather3A : vector<16xf32>
      %sub3A_285 = arith.subf %gather3A_249, %gather3A : vector<16xf32>
      %sub3A_286 = arith.subf %gather3A_250, %gather3A : vector<16xf32>
      %sub3A_287 = arith.subf %gather3A_254, %gather3A_206 : vector<16xf32>
      %sub3A_288 = arith.subf %gather3A_258, %gather3A_206 : vector<16xf32>
      %sub3A_289 = arith.subf %gather3A_262, %gather3A_206 : vector<16xf32>
      %sub3A_290 = arith.subf %gather3A_266, %gather3A_206 : vector<16xf32>
      %sub3A_291 = arith.subf %gather3A_270, %gather3A_210 : vector<16xf32>
      %sub3A_292 = arith.subf %gather3A_274, %gather3A_210 : vector<16xf32>
      %sub3A_293 = arith.subf %gather3A_278, %gather3A_210 : vector<16xf32>
      %sub3A_294 = arith.subf %gather3A_282, %gather3A_210 : vector<16xf32>
      %mul3A_295 = arith.mulf %sub3A_283, %sub3A_283 : vector<16xf32>
      %mul3A_296 = arith.mulf %sub3A_287, %sub3A_287 : vector<16xf32>
      %add3A_297 = arith.addf %mul3A_295, %mul3A_296 : vector<16xf32>
      %mul3A_298 = arith.mulf %sub3A_291, %sub3A_291 : vector<16xf32>
      %add3A_299 = arith.addf %add3A_297, %mul3A_298 : vector<16xf32>
      %mul3A_300 = arith.mulf %sub3A_284, %sub3A_284 : vector<16xf32>
      %mul3A_301 = arith.mulf %sub3A_288, %sub3A_288 : vector<16xf32>
      %add3A_302 = arith.addf %mul3A_300, %mul3A_301 : vector<16xf32>
      %mul3A_303 = arith.mulf %sub3A_292, %sub3A_292 : vector<16xf32>
      %add3A_304 = arith.addf %add3A_302, %mul3A_303 : vector<16xf32>
      %mul3A_305 = arith.mulf %sub3A_285, %sub3A_285 : vector<16xf32>
      %mul3A_306 = arith.mulf %sub3A_289, %sub3A_289 : vector<16xf32>
      %add3A_307 = arith.addf %mul3A_305, %mul3A_306 : vector<16xf32>
      %mul3A_308 = arith.mulf %sub3A_293, %sub3A_293 : vector<16xf32>
      %add3A_309 = arith.addf %add3A_307, %mul3A_308 : vector<16xf32>
      %mul3A_310 = arith.mulf %sub3A_286, %sub3A_286 : vector<16xf32>
      %mul3A_311 = arith.mulf %sub3A_290, %sub3A_290 : vector<16xf32>
      %add3A_312 = arith.addf %mul3A_310, %mul3A_311 : vector<16xf32>
      %mul3A_313 = arith.mulf %sub3A_294, %sub3A_294 : vector<16xf32>
      %add3A_314 = arith.addf %add3A_312, %mul3A_313 : vector<16xf32>
      %bitcast3A = vector.bitcast %add3A_299 : vector<16xf32> to vector<16xi32>
      %shift_right_logical3A = arith.constant 1 : i32
      %shift_right_logical3A_315 = vector.broadcast %shift_right_logical3A : i32 to vector<16xi32>
      %shift_right_logical3A_316 = arith.shrui %bitcast3A, %shift_right_logical3A_315 : vector<16xi32>
      %sub3A_317 = arith.constant 1597463007 : i32
      %sub3A_318 = vector.broadcast %sub3A_317 : i32 to vector<16xi32>
      %sub3A_319 = arith.subi %sub3A_318, %shift_right_logical3A_316 : vector<16xi32>
      %bitcast3A_320 = vector.bitcast %add3A_304 : vector<16xf32> to vector<16xi32>
      %shift_right_logical3A_321 = arith.constant 1 : i32
      %shift_right_logical3A_322 = vector.broadcast %shift_right_logical3A_321 : i32 to vector<16xi32>
      %shift_right_logical3A_323 = arith.shrui %bitcast3A_320, %shift_right_logical3A_322 : vector<16xi32>
      %sub3A_324 = arith.constant 1597463007 : i32
      %sub3A_325 = vector.broadcast %sub3A_324 : i32 to vector<16xi32>
      %sub3A_326 = arith.subi %sub3A_325, %shift_right_logical3A_323 : vector<16xi32>
      %bitcast3A_327 = vector.bitcast %add3A_309 : vector<16xf32> to vector<16xi32>
      %shift_right_logical3A_328 = arith.constant 1 : i32
      %shift_right_logical3A_329 = vector.broadcast %shift_right_logical3A_328 : i32 to vector<16xi32>
      %shift_right_logical3A_330 = arith.shrui %bitcast3A_327, %shift_right_logical3A_329 : vector<16xi32>
      %sub3A_331 = arith.constant 1597463007 : i32
      %sub3A_332 = vector.broadcast %sub3A_331 : i32 to vector<16xi32>
      %sub3A_333 = arith.subi %sub3A_332, %shift_right_logical3A_330 : vector<16xi32>
      %bitcast3A_334 = vector.bitcast %add3A_314 : vector<16xf32> to vector<16xi32>
      %shift_right_logical3A_335 = arith.constant 1 : i32
      %shift_right_logical3A_336 = vector.broadcast %shift_right_logical3A_335 : i32 to vector<16xi32>
      %shift_right_logical3A_337 = arith.shrui %bitcast3A_334, %shift_right_logical3A_336 : vector<16xi32>
      %sub3A_338 = arith.constant 1597463007 : i32
      %sub3A_339 = vector.broadcast %sub3A_338 : i32 to vector<16xi32>
      %sub3A_340 = arith.subi %sub3A_339, %shift_right_logical3A_337 : vector<16xi32>
      %bitcast3A_341 = vector.bitcast %sub3A_319 : vector<16xi32> to vector<16xf32>
      %bitcast3A_342 = vector.bitcast %sub3A_326 : vector<16xi32> to vector<16xf32>
      %bitcast3A_343 = vector.bitcast %sub3A_333 : vector<16xi32> to vector<16xf32>
      %bitcast3A_344 = vector.bitcast %sub3A_340 : vector<16xi32> to vector<16xf32>
      %mul3A_345 = arith.constant 5.000000e-01 : f32
      %mul3A_346 = vector.broadcast %mul3A_345 : f32 to vector<16xf32>
      %mul3A_347 = arith.mulf %add3A_299, %mul3A_346 : vector<16xf32>
      %mul3A_348 = arith.constant 5.000000e-01 : f32
      %mul3A_349 = vector.broadcast %mul3A_348 : f32 to vector<16xf32>
      %mul3A_350 = arith.mulf %add3A_304, %mul3A_349 : vector<16xf32>
      %mul3A_351 = arith.constant 5.000000e-01 : f32
      %mul3A_352 = vector.broadcast %mul3A_351 : f32 to vector<16xf32>
      %mul3A_353 = arith.mulf %add3A_309, %mul3A_352 : vector<16xf32>
      %mul3A_354 = arith.constant 5.000000e-01 : f32
      %mul3A_355 = vector.broadcast %mul3A_354 : f32 to vector<16xf32>
      %mul3A_356 = arith.mulf %add3A_314, %mul3A_355 : vector<16xf32>
      %mul3A_357 = arith.mulf %mul3A_347, %bitcast3A_341 : vector<16xf32>
      %mul3A_358 = arith.mulf %mul3A_357, %bitcast3A_341 : vector<16xf32>
      %sub3A_359 = arith.constant 1.500000e+00 : f32
      %sub3A_360 = vector.broadcast %sub3A_359 : f32 to vector<16xf32>
      %sub3A_361 = arith.subf %sub3A_360, %mul3A_358 : vector<16xf32>
      %mul3A_362 = arith.mulf %bitcast3A_341, %sub3A_361 : vector<16xf32>
      %mul3A_363 = arith.mulf %mul3A_350, %bitcast3A_342 : vector<16xf32>
      %mul3A_364 = arith.mulf %mul3A_363, %bitcast3A_342 : vector<16xf32>
      %sub3A_365 = arith.constant 1.500000e+00 : f32
      %sub3A_366 = vector.broadcast %sub3A_365 : f32 to vector<16xf32>
      %sub3A_367 = arith.subf %sub3A_366, %mul3A_364 : vector<16xf32>
      %mul3A_368 = arith.mulf %bitcast3A_342, %sub3A_367 : vector<16xf32>
      %mul3A_369 = arith.mulf %mul3A_353, %bitcast3A_343 : vector<16xf32>
      %mul3A_370 = arith.mulf %mul3A_369, %bitcast3A_343 : vector<16xf32>
      %sub3A_371 = arith.constant 1.500000e+00 : f32
      %sub3A_372 = vector.broadcast %sub3A_371 : f32 to vector<16xf32>
      %sub3A_373 = arith.subf %sub3A_372, %mul3A_370 : vector<16xf32>
      %mul3A_374 = arith.mulf %bitcast3A_343, %sub3A_373 : vector<16xf32>
      %mul3A_375 = arith.mulf %mul3A_356, %bitcast3A_344 : vector<16xf32>
      %mul3A_376 = arith.mulf %mul3A_375, %bitcast3A_344 : vector<16xf32>
      %sub3A_377 = arith.constant 1.500000e+00 : f32
      %sub3A_378 = vector.broadcast %sub3A_377 : f32 to vector<16xf32>
      %sub3A_379 = arith.subf %sub3A_378, %mul3A_376 : vector<16xf32>
      %mul3A_380 = arith.mulf %bitcast3A_344, %sub3A_379 : vector<16xf32>
      %mul3A_381 = arith.mulf %mul3A_347, %mul3A_362 : vector<16xf32>
      %mul3A_382 = arith.mulf %mul3A_381, %mul3A_362 : vector<16xf32>
      %sub3A_383 = arith.constant 1.500000e+00 : f32
      %sub3A_384 = vector.broadcast %sub3A_383 : f32 to vector<16xf32>
      %sub3A_385 = arith.subf %sub3A_384, %mul3A_382 : vector<16xf32>
      %mul3A_386 = arith.mulf %mul3A_362, %sub3A_385 : vector<16xf32>
      %mul3A_387 = arith.mulf %mul3A_350, %mul3A_368 : vector<16xf32>
      %mul3A_388 = arith.mulf %mul3A_387, %mul3A_368 : vector<16xf32>
      %sub3A_389 = arith.constant 1.500000e+00 : f32
      %sub3A_390 = vector.broadcast %sub3A_389 : f32 to vector<16xf32>
      %sub3A_391 = arith.subf %sub3A_390, %mul3A_388 : vector<16xf32>
      %mul3A_392 = arith.mulf %mul3A_368, %sub3A_391 : vector<16xf32>
      %mul3A_393 = arith.mulf %mul3A_353, %mul3A_374 : vector<16xf32>
      %mul3A_394 = arith.mulf %mul3A_393, %mul3A_374 : vector<16xf32>
      %sub3A_395 = arith.constant 1.500000e+00 : f32
      %sub3A_396 = vector.broadcast %sub3A_395 : f32 to vector<16xf32>
      %sub3A_397 = arith.subf %sub3A_396, %mul3A_394 : vector<16xf32>
      %mul3A_398 = arith.mulf %mul3A_374, %sub3A_397 : vector<16xf32>
      %mul3A_399 = arith.mulf %mul3A_356, %mul3A_380 : vector<16xf32>
      %mul3A_400 = arith.mulf %mul3A_399, %mul3A_380 : vector<16xf32>
      %sub3A_401 = arith.constant 1.500000e+00 : f32
      %sub3A_402 = vector.broadcast %sub3A_401 : f32 to vector<16xf32>
      %sub3A_403 = arith.subf %sub3A_402, %mul3A_400 : vector<16xf32>
      %mul3A_404 = arith.mulf %mul3A_380, %sub3A_403 : vector<16xf32>
      %mul3A_405 = arith.mulf %add3A_299, %mul3A_386 : vector<16xf32>
      %mul3A_406 = arith.mulf %add3A_304, %mul3A_392 : vector<16xf32>
      %mul3A_407 = arith.mulf %add3A_309, %mul3A_398 : vector<16xf32>
      %mul3A_408 = arith.mulf %add3A_314, %mul3A_404 : vector<16xf32>
      %gt3A = arith.constant 0.000000e+00 : f32
      %gt3A_409 = vector.broadcast %gt3A : f32 to vector<16xf32>
      %gt3A_410 = arith.cmpf ogt, %add3A_299, %gt3A_409 : vector<16xf32>
      %jit3A_411 = arith.constant 0.000000e+00 : f32
      %broadcast_in_dim3A_412 = vector.broadcast %jit3A_411 : f32 to vector<16xf32>
      %select_n3A_413 = arith.select %gt3A_410, %mul3A_405, %broadcast_in_dim3A_412 : vector<16xi1>, vector<16xf32>
      %gt3A_414 = arith.constant 0.000000e+00 : f32
      %gt3A_415 = vector.broadcast %gt3A_414 : f32 to vector<16xf32>
      %gt3A_416 = arith.cmpf ogt, %add3A_304, %gt3A_415 : vector<16xf32>
      %jit3A_417 = arith.constant 0.000000e+00 : f32
      %broadcast_in_dim3A_418 = vector.broadcast %jit3A_417 : f32 to vector<16xf32>
      %select_n3A_419 = arith.select %gt3A_416, %mul3A_406, %broadcast_in_dim3A_418 : vector<16xi1>, vector<16xf32>
      %gt3A_420 = arith.constant 0.000000e+00 : f32
      %gt3A_421 = vector.broadcast %gt3A_420 : f32 to vector<16xf32>
      %gt3A_422 = arith.cmpf ogt, %add3A_309, %gt3A_421 : vector<16xf32>
      %jit3A_423 = arith.constant 0.000000e+00 : f32
      %broadcast_in_dim3A_424 = vector.broadcast %jit3A_423 : f32 to vector<16xf32>
      %select_n3A_425 = arith.select %gt3A_422, %mul3A_407, %broadcast_in_dim3A_424 : vector<16xi1>, vector<16xf32>
      %gt3A_426 = arith.constant 0.000000e+00 : f32
      %gt3A_427 = vector.broadcast %gt3A_426 : f32 to vector<16xf32>
      %gt3A_428 = arith.cmpf ogt, %add3A_314, %gt3A_427 : vector<16xf32>
      %jit3A_429 = arith.constant 0.000000e+00 : f32
      %broadcast_in_dim3A_430 = vector.broadcast %jit3A_429 : f32 to vector<16xf32>
      %select_n3A_431 = arith.select %gt3A_428, %mul3A_408, %broadcast_in_dim3A_430 : vector<16xi1>, vector<16xf32>
      %ne3A_432 = arith.constant 0 : i32
      %ne3A_433 = vector.broadcast %ne3A_432 : i32 to vector<16xi32>
      %ne3A_434 = arith.cmpi ne, %gather3A_227, %ne3A_433 : vector<16xi32>
      %ne3A_435 = arith.constant 0 : i32
      %ne3A_436 = vector.broadcast %ne3A_435 : i32 to vector<16xi32>
      %ne3A_437 = arith.cmpi ne, %gather3A_228, %ne3A_436 : vector<16xi32>
      %ne3A_438 = arith.constant 0 : i32
      %ne3A_439 = vector.broadcast %ne3A_438 : i32 to vector<16xi32>
      %ne3A_440 = arith.cmpi ne, %gather3A_229, %ne3A_439 : vector<16xi32>
      %ne3A_441 = arith.constant 0 : i32
      %ne3A_442 = vector.broadcast %ne3A_441 : i32 to vector<16xi32>
      %ne3A_443 = arith.cmpi ne, %gather3A_230, %ne3A_442 : vector<16xi32>
      %jit3A_444 = arith.constant 0.000000e+00 : f32
      %broadcast_in_dim3A_445 = vector.broadcast %jit3A_444 : f32 to vector<16xf32>
      %select_n3A_446 = arith.select %ne3A_434, %select_n3A_413, %broadcast_in_dim3A_445 : vector<16xi1>, vector<16xf32>
      tpu.vector_store_idx %arg13[%add3A_214], %select_n3A_446 : memref<8192xf32, #tpu.memory_space<vmem>>[vector<16xi32>], vector<16xf32>,
      %jit3A_447 = arith.constant 0.000000e+00 : f32
      %broadcast_in_dim3A_448 = vector.broadcast %jit3A_447 : f32 to vector<16xf32>
      %select_n3A_449 = arith.select %ne3A_437, %select_n3A_419, %broadcast_in_dim3A_448 : vector<16xi1>, vector<16xf32>
      tpu.vector_store_idx %arg13[%add3A_218], %select_n3A_449 : memref<8192xf32, #tpu.memory_space<vmem>>[vector<16xi32>], vector<16xf32>,
      %jit3A_450 = arith.constant 0.000000e+00 : f32
      %broadcast_in_dim3A_451 = vector.broadcast %jit3A_450 : f32 to vector<16xf32>
      %select_n3A_452 = arith.select %ne3A_440, %select_n3A_425, %broadcast_in_dim3A_451 : vector<16xi1>, vector<16xf32>
      tpu.vector_store_idx %arg13[%add3A_222], %select_n3A_452 : memref<8192xf32, #tpu.memory_space<vmem>>[vector<16xi32>], vector<16xf32>,
      %jit3A_453 = arith.constant 0.000000e+00 : f32
      %broadcast_in_dim3A_454 = vector.broadcast %jit3A_453 : f32 to vector<16xf32>
      %select_n3A_455 = arith.select %ne3A_443, %select_n3A_431, %broadcast_in_dim3A_454 : vector<16xi1>, vector<16xf32>
      tpu.vector_store_idx %arg13[%add3A_226], %select_n3A_455 : memref<8192xf32, #tpu.memory_space<vmem>>[vector<16xi32>], vector<16xf32>,
      %add3A_456 = arith.constant 9.99999993E-9 : f32
      %add3A_457 = vector.broadcast %add3A_456 : f32 to vector<16xf32>
      %add3A_458 = arith.addf %select_n3A_413, %add3A_457 : vector<16xf32>
      %jit3A_459 = arith.constant 1.000000e+00 : f32
      %broadcast_in_dim3A_460 = vector.broadcast %jit3A_459 : f32 to vector<16xf32>
      %select_n3A_461 = arith.select %ne3A_434, %add3A_458, %broadcast_in_dim3A_460 : vector<16xi1>, vector<16xf32>
      %div3A_462 = arith.constant 1.000000e+00 : f32
      %div3A_463 = vector.broadcast %div3A_462 : f32 to vector<16xf32>
      %div3A_464 = arith.divf %div3A_463, %select_n3A_461 : vector<16xf32>
      %add3A_465 = arith.constant 9.99999993E-9 : f32
      %add3A_466 = vector.broadcast %add3A_465 : f32 to vector<16xf32>
      %add3A_467 = arith.addf %select_n3A_419, %add3A_466 : vector<16xf32>
      %jit3A_468 = arith.constant 1.000000e+00 : f32
      %broadcast_in_dim3A_469 = vector.broadcast %jit3A_468 : f32 to vector<16xf32>
      %select_n3A_470 = arith.select %ne3A_437, %add3A_467, %broadcast_in_dim3A_469 : vector<16xi1>, vector<16xf32>
      %div3A_471 = arith.constant 1.000000e+00 : f32
      %div3A_472 = vector.broadcast %div3A_471 : f32 to vector<16xf32>
      %div3A_473 = arith.divf %div3A_472, %select_n3A_470 : vector<16xf32>
      %add3A_474 = arith.constant 9.99999993E-9 : f32
      %add3A_475 = vector.broadcast %add3A_474 : f32 to vector<16xf32>
      %add3A_476 = arith.addf %select_n3A_425, %add3A_475 : vector<16xf32>
      %jit3A_477 = arith.constant 1.000000e+00 : f32
      %broadcast_in_dim3A_478 = vector.broadcast %jit3A_477 : f32 to vector<16xf32>
      %select_n3A_479 = arith.select %ne3A_440, %add3A_476, %broadcast_in_dim3A_478 : vector<16xi1>, vector<16xf32>
      %div3A_480 = arith.constant 1.000000e+00 : f32
      %div3A_481 = vector.broadcast %div3A_480 : f32 to vector<16xf32>
      %div3A_482 = arith.divf %div3A_481, %select_n3A_479 : vector<16xf32>
      %add3A_483 = arith.constant 9.99999993E-9 : f32
      %add3A_484 = vector.broadcast %add3A_483 : f32 to vector<16xf32>
      %add3A_485 = arith.addf %select_n3A_431, %add3A_484 : vector<16xf32>
      %jit3A_486 = arith.constant 1.000000e+00 : f32
      %broadcast_in_dim3A_487 = vector.broadcast %jit3A_486 : f32 to vector<16xf32>
      %select_n3A_488 = arith.select %ne3A_443, %add3A_485, %broadcast_in_dim3A_487 : vector<16xi1>, vector<16xf32>
      %div3A_489 = arith.constant 1.000000e+00 : f32
      %div3A_490 = vector.broadcast %div3A_489 : f32 to vector<16xf32>
      %div3A_491 = arith.divf %div3A_490, %select_n3A_488 : vector<16xf32>
      %add3A_492 = arith.constant 0 : i32
      %add3A_493 = arith.addi %mul3A_199, %add3A_492 : i32
      %mul3A_494 = arith.constant 3 : i32
      %mul3A_495 = arith.muli %mul3A_494, %add3A_493 : i32
      %add3A_496 = vector.broadcast %mul3A_495 : i32 to vector<16xi32>
      %add3A_497 = arith.addi %mul3A_47, %add3A_496 : vector<16xi32>
      %add3A_498 = arith.constant 1 : i32
      %add3A_499 = arith.addi %mul3A_199, %add3A_498 : i32
      %mul3A_500 = arith.constant 3 : i32
      %mul3A_501 = arith.muli %mul3A_500, %add3A_499 : i32
      %add3A_502 = vector.broadcast %mul3A_501 : i32 to vector<16xi32>
      %add3A_503 = arith.addi %mul3A_47, %add3A_502 : vector<16xi32>
      %add3A_504 = arith.constant 2 : i32
      %add3A_505 = arith.addi %mul3A_199, %add3A_504 : i32
      %mul3A_506 = arith.constant 3 : i32
      %mul3A_507 = arith.muli %mul3A_506, %add3A_505 : i32
      %add3A_508 = vector.broadcast %mul3A_507 : i32 to vector<16xi32>
      %add3A_509 = arith.addi %mul3A_47, %add3A_508 : vector<16xi32>
      %add3A_510 = arith.constant 3 : i32
      %add3A_511 = arith.addi %mul3A_199, %add3A_510 : i32
      %mul3A_512 = arith.constant 3 : i32
      %mul3A_513 = arith.muli %mul3A_512, %add3A_511 : i32
      %add3A_514 = vector.broadcast %mul3A_513 : i32 to vector<16xi32>
      %add3A_515 = arith.addi %mul3A_47, %add3A_514 : vector<16xi32>
      %mul3A_516 = arith.mulf %sub3A_283, %div3A_464 : vector<16xf32>
      tpu.vector_store_idx %arg15[%add3A_497], %mul3A_516 : memref<24576xf32, #tpu.memory_space<vmem>>[vector<16xi32>], vector<16xf32>,
      %add3A_517 = arith.constant 1 : i32
      %add3A_518 = vector.broadcast %add3A_517 : i32 to vector<16xi32>
      %add3A_519 = arith.addi %add3A_497, %add3A_518 : vector<16xi32>
      %mul3A_520 = arith.mulf %sub3A_287, %div3A_464 : vector<16xf32>
      tpu.vector_store_idx %arg15[%add3A_519], %mul3A_520 : memref<24576xf32, #tpu.memory_space<vmem>>[vector<16xi32>], vector<16xf32>,
      %add3A_521 = arith.constant 2 : i32
      %add3A_522 = vector.broadcast %add3A_521 : i32 to vector<16xi32>
      %add3A_523 = arith.addi %add3A_497, %add3A_522 : vector<16xi32>
      %mul3A_524 = arith.mulf %sub3A_291, %div3A_464 : vector<16xf32>
      tpu.vector_store_idx %arg15[%add3A_523], %mul3A_524 : memref<24576xf32, #tpu.memory_space<vmem>>[vector<16xi32>], vector<16xf32>,
      %mul3A_525 = arith.mulf %sub3A_284, %div3A_473 : vector<16xf32>
      tpu.vector_store_idx %arg15[%add3A_503], %mul3A_525 : memref<24576xf32, #tpu.memory_space<vmem>>[vector<16xi32>], vector<16xf32>,
      %add3A_526 = arith.constant 1 : i32
      %add3A_527 = vector.broadcast %add3A_526 : i32 to vector<16xi32>
      %add3A_528 = arith.addi %add3A_503, %add3A_527 : vector<16xi32>
      %mul3A_529 = arith.mulf %sub3A_288, %div3A_473 : vector<16xf32>
      tpu.vector_store_idx %arg15[%add3A_528], %mul3A_529 : memref<24576xf32, #tpu.memory_space<vmem>>[vector<16xi32>], vector<16xf32>,
      %add3A_530 = arith.constant 2 : i32
      %add3A_531 = vector.broadcast %add3A_530 : i32 to vector<16xi32>
      %add3A_532 = arith.addi %add3A_503, %add3A_531 : vector<16xi32>
      %mul3A_533 = arith.mulf %sub3A_292, %div3A_473 : vector<16xf32>
      tpu.vector_store_idx %arg15[%add3A_532], %mul3A_533 : memref<24576xf32, #tpu.memory_space<vmem>>[vector<16xi32>], vector<16xf32>,
      %mul3A_534 = arith.mulf %sub3A_285, %div3A_482 : vector<16xf32>
      tpu.vector_store_idx %arg15[%add3A_509], %mul3A_534 : memref<24576xf32, #tpu.memory_space<vmem>>[vector<16xi32>], vector<16xf32>,
      %add3A_535 = arith.constant 1 : i32
      %add3A_536 = vector.broadcast %add3A_535 : i32 to vector<16xi32>
      %add3A_537 = arith.addi %add3A_509, %add3A_536 : vector<16xi32>
      %mul3A_538 = arith.mulf %sub3A_289, %div3A_482 : vector<16xf32>
      tpu.vector_store_idx %arg15[%add3A_537], %mul3A_538 : memref<24576xf32, #tpu.memory_space<vmem>>[vector<16xi32>], vector<16xf32>,
      %add3A_539 = arith.constant 2 : i32
      %add3A_540 = vector.broadcast %add3A_539 : i32 to vector<16xi32>
      %add3A_541 = arith.addi %add3A_509, %add3A_540 : vector<16xi32>
      %mul3A_542 = arith.mulf %sub3A_293, %div3A_482 : vector<16xf32>
      tpu.vector_store_idx %arg15[%add3A_541], %mul3A_542 : memref<24576xf32, #tpu.memory_space<vmem>>[vector<16xi32>], vector<16xf32>,
      %mul3A_543 = arith.mulf %sub3A_286, %div3A_491 : vector<16xf32>
      tpu.vector_store_idx %arg15[%add3A_515], %mul3A_543 : memref<24576xf32, #tpu.memory_space<vmem>>[vector<16xi32>], vector<16xf32>,
      %add3A_544 = arith.constant 1 : i32
      %add3A_545 = vector.broadcast %add3A_544 : i32 to vector<16xi32>
      %add3A_546 = arith.addi %add3A_515, %add3A_545 : vector<16xi32>
      %mul3A_547 = arith.mulf %sub3A_290, %div3A_491 : vector<16xf32>
      tpu.vector_store_idx %arg15[%add3A_546], %mul3A_547 : memref<24576xf32, #tpu.memory_space<vmem>>[vector<16xi32>], vector<16xf32>,
      %add3A_548 = arith.constant 2 : i32
      %add3A_549 = vector.broadcast %add3A_548 : i32 to vector<16xi32>
      %add3A_550 = arith.addi %add3A_515, %add3A_549 : vector<16xi32>
      %mul3A_551 = arith.mulf %sub3A_294, %div3A_491 : vector<16xf32>
      tpu.vector_store_idx %arg15[%add3A_550], %mul3A_551 : memref<24576xf32, #tpu.memory_space<vmem>>[vector<16xi32>], vector<16xf32>,
    }
    %scan3A_102 = arith.constant 128 : i32
    %add3A_103 = arith.constant 8192 : i32
    %add3A_104 = arith.addi %mul3A_41, %add3A_103 : i32
    %dma_start3A_105 = tpu.memref_slice %arg5[%add3A_104] : memref<1048576xf32, #tpu.memory_space<hbm>> -> memref<8192xf32, #tpu.memory_space<hbm>>
    %dma_start3A_106 = tpu.memref_slice %arg5[%add3A_104] : memref<1048576xf32, #tpu.memory_space<hbm>> -> memref<8192xf32, #tpu.memory_space<hbm>>
    tpu.enqueue_dma source(%arg13 : memref<8192xf32, #tpu.memory_space<vmem>>) target(%dma_start3A_106 : memref<8192xf32, #tpu.memory_space<hbm>>) target_semaphore(%arg19 : memref<!tpu.dma_semaphore, #tpu.memory_space<semaphore_mem>>)
    %mul3A_107 = arith.constant 3 : i32
    %mul3A_108 = arith.muli %add3A_104, %mul3A_107 : i32
    %dma_start3A_109 = tpu.memref_slice %arg6[%mul3A_108] : memref<3145728xf32, #tpu.memory_space<hbm>> -> memref<24576xf32, #tpu.memory_space<hbm>>
    %dma_start3A_110 = tpu.memref_slice %arg6[%mul3A_108] : memref<3145728xf32, #tpu.memory_space<hbm>> -> memref<24576xf32, #tpu.memory_space<hbm>>
    tpu.enqueue_dma source(%arg15 : memref<24576xf32, #tpu.memory_space<vmem>>) target(%dma_start3A_110 : memref<24576xf32, #tpu.memory_space<hbm>>) target_semaphore(%arg19 : memref<!tpu.dma_semaphore, #tpu.memory_space<semaphore_mem>>)
    %add3A_111 = arith.constant 24576 : i32
    %add3A_112 = arith.addi %mul3A_41, %add3A_111 : i32
    %dma_start3A_113 = tpu.memref_slice %arg3[%add3A_112] : memref<1048576xi32, #tpu.memory_space<hbm>> -> memref<8192xi32, #tpu.memory_space<hbm>>
    %dma_start3A_114 = tpu.memref_slice %arg3[%add3A_112] : memref<1048576xi32, #tpu.memory_space<hbm>> -> memref<8192xi32, #tpu.memory_space<hbm>>
    tpu.enqueue_dma source(%dma_start3A_114 : memref<8192xi32, #tpu.memory_space<hbm>>) target(%arg9 : memref<8192xi32, #tpu.memory_space<vmem>>) target_semaphore(%arg17 : memref<!tpu.dma_semaphore, #tpu.memory_space<semaphore_mem>>)
    %dma_start3A_115 = tpu.memref_slice %arg4[%add3A_112] : memref<1048576xi32, #tpu.memory_space<hbm>> -> memref<8192xi32, #tpu.memory_space<hbm>>
    %dma_start3A_116 = tpu.memref_slice %arg4[%add3A_112] : memref<1048576xi32, #tpu.memory_space<hbm>> -> memref<8192xi32, #tpu.memory_space<hbm>>
    tpu.enqueue_dma source(%dma_start3A_116 : memref<8192xi32, #tpu.memory_space<hbm>>) target(%arg11 : memref<8192xi32, #tpu.memory_space<vmem>>) target_semaphore(%arg17 : memref<!tpu.dma_semaphore, #tpu.memory_space<semaphore_mem>>)
    %dma_wait3A_117 = arith.constant 0 : i32
    %dma_wait3A_118 = tpu.memref_slice %arg3[%dma_wait3A_117] : memref<1048576xi32, #tpu.memory_space<hbm>> -> memref<8192xi32, #tpu.memory_space<hbm>>
    %dma_wait3A_119 = arith.constant 0 : i32
    %dma_wait3A_120 = tpu.memref_slice %arg3[%dma_wait3A_119] : memref<1048576xi32, #tpu.memory_space<hbm>> -> memref<8192xi32, #tpu.memory_space<hbm>>
    tpu.wait_dma2 semaphore(%arg16 : memref<!tpu.dma_semaphore, #tpu.memory_space<semaphore_mem>>) src(%dma_wait3A_120 : memref<8192xi32, #tpu.memory_space<hbm>>) dst(%arg8 : memref<8192xi32, #tpu.memory_space<vmem>>)
    %dma_wait3A_121 = arith.constant 0 : i32
    %dma_wait3A_122 = tpu.memref_slice %arg4[%dma_wait3A_121] : memref<1048576xi32, #tpu.memory_space<hbm>> -> memref<8192xi32, #tpu.memory_space<hbm>>
    %dma_wait3A_123 = arith.constant 0 : i32
    %dma_wait3A_124 = tpu.memref_slice %arg4[%dma_wait3A_123] : memref<1048576xi32, #tpu.memory_space<hbm>> -> memref<8192xi32, #tpu.memory_space<hbm>>
    tpu.wait_dma2 semaphore(%arg16 : memref<!tpu.dma_semaphore, #tpu.memory_space<semaphore_mem>>) src(%dma_wait3A_124 : memref<8192xi32, #tpu.memory_space<hbm>>) dst(%arg10 : memref<8192xi32, #tpu.memory_space<vmem>>)
    %dma_wait3A_125 = arith.constant 0 : i32
    %dma_wait3A_126 = tpu.memref_slice %arg5[%dma_wait3A_125] : memref<1048576xf32, #tpu.memory_space<hbm>> -> memref<8192xf32, #tpu.memory_space<hbm>>
    %dma_wait3A_127 = arith.constant 0 : i32
    %dma_wait3A_128 = tpu.memref_slice %arg5[%dma_wait3A_127] : memref<1048576xf32, #tpu.memory_space<hbm>> -> memref<8192xf32, #tpu.memory_space<hbm>>
    tpu.wait_dma2 semaphore(%arg18 : memref<!tpu.dma_semaphore, #tpu.memory_space<semaphore_mem>>) src(%arg12 : memref<8192xf32, #tpu.memory_space<vmem>>) dst(%dma_wait3A_128 : memref<8192xf32, #tpu.memory_space<hbm>>)
    %dma_wait3A_129 = arith.constant 0 : i32
    %dma_wait3A_130 = tpu.memref_slice %arg6[%dma_wait3A_129] : memref<3145728xf32, #tpu.memory_space<hbm>> -> memref<24576xf32, #tpu.memory_space<hbm>>
    %dma_wait3A_131 = arith.constant 0 : i32
    %dma_wait3A_132 = tpu.memref_slice %arg6[%dma_wait3A_131] : memref<3145728xf32, #tpu.memory_space<hbm>> -> memref<24576xf32, #tpu.memory_space<hbm>>
    tpu.wait_dma2 semaphore(%arg18 : memref<!tpu.dma_semaphore, #tpu.memory_space<semaphore_mem>>) src(%arg14 : memref<24576xf32, #tpu.memory_space<vmem>>) dst(%dma_wait3A_132 : memref<24576xf32, #tpu.memory_space<hbm>>)
    %add3A_133 = arith.constant 256 : i32
    %add3A_134 = arith.addi %mul3A_32, %add3A_133 : i32
    %scan3A_135 = arith.constant 0 : i32
    %scan3A_136 = arith.constant 0 : i32
    %scan3A_137 = arith.constant 128 : i32
    %scan3A_138 = arith.addi %scan3A_136, %scan3A_137 : i32
    %scan3A_139 = arith.constant 1 : i32
    scf.for %scan3A_197 = %scan3A_136 to %scan3A_138 step %scan3A_139  : i32 {
      %mul3A_198 = arith.constant 64 : i32
      %mul3A_199 = arith.muli %scan3A_197, %mul3A_198 : i32
      %add3A_200 = arith.addi %add3A_134, %scan3A_197 : i32
      %mul3A_201 = arith.constant 3 : i32
      %mul3A_202 = arith.muli %add3A_200, %mul3A_201 : i32
      %broadcast_in_dim3A = vector.broadcast %mul3A_202 : i32 to vector<16xi32>
      %gather3A = tpu.vector_load_idx %arg7[%broadcast_in_dim3A] : memref<6144xf32, #tpu.memory_space<vmem>>[vector<16xi32>], vector<16xf32>,
      %add3A_203 = arith.constant 1 : i32
      %add3A_204 = vector.broadcast %add3A_203 : i32 to vector<16xi32>
      %add3A_205 = arith.addi %broadcast_in_dim3A, %add3A_204 : vector<16xi32>
      %gather3A_206 = tpu.vector_load_idx %arg7[%add3A_205] : memref<6144xf32, #tpu.memory_space<vmem>>[vector<16xi32>], vector<16xf32>,
      %add3A_207 = arith.constant 2 : i32
      %add3A_208 = vector.broadcast %add3A_207 : i32 to vector<16xi32>
      %add3A_209 = arith.addi %broadcast_in_dim3A, %add3A_208 : vector<16xi32>
      %gather3A_210 = tpu.vector_load_idx %arg7[%add3A_209] : memref<6144xf32, #tpu.memory_space<vmem>>[vector<16xi32>], vector<16xf32>,
      %add3A_211 = arith.constant 0 : i32
      %add3A_212 = arith.addi %mul3A_199, %add3A_211 : i32
      %add3A_213 = vector.broadcast %add3A_212 : i32 to vector<16xi32>
      %add3A_214 = arith.addi %mul3A_44, %add3A_213 : vector<16xi32>
      %add3A_215 = arith.constant 1 : i32
      %add3A_216 = arith.addi %mul3A_199, %add3A_215 : i32
      %add3A_217 = vector.broadcast %add3A_216 : i32 to vector<16xi32>
      %add3A_218 = arith.addi %mul3A_44, %add3A_217 : vector<16xi32>
      %add3A_219 = arith.constant 2 : i32
      %add3A_220 = arith.addi %mul3A_199, %add3A_219 : i32
      %add3A_221 = vector.broadcast %add3A_220 : i32 to vector<16xi32>
      %add3A_222 = arith.addi %mul3A_44, %add3A_221 : vector<16xi32>
      %add3A_223 = arith.constant 3 : i32
      %add3A_224 = arith.addi %mul3A_199, %add3A_223 : i32
      %add3A_225 = vector.broadcast %add3A_224 : i32 to vector<16xi32>
      %add3A_226 = arith.addi %mul3A_44, %add3A_225 : vector<16xi32>
      %gather3A_227 = tpu.vector_load_idx %arg10[%add3A_214] : memref<8192xi32, #tpu.memory_space<vmem>>[vector<16xi32>], vector<16xi32>,
      %gather3A_228 = tpu.vector_load_idx %arg10[%add3A_218] : memref<8192xi32, #tpu.memory_space<vmem>>[vector<16xi32>], vector<16xi32>,
      %gather3A_229 = tpu.vector_load_idx %arg10[%add3A_222] : memref<8192xi32, #tpu.memory_space<vmem>>[vector<16xi32>], vector<16xi32>,
      %gather3A_230 = tpu.vector_load_idx %arg10[%add3A_226] : memref<8192xi32, #tpu.memory_space<vmem>>[vector<16xi32>], vector<16xi32>,
      %gather3A_231 = tpu.vector_load_idx %arg8[%add3A_214] : memref<8192xi32, #tpu.memory_space<vmem>>[vector<16xi32>], vector<16xi32>,
      %gather3A_232 = tpu.vector_load_idx %arg8[%add3A_218] : memref<8192xi32, #tpu.memory_space<vmem>>[vector<16xi32>], vector<16xi32>,
      %gather3A_233 = tpu.vector_load_idx %arg8[%add3A_222] : memref<8192xi32, #tpu.memory_space<vmem>>[vector<16xi32>], vector<16xi32>,
      %gather3A_234 = tpu.vector_load_idx %arg8[%add3A_226] : memref<8192xi32, #tpu.memory_space<vmem>>[vector<16xi32>], vector<16xi32>,
      %mul3A_235 = arith.constant 3 : i32
      %mul3A_236 = vector.broadcast %mul3A_235 : i32 to vector<16xi32>
      %mul3A_237 = arith.muli %gather3A_231, %mul3A_236 : vector<16xi32>
      %mul3A_238 = arith.constant 3 : i32
      %mul3A_239 = vector.broadcast %mul3A_238 : i32 to vector<16xi32>
      %mul3A_240 = arith.muli %gather3A_232, %mul3A_239 : vector<16xi32>
      %mul3A_241 = arith.constant 3 : i32
      %mul3A_242 = vector.broadcast %mul3A_241 : i32 to vector<16xi32>
      %mul3A_243 = arith.muli %gather3A_233, %mul3A_242 : vector<16xi32>
      %mul3A_244 = arith.constant 3 : i32
      %mul3A_245 = vector.broadcast %mul3A_244 : i32 to vector<16xi32>
      %mul3A_246 = arith.muli %gather3A_234, %mul3A_245 : vector<16xi32>
      %gather3A_247 = tpu.vector_load_idx %arg7[%mul3A_237] : memref<6144xf32, #tpu.memory_space<vmem>>[vector<16xi32>], vector<16xf32>,
      %gather3A_248 = tpu.vector_load_idx %arg7[%mul3A_240] : memref<6144xf32, #tpu.memory_space<vmem>>[vector<16xi32>], vector<16xf32>,
      %gather3A_249 = tpu.vector_load_idx %arg7[%mul3A_243] : memref<6144xf32, #tpu.memory_space<vmem>>[vector<16xi32>], vector<16xf32>,
      %gather3A_250 = tpu.vector_load_idx %arg7[%mul3A_246] : memref<6144xf32, #tpu.memory_space<vmem>>[vector<16xi32>], vector<16xf32>,
      %add3A_251 = arith.constant 1 : i32
      %add3A_252 = vector.broadcast %add3A_251 : i32 to vector<16xi32>
      %add3A_253 = arith.addi %mul3A_237, %add3A_252 : vector<16xi32>
      %gather3A_254 = tpu.vector_load_idx %arg7[%add3A_253] : memref<6144xf32, #tpu.memory_space<vmem>>[vector<16xi32>], vector<16xf32>,
      %add3A_255 = arith.constant 1 : i32
      %add3A_256 = vector.broadcast %add3A_255 : i32 to vector<16xi32>
      %add3A_257 = arith.addi %mul3A_240, %add3A_256 : vector<16xi32>
      %gather3A_258 = tpu.vector_load_idx %arg7[%add3A_257] : memref<6144xf32, #tpu.memory_space<vmem>>[vector<16xi32>], vector<16xf32>,
      %add3A_259 = arith.constant 1 : i32
      %add3A_260 = vector.broadcast %add3A_259 : i32 to vector<16xi32>
      %add3A_261 = arith.addi %mul3A_243, %add3A_260 : vector<16xi32>
      %gather3A_262 = tpu.vector_load_idx %arg7[%add3A_261] : memref<6144xf32, #tpu.memory_space<vmem>>[vector<16xi32>], vector<16xf32>,
      %add3A_263 = arith.constant 1 : i32
      %add3A_264 = vector.broadcast %add3A_263 : i32 to vector<16xi32>
      %add3A_265 = arith.addi %mul3A_246, %add3A_264 : vector<16xi32>
      %gather3A_266 = tpu.vector_load_idx %arg7[%add3A_265] : memref<6144xf32, #tpu.memory_space<vmem>>[vector<16xi32>], vector<16xf32>,
      %add3A_267 = arith.constant 2 : i32
      %add3A_268 = vector.broadcast %add3A_267 : i32 to vector<16xi32>
      %add3A_269 = arith.addi %mul3A_237, %add3A_268 : vector<16xi32>
      %gather3A_270 = tpu.vector_load_idx %arg7[%add3A_269] : memref<6144xf32, #tpu.memory_space<vmem>>[vector<16xi32>], vector<16xf32>,
      %add3A_271 = arith.constant 2 : i32
      %add3A_272 = vector.broadcast %add3A_271 : i32 to vector<16xi32>
      %add3A_273 = arith.addi %mul3A_240, %add3A_272 : vector<16xi32>
      %gather3A_274 = tpu.vector_load_idx %arg7[%add3A_273] : memref<6144xf32, #tpu.memory_space<vmem>>[vector<16xi32>], vector<16xf32>,
      %add3A_275 = arith.constant 2 : i32
      %add3A_276 = vector.broadcast %add3A_275 : i32 to vector<16xi32>
      %add3A_277 = arith.addi %mul3A_243, %add3A_276 : vector<16xi32>
      %gather3A_278 = tpu.vector_load_idx %arg7[%add3A_277] : memref<6144xf32, #tpu.memory_space<vmem>>[vector<16xi32>], vector<16xf32>,
      %add3A_279 = arith.constant 2 : i32
      %add3A_280 = vector.broadcast %add3A_279 : i32 to vector<16xi32>
      %add3A_281 = arith.addi %mul3A_246, %add3A_280 : vector<16xi32>
      %gather3A_282 = tpu.vector_load_idx %arg7[%add3A_281] : memref<6144xf32, #tpu.memory_space<vmem>>[vector<16xi32>], vector<16xf32>,
      %sub3A_283 = arith.subf %gather3A_247, %gather3A : vector<16xf32>
      %sub3A_284 = arith.subf %gather3A_248, %gather3A : vector<16xf32>
      %sub3A_285 = arith.subf %gather3A_249, %gather3A : vector<16xf32>
      %sub3A_286 = arith.subf %gather3A_250, %gather3A : vector<16xf32>
      %sub3A_287 = arith.subf %gather3A_254, %gather3A_206 : vector<16xf32>
      %sub3A_288 = arith.subf %gather3A_258, %gather3A_206 : vector<16xf32>
      %sub3A_289 = arith.subf %gather3A_262, %gather3A_206 : vector<16xf32>
      %sub3A_290 = arith.subf %gather3A_266, %gather3A_206 : vector<16xf32>
      %sub3A_291 = arith.subf %gather3A_270, %gather3A_210 : vector<16xf32>
      %sub3A_292 = arith.subf %gather3A_274, %gather3A_210 : vector<16xf32>
      %sub3A_293 = arith.subf %gather3A_278, %gather3A_210 : vector<16xf32>
      %sub3A_294 = arith.subf %gather3A_282, %gather3A_210 : vector<16xf32>
      %mul3A_295 = arith.mulf %sub3A_283, %sub3A_283 : vector<16xf32>
      %mul3A_296 = arith.mulf %sub3A_287, %sub3A_287 : vector<16xf32>
      %add3A_297 = arith.addf %mul3A_295, %mul3A_296 : vector<16xf32>
      %mul3A_298 = arith.mulf %sub3A_291, %sub3A_291 : vector<16xf32>
      %add3A_299 = arith.addf %add3A_297, %mul3A_298 : vector<16xf32>
      %mul3A_300 = arith.mulf %sub3A_284, %sub3A_284 : vector<16xf32>
      %mul3A_301 = arith.mulf %sub3A_288, %sub3A_288 : vector<16xf32>
      %add3A_302 = arith.addf %mul3A_300, %mul3A_301 : vector<16xf32>
      %mul3A_303 = arith.mulf %sub3A_292, %sub3A_292 : vector<16xf32>
      %add3A_304 = arith.addf %add3A_302, %mul3A_303 : vector<16xf32>
      %mul3A_305 = arith.mulf %sub3A_285, %sub3A_285 : vector<16xf32>
      %mul3A_306 = arith.mulf %sub3A_289, %sub3A_289 : vector<16xf32>
      %add3A_307 = arith.addf %mul3A_305, %mul3A_306 : vector<16xf32>
      %mul3A_308 = arith.mulf %sub3A_293, %sub3A_293 : vector<16xf32>
      %add3A_309 = arith.addf %add3A_307, %mul3A_308 : vector<16xf32>
      %mul3A_310 = arith.mulf %sub3A_286, %sub3A_286 : vector<16xf32>
      %mul3A_311 = arith.mulf %sub3A_290, %sub3A_290 : vector<16xf32>
      %add3A_312 = arith.addf %mul3A_310, %mul3A_311 : vector<16xf32>
      %mul3A_313 = arith.mulf %sub3A_294, %sub3A_294 : vector<16xf32>
      %add3A_314 = arith.addf %add3A_312, %mul3A_313 : vector<16xf32>
      %bitcast3A = vector.bitcast %add3A_299 : vector<16xf32> to vector<16xi32>
      %shift_right_logical3A = arith.constant 1 : i32
      %shift_right_logical3A_315 = vector.broadcast %shift_right_logical3A : i32 to vector<16xi32>
      %shift_right_logical3A_316 = arith.shrui %bitcast3A, %shift_right_logical3A_315 : vector<16xi32>
      %sub3A_317 = arith.constant 1597463007 : i32
      %sub3A_318 = vector.broadcast %sub3A_317 : i32 to vector<16xi32>
      %sub3A_319 = arith.subi %sub3A_318, %shift_right_logical3A_316 : vector<16xi32>
      %bitcast3A_320 = vector.bitcast %add3A_304 : vector<16xf32> to vector<16xi32>
      %shift_right_logical3A_321 = arith.constant 1 : i32
      %shift_right_logical3A_322 = vector.broadcast %shift_right_logical3A_321 : i32 to vector<16xi32>
      %shift_right_logical3A_323 = arith.shrui %bitcast3A_320, %shift_right_logical3A_322 : vector<16xi32>
      %sub3A_324 = arith.constant 1597463007 : i32
      %sub3A_325 = vector.broadcast %sub3A_324 : i32 to vector<16xi32>
      %sub3A_326 = arith.subi %sub3A_325, %shift_right_logical3A_323 : vector<16xi32>
      %bitcast3A_327 = vector.bitcast %add3A_309 : vector<16xf32> to vector<16xi32>
      %shift_right_logical3A_328 = arith.constant 1 : i32
      %shift_right_logical3A_329 = vector.broadcast %shift_right_logical3A_328 : i32 to vector<16xi32>
      %shift_right_logical3A_330 = arith.shrui %bitcast3A_327, %shift_right_logical3A_329 : vector<16xi32>
      %sub3A_331 = arith.constant 1597463007 : i32
      %sub3A_332 = vector.broadcast %sub3A_331 : i32 to vector<16xi32>
      %sub3A_333 = arith.subi %sub3A_332, %shift_right_logical3A_330 : vector<16xi32>
      %bitcast3A_334 = vector.bitcast %add3A_314 : vector<16xf32> to vector<16xi32>
      %shift_right_logical3A_335 = arith.constant 1 : i32
      %shift_right_logical3A_336 = vector.broadcast %shift_right_logical3A_335 : i32 to vector<16xi32>
      %shift_right_logical3A_337 = arith.shrui %bitcast3A_334, %shift_right_logical3A_336 : vector<16xi32>
      %sub3A_338 = arith.constant 1597463007 : i32
      %sub3A_339 = vector.broadcast %sub3A_338 : i32 to vector<16xi32>
      %sub3A_340 = arith.subi %sub3A_339, %shift_right_logical3A_337 : vector<16xi32>
      %bitcast3A_341 = vector.bitcast %sub3A_319 : vector<16xi32> to vector<16xf32>
      %bitcast3A_342 = vector.bitcast %sub3A_326 : vector<16xi32> to vector<16xf32>
      %bitcast3A_343 = vector.bitcast %sub3A_333 : vector<16xi32> to vector<16xf32>
      %bitcast3A_344 = vector.bitcast %sub3A_340 : vector<16xi32> to vector<16xf32>
      %mul3A_345 = arith.constant 5.000000e-01 : f32
      %mul3A_346 = vector.broadcast %mul3A_345 : f32 to vector<16xf32>
      %mul3A_347 = arith.mulf %add3A_299, %mul3A_346 : vector<16xf32>
      %mul3A_348 = arith.constant 5.000000e-01 : f32
      %mul3A_349 = vector.broadcast %mul3A_348 : f32 to vector<16xf32>
      %mul3A_350 = arith.mulf %add3A_304, %mul3A_349 : vector<16xf32>
      %mul3A_351 = arith.constant 5.000000e-01 : f32
      %mul3A_352 = vector.broadcast %mul3A_351 : f32 to vector<16xf32>
      %mul3A_353 = arith.mulf %add3A_309, %mul3A_352 : vector<16xf32>
      %mul3A_354 = arith.constant 5.000000e-01 : f32
      %mul3A_355 = vector.broadcast %mul3A_354 : f32 to vector<16xf32>
      %mul3A_356 = arith.mulf %add3A_314, %mul3A_355 : vector<16xf32>
      %mul3A_357 = arith.mulf %mul3A_347, %bitcast3A_341 : vector<16xf32>
      %mul3A_358 = arith.mulf %mul3A_357, %bitcast3A_341 : vector<16xf32>
      %sub3A_359 = arith.constant 1.500000e+00 : f32
      %sub3A_360 = vector.broadcast %sub3A_359 : f32 to vector<16xf32>
      %sub3A_361 = arith.subf %sub3A_360, %mul3A_358 : vector<16xf32>
      %mul3A_362 = arith.mulf %bitcast3A_341, %sub3A_361 : vector<16xf32>
      %mul3A_363 = arith.mulf %mul3A_350, %bitcast3A_342 : vector<16xf32>
      %mul3A_364 = arith.mulf %mul3A_363, %bitcast3A_342 : vector<16xf32>
      %sub3A_365 = arith.constant 1.500000e+00 : f32
      %sub3A_366 = vector.broadcast %sub3A_365 : f32 to vector<16xf32>
      %sub3A_367 = arith.subf %sub3A_366, %mul3A_364 : vector<16xf32>
      %mul3A_368 = arith.mulf %bitcast3A_342, %sub3A_367 : vector<16xf32>
      %mul3A_369 = arith.mulf %mul3A_353, %bitcast3A_343 : vector<16xf32>
      %mul3A_370 = arith.mulf %mul3A_369, %bitcast3A_343 : vector<16xf32>
      %sub3A_371 = arith.constant 1.500000e+00 : f32
      %sub3A_372 = vector.broadcast %sub3A_371 : f32 to vector<16xf32>
      %sub3A_373 = arith.subf %sub3A_372, %mul3A_370 : vector<16xf32>
      %mul3A_374 = arith.mulf %bitcast3A_343, %sub3A_373 : vector<16xf32>
      %mul3A_375 = arith.mulf %mul3A_356, %bitcast3A_344 : vector<16xf32>
      %mul3A_376 = arith.mulf %mul3A_375, %bitcast3A_344 : vector<16xf32>
      %sub3A_377 = arith.constant 1.500000e+00 : f32
      %sub3A_378 = vector.broadcast %sub3A_377 : f32 to vector<16xf32>
      %sub3A_379 = arith.subf %sub3A_378, %mul3A_376 : vector<16xf32>
      %mul3A_380 = arith.mulf %bitcast3A_344, %sub3A_379 : vector<16xf32>
      %mul3A_381 = arith.mulf %mul3A_347, %mul3A_362 : vector<16xf32>
      %mul3A_382 = arith.mulf %mul3A_381, %mul3A_362 : vector<16xf32>
      %sub3A_383 = arith.constant 1.500000e+00 : f32
      %sub3A_384 = vector.broadcast %sub3A_383 : f32 to vector<16xf32>
      %sub3A_385 = arith.subf %sub3A_384, %mul3A_382 : vector<16xf32>
      %mul3A_386 = arith.mulf %mul3A_362, %sub3A_385 : vector<16xf32>
      %mul3A_387 = arith.mulf %mul3A_350, %mul3A_368 : vector<16xf32>
      %mul3A_388 = arith.mulf %mul3A_387, %mul3A_368 : vector<16xf32>
      %sub3A_389 = arith.constant 1.500000e+00 : f32
      %sub3A_390 = vector.broadcast %sub3A_389 : f32 to vector<16xf32>
      %sub3A_391 = arith.subf %sub3A_390, %mul3A_388 : vector<16xf32>
      %mul3A_392 = arith.mulf %mul3A_368, %sub3A_391 : vector<16xf32>
      %mul3A_393 = arith.mulf %mul3A_353, %mul3A_374 : vector<16xf32>
      %mul3A_394 = arith.mulf %mul3A_393, %mul3A_374 : vector<16xf32>
      %sub3A_395 = arith.constant 1.500000e+00 : f32
      %sub3A_396 = vector.broadcast %sub3A_395 : f32 to vector<16xf32>
      %sub3A_397 = arith.subf %sub3A_396, %mul3A_394 : vector<16xf32>
      %mul3A_398 = arith.mulf %mul3A_374, %sub3A_397 : vector<16xf32>
      %mul3A_399 = arith.mulf %mul3A_356, %mul3A_380 : vector<16xf32>
      %mul3A_400 = arith.mulf %mul3A_399, %mul3A_380 : vector<16xf32>
      %sub3A_401 = arith.constant 1.500000e+00 : f32
      %sub3A_402 = vector.broadcast %sub3A_401 : f32 to vector<16xf32>
      %sub3A_403 = arith.subf %sub3A_402, %mul3A_400 : vector<16xf32>
      %mul3A_404 = arith.mulf %mul3A_380, %sub3A_403 : vector<16xf32>
      %mul3A_405 = arith.mulf %add3A_299, %mul3A_386 : vector<16xf32>
      %mul3A_406 = arith.mulf %add3A_304, %mul3A_392 : vector<16xf32>
      %mul3A_407 = arith.mulf %add3A_309, %mul3A_398 : vector<16xf32>
      %mul3A_408 = arith.mulf %add3A_314, %mul3A_404 : vector<16xf32>
      %gt3A = arith.constant 0.000000e+00 : f32
      %gt3A_409 = vector.broadcast %gt3A : f32 to vector<16xf32>
      %gt3A_410 = arith.cmpf ogt, %add3A_299, %gt3A_409 : vector<16xf32>
      %jit3A_411 = arith.constant 0.000000e+00 : f32
      %broadcast_in_dim3A_412 = vector.broadcast %jit3A_411 : f32 to vector<16xf32>
      %select_n3A_413 = arith.select %gt3A_410, %mul3A_405, %broadcast_in_dim3A_412 : vector<16xi1>, vector<16xf32>
      %gt3A_414 = arith.constant 0.000000e+00 : f32
      %gt3A_415 = vector.broadcast %gt3A_414 : f32 to vector<16xf32>
      %gt3A_416 = arith.cmpf ogt, %add3A_304, %gt3A_415 : vector<16xf32>
      %jit3A_417 = arith.constant 0.000000e+00 : f32
      %broadcast_in_dim3A_418 = vector.broadcast %jit3A_417 : f32 to vector<16xf32>
      %select_n3A_419 = arith.select %gt3A_416, %mul3A_406, %broadcast_in_dim3A_418 : vector<16xi1>, vector<16xf32>
      %gt3A_420 = arith.constant 0.000000e+00 : f32
      %gt3A_421 = vector.broadcast %gt3A_420 : f32 to vector<16xf32>
      %gt3A_422 = arith.cmpf ogt, %add3A_309, %gt3A_421 : vector<16xf32>
      %jit3A_423 = arith.constant 0.000000e+00 : f32
      %broadcast_in_dim3A_424 = vector.broadcast %jit3A_423 : f32 to vector<16xf32>
      %select_n3A_425 = arith.select %gt3A_422, %mul3A_407, %broadcast_in_dim3A_424 : vector<16xi1>, vector<16xf32>
      %gt3A_426 = arith.constant 0.000000e+00 : f32
      %gt3A_427 = vector.broadcast %gt3A_426 : f32 to vector<16xf32>
      %gt3A_428 = arith.cmpf ogt, %add3A_314, %gt3A_427 : vector<16xf32>
      %jit3A_429 = arith.constant 0.000000e+00 : f32
      %broadcast_in_dim3A_430 = vector.broadcast %jit3A_429 : f32 to vector<16xf32>
      %select_n3A_431 = arith.select %gt3A_428, %mul3A_408, %broadcast_in_dim3A_430 : vector<16xi1>, vector<16xf32>
      %ne3A_432 = arith.constant 0 : i32
      %ne3A_433 = vector.broadcast %ne3A_432 : i32 to vector<16xi32>
      %ne3A_434 = arith.cmpi ne, %gather3A_227, %ne3A_433 : vector<16xi32>
      %ne3A_435 = arith.constant 0 : i32
      %ne3A_436 = vector.broadcast %ne3A_435 : i32 to vector<16xi32>
      %ne3A_437 = arith.cmpi ne, %gather3A_228, %ne3A_436 : vector<16xi32>
      %ne3A_438 = arith.constant 0 : i32
      %ne3A_439 = vector.broadcast %ne3A_438 : i32 to vector<16xi32>
      %ne3A_440 = arith.cmpi ne, %gather3A_229, %ne3A_439 : vector<16xi32>
      %ne3A_441 = arith.constant 0 : i32
      %ne3A_442 = vector.broadcast %ne3A_441 : i32 to vector<16xi32>
      %ne3A_443 = arith.cmpi ne, %gather3A_230, %ne3A_442 : vector<16xi32>
      %jit3A_444 = arith.constant 0.000000e+00 : f32
      %broadcast_in_dim3A_445 = vector.broadcast %jit3A_444 : f32 to vector<16xf32>
      %select_n3A_446 = arith.select %ne3A_434, %select_n3A_413, %broadcast_in_dim3A_445 : vector<16xi1>, vector<16xf32>
      tpu.vector_store_idx %arg12[%add3A_214], %select_n3A_446 : memref<8192xf32, #tpu.memory_space<vmem>>[vector<16xi32>], vector<16xf32>,
      %jit3A_447 = arith.constant 0.000000e+00 : f32
      %broadcast_in_dim3A_448 = vector.broadcast %jit3A_447 : f32 to vector<16xf32>
      %select_n3A_449 = arith.select %ne3A_437, %select_n3A_419, %broadcast_in_dim3A_448 : vector<16xi1>, vector<16xf32>
      tpu.vector_store_idx %arg12[%add3A_218], %select_n3A_449 : memref<8192xf32, #tpu.memory_space<vmem>>[vector<16xi32>], vector<16xf32>,
      %jit3A_450 = arith.constant 0.000000e+00 : f32
      %broadcast_in_dim3A_451 = vector.broadcast %jit3A_450 : f32 to vector<16xf32>
      %select_n3A_452 = arith.select %ne3A_440, %select_n3A_425, %broadcast_in_dim3A_451 : vector<16xi1>, vector<16xf32>
      tpu.vector_store_idx %arg12[%add3A_222], %select_n3A_452 : memref<8192xf32, #tpu.memory_space<vmem>>[vector<16xi32>], vector<16xf32>,
      %jit3A_453 = arith.constant 0.000000e+00 : f32
      %broadcast_in_dim3A_454 = vector.broadcast %jit3A_453 : f32 to vector<16xf32>
      %select_n3A_455 = arith.select %ne3A_443, %select_n3A_431, %broadcast_in_dim3A_454 : vector<16xi1>, vector<16xf32>
      tpu.vector_store_idx %arg12[%add3A_226], %select_n3A_455 : memref<8192xf32, #tpu.memory_space<vmem>>[vector<16xi32>], vector<16xf32>,
      %add3A_456 = arith.constant 9.99999993E-9 : f32
      %add3A_457 = vector.broadcast %add3A_456 : f32 to vector<16xf32>
      %add3A_458 = arith.addf %select_n3A_413, %add3A_457 : vector<16xf32>
      %jit3A_459 = arith.constant 1.000000e+00 : f32
      %broadcast_in_dim3A_460 = vector.broadcast %jit3A_459 : f32 to vector<16xf32>
      %select_n3A_461 = arith.select %ne3A_434, %add3A_458, %broadcast_in_dim3A_460 : vector<16xi1>, vector<16xf32>
      %div3A_462 = arith.constant 1.000000e+00 : f32
      %div3A_463 = vector.broadcast %div3A_462 : f32 to vector<16xf32>
      %div3A_464 = arith.divf %div3A_463, %select_n3A_461 : vector<16xf32>
      %add3A_465 = arith.constant 9.99999993E-9 : f32
      %add3A_466 = vector.broadcast %add3A_465 : f32 to vector<16xf32>
      %add3A_467 = arith.addf %select_n3A_419, %add3A_466 : vector<16xf32>
      %jit3A_468 = arith.constant 1.000000e+00 : f32
      %broadcast_in_dim3A_469 = vector.broadcast %jit3A_468 : f32 to vector<16xf32>
      %select_n3A_470 = arith.select %ne3A_437, %add3A_467, %broadcast_in_dim3A_469 : vector<16xi1>, vector<16xf32>
      %div3A_471 = arith.constant 1.000000e+00 : f32
      %div3A_472 = vector.broadcast %div3A_471 : f32 to vector<16xf32>
      %div3A_473 = arith.divf %div3A_472, %select_n3A_470 : vector<16xf32>
      %add3A_474 = arith.constant 9.99999993E-9 : f32
      %add3A_475 = vector.broadcast %add3A_474 : f32 to vector<16xf32>
      %add3A_476 = arith.addf %select_n3A_425, %add3A_475 : vector<16xf32>
      %jit3A_477 = arith.constant 1.000000e+00 : f32
      %broadcast_in_dim3A_478 = vector.broadcast %jit3A_477 : f32 to vector<16xf32>
      %select_n3A_479 = arith.select %ne3A_440, %add3A_476, %broadcast_in_dim3A_478 : vector<16xi1>, vector<16xf32>
      %div3A_480 = arith.constant 1.000000e+00 : f32
      %div3A_481 = vector.broadcast %div3A_480 : f32 to vector<16xf32>
      %div3A_482 = arith.divf %div3A_481, %select_n3A_479 : vector<16xf32>
      %add3A_483 = arith.constant 9.99999993E-9 : f32
      %add3A_484 = vector.broadcast %add3A_483 : f32 to vector<16xf32>
      %add3A_485 = arith.addf %select_n3A_431, %add3A_484 : vector<16xf32>
      %jit3A_486 = arith.constant 1.000000e+00 : f32
      %broadcast_in_dim3A_487 = vector.broadcast %jit3A_486 : f32 to vector<16xf32>
      %select_n3A_488 = arith.select %ne3A_443, %add3A_485, %broadcast_in_dim3A_487 : vector<16xi1>, vector<16xf32>
      %div3A_489 = arith.constant 1.000000e+00 : f32
      %div3A_490 = vector.broadcast %div3A_489 : f32 to vector<16xf32>
      %div3A_491 = arith.divf %div3A_490, %select_n3A_488 : vector<16xf32>
      %add3A_492 = arith.constant 0 : i32
      %add3A_493 = arith.addi %mul3A_199, %add3A_492 : i32
      %mul3A_494 = arith.constant 3 : i32
      %mul3A_495 = arith.muli %mul3A_494, %add3A_493 : i32
      %add3A_496 = vector.broadcast %mul3A_495 : i32 to vector<16xi32>
      %add3A_497 = arith.addi %mul3A_47, %add3A_496 : vector<16xi32>
      %add3A_498 = arith.constant 1 : i32
      %add3A_499 = arith.addi %mul3A_199, %add3A_498 : i32
      %mul3A_500 = arith.constant 3 : i32
      %mul3A_501 = arith.muli %mul3A_500, %add3A_499 : i32
      %add3A_502 = vector.broadcast %mul3A_501 : i32 to vector<16xi32>
      %add3A_503 = arith.addi %mul3A_47, %add3A_502 : vector<16xi32>
      %add3A_504 = arith.constant 2 : i32
      %add3A_505 = arith.addi %mul3A_199, %add3A_504 : i32
      %mul3A_506 = arith.constant 3 : i32
      %mul3A_507 = arith.muli %mul3A_506, %add3A_505 : i32
      %add3A_508 = vector.broadcast %mul3A_507 : i32 to vector<16xi32>
      %add3A_509 = arith.addi %mul3A_47, %add3A_508 : vector<16xi32>
      %add3A_510 = arith.constant 3 : i32
      %add3A_511 = arith.addi %mul3A_199, %add3A_510 : i32
      %mul3A_512 = arith.constant 3 : i32
      %mul3A_513 = arith.muli %mul3A_512, %add3A_511 : i32
      %add3A_514 = vector.broadcast %mul3A_513 : i32 to vector<16xi32>
      %add3A_515 = arith.addi %mul3A_47, %add3A_514 : vector<16xi32>
      %mul3A_516 = arith.mulf %sub3A_283, %div3A_464 : vector<16xf32>
      tpu.vector_store_idx %arg14[%add3A_497], %mul3A_516 : memref<24576xf32, #tpu.memory_space<vmem>>[vector<16xi32>], vector<16xf32>,
      %add3A_517 = arith.constant 1 : i32
      %add3A_518 = vector.broadcast %add3A_517 : i32 to vector<16xi32>
      %add3A_519 = arith.addi %add3A_497, %add3A_518 : vector<16xi32>
      %mul3A_520 = arith.mulf %sub3A_287, %div3A_464 : vector<16xf32>
      tpu.vector_store_idx %arg14[%add3A_519], %mul3A_520 : memref<24576xf32, #tpu.memory_space<vmem>>[vector<16xi32>], vector<16xf32>,
      %add3A_521 = arith.constant 2 : i32
      %add3A_522 = vector.broadcast %add3A_521 : i32 to vector<16xi32>
      %add3A_523 = arith.addi %add3A_497, %add3A_522 : vector<16xi32>
      %mul3A_524 = arith.mulf %sub3A_291, %div3A_464 : vector<16xf32>
      tpu.vector_store_idx %arg14[%add3A_523], %mul3A_524 : memref<24576xf32, #tpu.memory_space<vmem>>[vector<16xi32>], vector<16xf32>,
      %mul3A_525 = arith.mulf %sub3A_284, %div3A_473 : vector<16xf32>
      tpu.vector_store_idx %arg14[%add3A_503], %mul3A_525 : memref<24576xf32, #tpu.memory_space<vmem>>[vector<16xi32>], vector<16xf32>,
      %add3A_526 = arith.constant 1 : i32
      %add3A_527 = vector.broadcast %add3A_526 : i32 to vector<16xi32>
      %add3A_528 = arith.addi %add3A_503, %add3A_527 : vector<16xi32>
      %mul3A_529 = arith.mulf %sub3A_288, %div3A_473 : vector<16xf32>
      tpu.vector_store_idx %arg14[%add3A_528], %mul3A_529 : memref<24576xf32, #tpu.memory_space<vmem>>[vector<16xi32>], vector<16xf32>,
      %add3A_530 = arith.constant 2 : i32
      %add3A_531 = vector.broadcast %add3A_530 : i32 to vector<16xi32>
      %add3A_532 = arith.addi %add3A_503, %add3A_531 : vector<16xi32>
      %mul3A_533 = arith.mulf %sub3A_292, %div3A_473 : vector<16xf32>
      tpu.vector_store_idx %arg14[%add3A_532], %mul3A_533 : memref<24576xf32, #tpu.memory_space<vmem>>[vector<16xi32>], vector<16xf32>,
      %mul3A_534 = arith.mulf %sub3A_285, %div3A_482 : vector<16xf32>
      tpu.vector_store_idx %arg14[%add3A_509], %mul3A_534 : memref<24576xf32, #tpu.memory_space<vmem>>[vector<16xi32>], vector<16xf32>,
      %add3A_535 = arith.constant 1 : i32
      %add3A_536 = vector.broadcast %add3A_535 : i32 to vector<16xi32>
      %add3A_537 = arith.addi %add3A_509, %add3A_536 : vector<16xi32>
      %mul3A_538 = arith.mulf %sub3A_289, %div3A_482 : vector<16xf32>
      tpu.vector_store_idx %arg14[%add3A_537], %mul3A_538 : memref<24576xf32, #tpu.memory_space<vmem>>[vector<16xi32>], vector<16xf32>,
      %add3A_539 = arith.constant 2 : i32
      %add3A_540 = vector.broadcast %add3A_539 : i32 to vector<16xi32>
      %add3A_541 = arith.addi %add3A_509, %add3A_540 : vector<16xi32>
      %mul3A_542 = arith.mulf %sub3A_293, %div3A_482 : vector<16xf32>
      tpu.vector_store_idx %arg14[%add3A_541], %mul3A_542 : memref<24576xf32, #tpu.memory_space<vmem>>[vector<16xi32>], vector<16xf32>,
      %mul3A_543 = arith.mulf %sub3A_286, %div3A_491 : vector<16xf32>
      tpu.vector_store_idx %arg14[%add3A_515], %mul3A_543 : memref<24576xf32, #tpu.memory_space<vmem>>[vector<16xi32>], vector<16xf32>,
      %add3A_544 = arith.constant 1 : i32
      %add3A_545 = vector.broadcast %add3A_544 : i32 to vector<16xi32>
      %add3A_546 = arith.addi %add3A_515, %add3A_545 : vector<16xi32>
      %mul3A_547 = arith.mulf %sub3A_290, %div3A_491 : vector<16xf32>
      tpu.vector_store_idx %arg14[%add3A_546], %mul3A_547 : memref<24576xf32, #tpu.memory_space<vmem>>[vector<16xi32>], vector<16xf32>,
      %add3A_548 = arith.constant 2 : i32
      %add3A_549 = vector.broadcast %add3A_548 : i32 to vector<16xi32>
      %add3A_550 = arith.addi %add3A_515, %add3A_549 : vector<16xi32>
      %mul3A_551 = arith.mulf %sub3A_294, %div3A_491 : vector<16xf32>
      tpu.vector_store_idx %arg14[%add3A_550], %mul3A_551 : memref<24576xf32, #tpu.memory_space<vmem>>[vector<16xi32>], vector<16xf32>,
    }
    %scan3A_140 = arith.constant 128 : i32
    %add3A_141 = arith.constant 16384 : i32
    %add3A_142 = arith.addi %mul3A_41, %add3A_141 : i32
    %dma_start3A_143 = tpu.memref_slice %arg5[%add3A_142] : memref<1048576xf32, #tpu.memory_space<hbm>> -> memref<8192xf32, #tpu.memory_space<hbm>>
    %dma_start3A_144 = tpu.memref_slice %arg5[%add3A_142] : memref<1048576xf32, #tpu.memory_space<hbm>> -> memref<8192xf32, #tpu.memory_space<hbm>>
    tpu.enqueue_dma source(%arg12 : memref<8192xf32, #tpu.memory_space<vmem>>) target(%dma_start3A_144 : memref<8192xf32, #tpu.memory_space<hbm>>) target_semaphore(%arg18 : memref<!tpu.dma_semaphore, #tpu.memory_space<semaphore_mem>>)
    %mul3A_145 = arith.constant 3 : i32
    %mul3A_146 = arith.muli %add3A_142, %mul3A_145 : i32
    %dma_start3A_147 = tpu.memref_slice %arg6[%mul3A_146] : memref<3145728xf32, #tpu.memory_space<hbm>> -> memref<24576xf32, #tpu.memory_space<hbm>>
    %dma_start3A_148 = tpu.memref_slice %arg6[%mul3A_146] : memref<3145728xf32, #tpu.memory_space<hbm>> -> memref<24576xf32, #tpu.memory_space<hbm>>
    tpu.enqueue_dma source(%arg14 : memref<24576xf32, #tpu.memory_space<vmem>>) target(%dma_start3A_148 : memref<24576xf32, #tpu.memory_space<hbm>>) target_semaphore(%arg18 : memref<!tpu.dma_semaphore, #tpu.memory_space<semaphore_mem>>)
    %dma_wait3A_149 = arith.constant 0 : i32
    %dma_wait3A_150 = tpu.memref_slice %arg3[%dma_wait3A_149] : memref<1048576xi32, #tpu.memory_space<hbm>> -> memref<8192xi32, #tpu.memory_space<hbm>>
    %dma_wait3A_151 = arith.constant 0 : i32
    %dma_wait3A_152 = tpu.memref_slice %arg3[%dma_wait3A_151] : memref<1048576xi32, #tpu.memory_space<hbm>> -> memref<8192xi32, #tpu.memory_space<hbm>>
    tpu.wait_dma2 semaphore(%arg17 : memref<!tpu.dma_semaphore, #tpu.memory_space<semaphore_mem>>) src(%dma_wait3A_152 : memref<8192xi32, #tpu.memory_space<hbm>>) dst(%arg9 : memref<8192xi32, #tpu.memory_space<vmem>>)
    %dma_wait3A_153 = arith.constant 0 : i32
    %dma_wait3A_154 = tpu.memref_slice %arg4[%dma_wait3A_153] : memref<1048576xi32, #tpu.memory_space<hbm>> -> memref<8192xi32, #tpu.memory_space<hbm>>
    %dma_wait3A_155 = arith.constant 0 : i32
    %dma_wait3A_156 = tpu.memref_slice %arg4[%dma_wait3A_155] : memref<1048576xi32, #tpu.memory_space<hbm>> -> memref<8192xi32, #tpu.memory_space<hbm>>
    tpu.wait_dma2 semaphore(%arg17 : memref<!tpu.dma_semaphore, #tpu.memory_space<semaphore_mem>>) src(%dma_wait3A_156 : memref<8192xi32, #tpu.memory_space<hbm>>) dst(%arg11 : memref<8192xi32, #tpu.memory_space<vmem>>)
    %dma_wait3A_157 = arith.constant 0 : i32
    %dma_wait3A_158 = tpu.memref_slice %arg5[%dma_wait3A_157] : memref<1048576xf32, #tpu.memory_space<hbm>> -> memref<8192xf32, #tpu.memory_space<hbm>>
    %dma_wait3A_159 = arith.constant 0 : i32
    %dma_wait3A_160 = tpu.memref_slice %arg5[%dma_wait3A_159] : memref<1048576xf32, #tpu.memory_space<hbm>> -> memref<8192xf32, #tpu.memory_space<hbm>>
    tpu.wait_dma2 semaphore(%arg19 : memref<!tpu.dma_semaphore, #tpu.memory_space<semaphore_mem>>) src(%arg13 : memref<8192xf32, #tpu.memory_space<vmem>>) dst(%dma_wait3A_160 : memref<8192xf32, #tpu.memory_space<hbm>>)
    %dma_wait3A_161 = arith.constant 0 : i32
    %dma_wait3A_162 = tpu.memref_slice %arg6[%dma_wait3A_161] : memref<3145728xf32, #tpu.memory_space<hbm>> -> memref<24576xf32, #tpu.memory_space<hbm>>
    %dma_wait3A_163 = arith.constant 0 : i32
    %dma_wait3A_164 = tpu.memref_slice %arg6[%dma_wait3A_163] : memref<3145728xf32, #tpu.memory_space<hbm>> -> memref<24576xf32, #tpu.memory_space<hbm>>
    tpu.wait_dma2 semaphore(%arg19 : memref<!tpu.dma_semaphore, #tpu.memory_space<semaphore_mem>>) src(%arg15 : memref<24576xf32, #tpu.memory_space<vmem>>) dst(%dma_wait3A_164 : memref<24576xf32, #tpu.memory_space<hbm>>)
    %add3A_165 = arith.constant 384 : i32
    %add3A_166 = arith.addi %mul3A_32, %add3A_165 : i32
    %scan3A_167 = arith.constant 0 : i32
    %scan3A_168 = arith.constant 0 : i32
    %scan3A_169 = arith.constant 128 : i32
    %scan3A_170 = arith.addi %scan3A_168, %scan3A_169 : i32
    %scan3A_171 = arith.constant 1 : i32
    scf.for %scan3A_197 = %scan3A_168 to %scan3A_170 step %scan3A_171  : i32 {
      %mul3A_198 = arith.constant 64 : i32
      %mul3A_199 = arith.muli %scan3A_197, %mul3A_198 : i32
      %add3A_200 = arith.addi %add3A_166, %scan3A_197 : i32
      %mul3A_201 = arith.constant 3 : i32
      %mul3A_202 = arith.muli %add3A_200, %mul3A_201 : i32
      %broadcast_in_dim3A = vector.broadcast %mul3A_202 : i32 to vector<16xi32>
      %gather3A = tpu.vector_load_idx %arg7[%broadcast_in_dim3A] : memref<6144xf32, #tpu.memory_space<vmem>>[vector<16xi32>], vector<16xf32>,
      %add3A_203 = arith.constant 1 : i32
      %add3A_204 = vector.broadcast %add3A_203 : i32 to vector<16xi32>
      %add3A_205 = arith.addi %broadcast_in_dim3A, %add3A_204 : vector<16xi32>
      %gather3A_206 = tpu.vector_load_idx %arg7[%add3A_205] : memref<6144xf32, #tpu.memory_space<vmem>>[vector<16xi32>], vector<16xf32>,
      %add3A_207 = arith.constant 2 : i32
      %add3A_208 = vector.broadcast %add3A_207 : i32 to vector<16xi32>
      %add3A_209 = arith.addi %broadcast_in_dim3A, %add3A_208 : vector<16xi32>
      %gather3A_210 = tpu.vector_load_idx %arg7[%add3A_209] : memref<6144xf32, #tpu.memory_space<vmem>>[vector<16xi32>], vector<16xf32>,
      %add3A_211 = arith.constant 0 : i32
      %add3A_212 = arith.addi %mul3A_199, %add3A_211 : i32
      %add3A_213 = vector.broadcast %add3A_212 : i32 to vector<16xi32>
      %add3A_214 = arith.addi %mul3A_44, %add3A_213 : vector<16xi32>
      %add3A_215 = arith.constant 1 : i32
      %add3A_216 = arith.addi %mul3A_199, %add3A_215 : i32
      %add3A_217 = vector.broadcast %add3A_216 : i32 to vector<16xi32>
      %add3A_218 = arith.addi %mul3A_44, %add3A_217 : vector<16xi32>
      %add3A_219 = arith.constant 2 : i32
      %add3A_220 = arith.addi %mul3A_199, %add3A_219 : i32
      %add3A_221 = vector.broadcast %add3A_220 : i32 to vector<16xi32>
      %add3A_222 = arith.addi %mul3A_44, %add3A_221 : vector<16xi32>
      %add3A_223 = arith.constant 3 : i32
      %add3A_224 = arith.addi %mul3A_199, %add3A_223 : i32
      %add3A_225 = vector.broadcast %add3A_224 : i32 to vector<16xi32>
      %add3A_226 = arith.addi %mul3A_44, %add3A_225 : vector<16xi32>
      %gather3A_227 = tpu.vector_load_idx %arg11[%add3A_214] : memref<8192xi32, #tpu.memory_space<vmem>>[vector<16xi32>], vector<16xi32>,
      %gather3A_228 = tpu.vector_load_idx %arg11[%add3A_218] : memref<8192xi32, #tpu.memory_space<vmem>>[vector<16xi32>], vector<16xi32>,
      %gather3A_229 = tpu.vector_load_idx %arg11[%add3A_222] : memref<8192xi32, #tpu.memory_space<vmem>>[vector<16xi32>], vector<16xi32>,
      %gather3A_230 = tpu.vector_load_idx %arg11[%add3A_226] : memref<8192xi32, #tpu.memory_space<vmem>>[vector<16xi32>], vector<16xi32>,
      %gather3A_231 = tpu.vector_load_idx %arg9[%add3A_214] : memref<8192xi32, #tpu.memory_space<vmem>>[vector<16xi32>], vector<16xi32>,
      %gather3A_232 = tpu.vector_load_idx %arg9[%add3A_218] : memref<8192xi32, #tpu.memory_space<vmem>>[vector<16xi32>], vector<16xi32>,
      %gather3A_233 = tpu.vector_load_idx %arg9[%add3A_222] : memref<8192xi32, #tpu.memory_space<vmem>>[vector<16xi32>], vector<16xi32>,
      %gather3A_234 = tpu.vector_load_idx %arg9[%add3A_226] : memref<8192xi32, #tpu.memory_space<vmem>>[vector<16xi32>], vector<16xi32>,
      %mul3A_235 = arith.constant 3 : i32
      %mul3A_236 = vector.broadcast %mul3A_235 : i32 to vector<16xi32>
      %mul3A_237 = arith.muli %gather3A_231, %mul3A_236 : vector<16xi32>
      %mul3A_238 = arith.constant 3 : i32
      %mul3A_239 = vector.broadcast %mul3A_238 : i32 to vector<16xi32>
      %mul3A_240 = arith.muli %gather3A_232, %mul3A_239 : vector<16xi32>
      %mul3A_241 = arith.constant 3 : i32
      %mul3A_242 = vector.broadcast %mul3A_241 : i32 to vector<16xi32>
      %mul3A_243 = arith.muli %gather3A_233, %mul3A_242 : vector<16xi32>
      %mul3A_244 = arith.constant 3 : i32
      %mul3A_245 = vector.broadcast %mul3A_244 : i32 to vector<16xi32>
      %mul3A_246 = arith.muli %gather3A_234, %mul3A_245 : vector<16xi32>
      %gather3A_247 = tpu.vector_load_idx %arg7[%mul3A_237] : memref<6144xf32, #tpu.memory_space<vmem>>[vector<16xi32>], vector<16xf32>,
      %gather3A_248 = tpu.vector_load_idx %arg7[%mul3A_240] : memref<6144xf32, #tpu.memory_space<vmem>>[vector<16xi32>], vector<16xf32>,
      %gather3A_249 = tpu.vector_load_idx %arg7[%mul3A_243] : memref<6144xf32, #tpu.memory_space<vmem>>[vector<16xi32>], vector<16xf32>,
      %gather3A_250 = tpu.vector_load_idx %arg7[%mul3A_246] : memref<6144xf32, #tpu.memory_space<vmem>>[vector<16xi32>], vector<16xf32>,
      %add3A_251 = arith.constant 1 : i32
      %add3A_252 = vector.broadcast %add3A_251 : i32 to vector<16xi32>
      %add3A_253 = arith.addi %mul3A_237, %add3A_252 : vector<16xi32>
      %gather3A_254 = tpu.vector_load_idx %arg7[%add3A_253] : memref<6144xf32, #tpu.memory_space<vmem>>[vector<16xi32>], vector<16xf32>,
      %add3A_255 = arith.constant 1 : i32
      %add3A_256 = vector.broadcast %add3A_255 : i32 to vector<16xi32>
      %add3A_257 = arith.addi %mul3A_240, %add3A_256 : vector<16xi32>
      %gather3A_258 = tpu.vector_load_idx %arg7[%add3A_257] : memref<6144xf32, #tpu.memory_space<vmem>>[vector<16xi32>], vector<16xf32>,
      %add3A_259 = arith.constant 1 : i32
      %add3A_260 = vector.broadcast %add3A_259 : i32 to vector<16xi32>
      %add3A_261 = arith.addi %mul3A_243, %add3A_260 : vector<16xi32>
      %gather3A_262 = tpu.vector_load_idx %arg7[%add3A_261] : memref<6144xf32, #tpu.memory_space<vmem>>[vector<16xi32>], vector<16xf32>,
      %add3A_263 = arith.constant 1 : i32
      %add3A_264 = vector.broadcast %add3A_263 : i32 to vector<16xi32>
      %add3A_265 = arith.addi %mul3A_246, %add3A_264 : vector<16xi32>
      %gather3A_266 = tpu.vector_load_idx %arg7[%add3A_265] : memref<6144xf32, #tpu.memory_space<vmem>>[vector<16xi32>], vector<16xf32>,
      %add3A_267 = arith.constant 2 : i32
      %add3A_268 = vector.broadcast %add3A_267 : i32 to vector<16xi32>
      %add3A_269 = arith.addi %mul3A_237, %add3A_268 : vector<16xi32>
      %gather3A_270 = tpu.vector_load_idx %arg7[%add3A_269] : memref<6144xf32, #tpu.memory_space<vmem>>[vector<16xi32>], vector<16xf32>,
      %add3A_271 = arith.constant 2 : i32
      %add3A_272 = vector.broadcast %add3A_271 : i32 to vector<16xi32>
      %add3A_273 = arith.addi %mul3A_240, %add3A_272 : vector<16xi32>
      %gather3A_274 = tpu.vector_load_idx %arg7[%add3A_273] : memref<6144xf32, #tpu.memory_space<vmem>>[vector<16xi32>], vector<16xf32>,
      %add3A_275 = arith.constant 2 : i32
      %add3A_276 = vector.broadcast %add3A_275 : i32 to vector<16xi32>
      %add3A_277 = arith.addi %mul3A_243, %add3A_276 : vector<16xi32>
      %gather3A_278 = tpu.vector_load_idx %arg7[%add3A_277] : memref<6144xf32, #tpu.memory_space<vmem>>[vector<16xi32>], vector<16xf32>,
      %add3A_279 = arith.constant 2 : i32
      %add3A_280 = vector.broadcast %add3A_279 : i32 to vector<16xi32>
      %add3A_281 = arith.addi %mul3A_246, %add3A_280 : vector<16xi32>
      %gather3A_282 = tpu.vector_load_idx %arg7[%add3A_281] : memref<6144xf32, #tpu.memory_space<vmem>>[vector<16xi32>], vector<16xf32>,
      %sub3A_283 = arith.subf %gather3A_247, %gather3A : vector<16xf32>
      %sub3A_284 = arith.subf %gather3A_248, %gather3A : vector<16xf32>
      %sub3A_285 = arith.subf %gather3A_249, %gather3A : vector<16xf32>
      %sub3A_286 = arith.subf %gather3A_250, %gather3A : vector<16xf32>
      %sub3A_287 = arith.subf %gather3A_254, %gather3A_206 : vector<16xf32>
      %sub3A_288 = arith.subf %gather3A_258, %gather3A_206 : vector<16xf32>
      %sub3A_289 = arith.subf %gather3A_262, %gather3A_206 : vector<16xf32>
      %sub3A_290 = arith.subf %gather3A_266, %gather3A_206 : vector<16xf32>
      %sub3A_291 = arith.subf %gather3A_270, %gather3A_210 : vector<16xf32>
      %sub3A_292 = arith.subf %gather3A_274, %gather3A_210 : vector<16xf32>
      %sub3A_293 = arith.subf %gather3A_278, %gather3A_210 : vector<16xf32>
      %sub3A_294 = arith.subf %gather3A_282, %gather3A_210 : vector<16xf32>
      %mul3A_295 = arith.mulf %sub3A_283, %sub3A_283 : vector<16xf32>
      %mul3A_296 = arith.mulf %sub3A_287, %sub3A_287 : vector<16xf32>
      %add3A_297 = arith.addf %mul3A_295, %mul3A_296 : vector<16xf32>
      %mul3A_298 = arith.mulf %sub3A_291, %sub3A_291 : vector<16xf32>
      %add3A_299 = arith.addf %add3A_297, %mul3A_298 : vector<16xf32>
      %mul3A_300 = arith.mulf %sub3A_284, %sub3A_284 : vector<16xf32>
      %mul3A_301 = arith.mulf %sub3A_288, %sub3A_288 : vector<16xf32>
      %add3A_302 = arith.addf %mul3A_300, %mul3A_301 : vector<16xf32>
      %mul3A_303 = arith.mulf %sub3A_292, %sub3A_292 : vector<16xf32>
      %add3A_304 = arith.addf %add3A_302, %mul3A_303 : vector<16xf32>
      %mul3A_305 = arith.mulf %sub3A_285, %sub3A_285 : vector<16xf32>
      %mul3A_306 = arith.mulf %sub3A_289, %sub3A_289 : vector<16xf32>
      %add3A_307 = arith.addf %mul3A_305, %mul3A_306 : vector<16xf32>
      %mul3A_308 = arith.mulf %sub3A_293, %sub3A_293 : vector<16xf32>
      %add3A_309 = arith.addf %add3A_307, %mul3A_308 : vector<16xf32>
      %mul3A_310 = arith.mulf %sub3A_286, %sub3A_286 : vector<16xf32>
      %mul3A_311 = arith.mulf %sub3A_290, %sub3A_290 : vector<16xf32>
      %add3A_312 = arith.addf %mul3A_310, %mul3A_311 : vector<16xf32>
      %mul3A_313 = arith.mulf %sub3A_294, %sub3A_294 : vector<16xf32>
      %add3A_314 = arith.addf %add3A_312, %mul3A_313 : vector<16xf32>
      %bitcast3A = vector.bitcast %add3A_299 : vector<16xf32> to vector<16xi32>
      %shift_right_logical3A = arith.constant 1 : i32
      %shift_right_logical3A_315 = vector.broadcast %shift_right_logical3A : i32 to vector<16xi32>
      %shift_right_logical3A_316 = arith.shrui %bitcast3A, %shift_right_logical3A_315 : vector<16xi32>
      %sub3A_317 = arith.constant 1597463007 : i32
      %sub3A_318 = vector.broadcast %sub3A_317 : i32 to vector<16xi32>
      %sub3A_319 = arith.subi %sub3A_318, %shift_right_logical3A_316 : vector<16xi32>
      %bitcast3A_320 = vector.bitcast %add3A_304 : vector<16xf32> to vector<16xi32>
      %shift_right_logical3A_321 = arith.constant 1 : i32
      %shift_right_logical3A_322 = vector.broadcast %shift_right_logical3A_321 : i32 to vector<16xi32>
      %shift_right_logical3A_323 = arith.shrui %bitcast3A_320, %shift_right_logical3A_322 : vector<16xi32>
      %sub3A_324 = arith.constant 1597463007 : i32
      %sub3A_325 = vector.broadcast %sub3A_324 : i32 to vector<16xi32>
      %sub3A_326 = arith.subi %sub3A_325, %shift_right_logical3A_323 : vector<16xi32>
      %bitcast3A_327 = vector.bitcast %add3A_309 : vector<16xf32> to vector<16xi32>
      %shift_right_logical3A_328 = arith.constant 1 : i32
      %shift_right_logical3A_329 = vector.broadcast %shift_right_logical3A_328 : i32 to vector<16xi32>
      %shift_right_logical3A_330 = arith.shrui %bitcast3A_327, %shift_right_logical3A_329 : vector<16xi32>
      %sub3A_331 = arith.constant 1597463007 : i32
      %sub3A_332 = vector.broadcast %sub3A_331 : i32 to vector<16xi32>
      %sub3A_333 = arith.subi %sub3A_332, %shift_right_logical3A_330 : vector<16xi32>
      %bitcast3A_334 = vector.bitcast %add3A_314 : vector<16xf32> to vector<16xi32>
      %shift_right_logical3A_335 = arith.constant 1 : i32
      %shift_right_logical3A_336 = vector.broadcast %shift_right_logical3A_335 : i32 to vector<16xi32>
      %shift_right_logical3A_337 = arith.shrui %bitcast3A_334, %shift_right_logical3A_336 : vector<16xi32>
      %sub3A_338 = arith.constant 1597463007 : i32
      %sub3A_339 = vector.broadcast %sub3A_338 : i32 to vector<16xi32>
      %sub3A_340 = arith.subi %sub3A_339, %shift_right_logical3A_337 : vector<16xi32>
      %bitcast3A_341 = vector.bitcast %sub3A_319 : vector<16xi32> to vector<16xf32>
      %bitcast3A_342 = vector.bitcast %sub3A_326 : vector<16xi32> to vector<16xf32>
      %bitcast3A_343 = vector.bitcast %sub3A_333 : vector<16xi32> to vector<16xf32>
      %bitcast3A_344 = vector.bitcast %sub3A_340 : vector<16xi32> to vector<16xf32>
      %mul3A_345 = arith.constant 5.000000e-01 : f32
      %mul3A_346 = vector.broadcast %mul3A_345 : f32 to vector<16xf32>
      %mul3A_347 = arith.mulf %add3A_299, %mul3A_346 : vector<16xf32>
      %mul3A_348 = arith.constant 5.000000e-01 : f32
      %mul3A_349 = vector.broadcast %mul3A_348 : f32 to vector<16xf32>
      %mul3A_350 = arith.mulf %add3A_304, %mul3A_349 : vector<16xf32>
      %mul3A_351 = arith.constant 5.000000e-01 : f32
      %mul3A_352 = vector.broadcast %mul3A_351 : f32 to vector<16xf32>
      %mul3A_353 = arith.mulf %add3A_309, %mul3A_352 : vector<16xf32>
      %mul3A_354 = arith.constant 5.000000e-01 : f32
      %mul3A_355 = vector.broadcast %mul3A_354 : f32 to vector<16xf32>
      %mul3A_356 = arith.mulf %add3A_314, %mul3A_355 : vector<16xf32>
      %mul3A_357 = arith.mulf %mul3A_347, %bitcast3A_341 : vector<16xf32>
      %mul3A_358 = arith.mulf %mul3A_357, %bitcast3A_341 : vector<16xf32>
      %sub3A_359 = arith.constant 1.500000e+00 : f32
      %sub3A_360 = vector.broadcast %sub3A_359 : f32 to vector<16xf32>
      %sub3A_361 = arith.subf %sub3A_360, %mul3A_358 : vector<16xf32>
      %mul3A_362 = arith.mulf %bitcast3A_341, %sub3A_361 : vector<16xf32>
      %mul3A_363 = arith.mulf %mul3A_350, %bitcast3A_342 : vector<16xf32>
      %mul3A_364 = arith.mulf %mul3A_363, %bitcast3A_342 : vector<16xf32>
      %sub3A_365 = arith.constant 1.500000e+00 : f32
      %sub3A_366 = vector.broadcast %sub3A_365 : f32 to vector<16xf32>
      %sub3A_367 = arith.subf %sub3A_366, %mul3A_364 : vector<16xf32>
      %mul3A_368 = arith.mulf %bitcast3A_342, %sub3A_367 : vector<16xf32>
      %mul3A_369 = arith.mulf %mul3A_353, %bitcast3A_343 : vector<16xf32>
      %mul3A_370 = arith.mulf %mul3A_369, %bitcast3A_343 : vector<16xf32>
      %sub3A_371 = arith.constant 1.500000e+00 : f32
      %sub3A_372 = vector.broadcast %sub3A_371 : f32 to vector<16xf32>
      %sub3A_373 = arith.subf %sub3A_372, %mul3A_370 : vector<16xf32>
      %mul3A_374 = arith.mulf %bitcast3A_343, %sub3A_373 : vector<16xf32>
      %mul3A_375 = arith.mulf %mul3A_356, %bitcast3A_344 : vector<16xf32>
      %mul3A_376 = arith.mulf %mul3A_375, %bitcast3A_344 : vector<16xf32>
      %sub3A_377 = arith.constant 1.500000e+00 : f32
      %sub3A_378 = vector.broadcast %sub3A_377 : f32 to vector<16xf32>
      %sub3A_379 = arith.subf %sub3A_378, %mul3A_376 : vector<16xf32>
      %mul3A_380 = arith.mulf %bitcast3A_344, %sub3A_379 : vector<16xf32>
      %mul3A_381 = arith.mulf %mul3A_347, %mul3A_362 : vector<16xf32>
      %mul3A_382 = arith.mulf %mul3A_381, %mul3A_362 : vector<16xf32>
      %sub3A_383 = arith.constant 1.500000e+00 : f32
      %sub3A_384 = vector.broadcast %sub3A_383 : f32 to vector<16xf32>
      %sub3A_385 = arith.subf %sub3A_384, %mul3A_382 : vector<16xf32>
      %mul3A_386 = arith.mulf %mul3A_362, %sub3A_385 : vector<16xf32>
      %mul3A_387 = arith.mulf %mul3A_350, %mul3A_368 : vector<16xf32>
      %mul3A_388 = arith.mulf %mul3A_387, %mul3A_368 : vector<16xf32>
      %sub3A_389 = arith.constant 1.500000e+00 : f32
      %sub3A_390 = vector.broadcast %sub3A_389 : f32 to vector<16xf32>
      %sub3A_391 = arith.subf %sub3A_390, %mul3A_388 : vector<16xf32>
      %mul3A_392 = arith.mulf %mul3A_368, %sub3A_391 : vector<16xf32>
      %mul3A_393 = arith.mulf %mul3A_353, %mul3A_374 : vector<16xf32>
      %mul3A_394 = arith.mulf %mul3A_393, %mul3A_374 : vector<16xf32>
      %sub3A_395 = arith.constant 1.500000e+00 : f32
      %sub3A_396 = vector.broadcast %sub3A_395 : f32 to vector<16xf32>
      %sub3A_397 = arith.subf %sub3A_396, %mul3A_394 : vector<16xf32>
      %mul3A_398 = arith.mulf %mul3A_374, %sub3A_397 : vector<16xf32>
      %mul3A_399 = arith.mulf %mul3A_356, %mul3A_380 : vector<16xf32>
      %mul3A_400 = arith.mulf %mul3A_399, %mul3A_380 : vector<16xf32>
      %sub3A_401 = arith.constant 1.500000e+00 : f32
      %sub3A_402 = vector.broadcast %sub3A_401 : f32 to vector<16xf32>
      %sub3A_403 = arith.subf %sub3A_402, %mul3A_400 : vector<16xf32>
      %mul3A_404 = arith.mulf %mul3A_380, %sub3A_403 : vector<16xf32>
      %mul3A_405 = arith.mulf %add3A_299, %mul3A_386 : vector<16xf32>
      %mul3A_406 = arith.mulf %add3A_304, %mul3A_392 : vector<16xf32>
      %mul3A_407 = arith.mulf %add3A_309, %mul3A_398 : vector<16xf32>
      %mul3A_408 = arith.mulf %add3A_314, %mul3A_404 : vector<16xf32>
      %gt3A = arith.constant 0.000000e+00 : f32
      %gt3A_409 = vector.broadcast %gt3A : f32 to vector<16xf32>
      %gt3A_410 = arith.cmpf ogt, %add3A_299, %gt3A_409 : vector<16xf32>
      %jit3A_411 = arith.constant 0.000000e+00 : f32
      %broadcast_in_dim3A_412 = vector.broadcast %jit3A_411 : f32 to vector<16xf32>
      %select_n3A_413 = arith.select %gt3A_410, %mul3A_405, %broadcast_in_dim3A_412 : vector<16xi1>, vector<16xf32>
      %gt3A_414 = arith.constant 0.000000e+00 : f32
      %gt3A_415 = vector.broadcast %gt3A_414 : f32 to vector<16xf32>
      %gt3A_416 = arith.cmpf ogt, %add3A_304, %gt3A_415 : vector<16xf32>
      %jit3A_417 = arith.constant 0.000000e+00 : f32
      %broadcast_in_dim3A_418 = vector.broadcast %jit3A_417 : f32 to vector<16xf32>
      %select_n3A_419 = arith.select %gt3A_416, %mul3A_406, %broadcast_in_dim3A_418 : vector<16xi1>, vector<16xf32>
      %gt3A_420 = arith.constant 0.000000e+00 : f32
      %gt3A_421 = vector.broadcast %gt3A_420 : f32 to vector<16xf32>
      %gt3A_422 = arith.cmpf ogt, %add3A_309, %gt3A_421 : vector<16xf32>
      %jit3A_423 = arith.constant 0.000000e+00 : f32
      %broadcast_in_dim3A_424 = vector.broadcast %jit3A_423 : f32 to vector<16xf32>
      %select_n3A_425 = arith.select %gt3A_422, %mul3A_407, %broadcast_in_dim3A_424 : vector<16xi1>, vector<16xf32>
      %gt3A_426 = arith.constant 0.000000e+00 : f32
      %gt3A_427 = vector.broadcast %gt3A_426 : f32 to vector<16xf32>
      %gt3A_428 = arith.cmpf ogt, %add3A_314, %gt3A_427 : vector<16xf32>
      %jit3A_429 = arith.constant 0.000000e+00 : f32
      %broadcast_in_dim3A_430 = vector.broadcast %jit3A_429 : f32 to vector<16xf32>
      %select_n3A_431 = arith.select %gt3A_428, %mul3A_408, %broadcast_in_dim3A_430 : vector<16xi1>, vector<16xf32>
      %ne3A_432 = arith.constant 0 : i32
      %ne3A_433 = vector.broadcast %ne3A_432 : i32 to vector<16xi32>
      %ne3A_434 = arith.cmpi ne, %gather3A_227, %ne3A_433 : vector<16xi32>
      %ne3A_435 = arith.constant 0 : i32
      %ne3A_436 = vector.broadcast %ne3A_435 : i32 to vector<16xi32>
      %ne3A_437 = arith.cmpi ne, %gather3A_228, %ne3A_436 : vector<16xi32>
      %ne3A_438 = arith.constant 0 : i32
      %ne3A_439 = vector.broadcast %ne3A_438 : i32 to vector<16xi32>
      %ne3A_440 = arith.cmpi ne, %gather3A_229, %ne3A_439 : vector<16xi32>
      %ne3A_441 = arith.constant 0 : i32
      %ne3A_442 = vector.broadcast %ne3A_441 : i32 to vector<16xi32>
      %ne3A_443 = arith.cmpi ne, %gather3A_230, %ne3A_442 : vector<16xi32>
      %jit3A_444 = arith.constant 0.000000e+00 : f32
      %broadcast_in_dim3A_445 = vector.broadcast %jit3A_444 : f32 to vector<16xf32>
      %select_n3A_446 = arith.select %ne3A_434, %select_n3A_413, %broadcast_in_dim3A_445 : vector<16xi1>, vector<16xf32>
      tpu.vector_store_idx %arg13[%add3A_214], %select_n3A_446 : memref<8192xf32, #tpu.memory_space<vmem>>[vector<16xi32>], vector<16xf32>,
      %jit3A_447 = arith.constant 0.000000e+00 : f32
      %broadcast_in_dim3A_448 = vector.broadcast %jit3A_447 : f32 to vector<16xf32>
      %select_n3A_449 = arith.select %ne3A_437, %select_n3A_419, %broadcast_in_dim3A_448 : vector<16xi1>, vector<16xf32>
      tpu.vector_store_idx %arg13[%add3A_218], %select_n3A_449 : memref<8192xf32, #tpu.memory_space<vmem>>[vector<16xi32>], vector<16xf32>,
      %jit3A_450 = arith.constant 0.000000e+00 : f32
      %broadcast_in_dim3A_451 = vector.broadcast %jit3A_450 : f32 to vector<16xf32>
      %select_n3A_452 = arith.select %ne3A_440, %select_n3A_425, %broadcast_in_dim3A_451 : vector<16xi1>, vector<16xf32>
      tpu.vector_store_idx %arg13[%add3A_222], %select_n3A_452 : memref<8192xf32, #tpu.memory_space<vmem>>[vector<16xi32>], vector<16xf32>,
      %jit3A_453 = arith.constant 0.000000e+00 : f32
      %broadcast_in_dim3A_454 = vector.broadcast %jit3A_453 : f32 to vector<16xf32>
      %select_n3A_455 = arith.select %ne3A_443, %select_n3A_431, %broadcast_in_dim3A_454 : vector<16xi1>, vector<16xf32>
      tpu.vector_store_idx %arg13[%add3A_226], %select_n3A_455 : memref<8192xf32, #tpu.memory_space<vmem>>[vector<16xi32>], vector<16xf32>,
      %add3A_456 = arith.constant 9.99999993E-9 : f32
      %add3A_457 = vector.broadcast %add3A_456 : f32 to vector<16xf32>
      %add3A_458 = arith.addf %select_n3A_413, %add3A_457 : vector<16xf32>
      %jit3A_459 = arith.constant 1.000000e+00 : f32
      %broadcast_in_dim3A_460 = vector.broadcast %jit3A_459 : f32 to vector<16xf32>
      %select_n3A_461 = arith.select %ne3A_434, %add3A_458, %broadcast_in_dim3A_460 : vector<16xi1>, vector<16xf32>
      %div3A_462 = arith.constant 1.000000e+00 : f32
      %div3A_463 = vector.broadcast %div3A_462 : f32 to vector<16xf32>
      %div3A_464 = arith.divf %div3A_463, %select_n3A_461 : vector<16xf32>
      %add3A_465 = arith.constant 9.99999993E-9 : f32
      %add3A_466 = vector.broadcast %add3A_465 : f32 to vector<16xf32>
      %add3A_467 = arith.addf %select_n3A_419, %add3A_466 : vector<16xf32>
      %jit3A_468 = arith.constant 1.000000e+00 : f32
      %broadcast_in_dim3A_469 = vector.broadcast %jit3A_468 : f32 to vector<16xf32>
      %select_n3A_470 = arith.select %ne3A_437, %add3A_467, %broadcast_in_dim3A_469 : vector<16xi1>, vector<16xf32>
      %div3A_471 = arith.constant 1.000000e+00 : f32
      %div3A_472 = vector.broadcast %div3A_471 : f32 to vector<16xf32>
      %div3A_473 = arith.divf %div3A_472, %select_n3A_470 : vector<16xf32>
      %add3A_474 = arith.constant 9.99999993E-9 : f32
      %add3A_475 = vector.broadcast %add3A_474 : f32 to vector<16xf32>
      %add3A_476 = arith.addf %select_n3A_425, %add3A_475 : vector<16xf32>
      %jit3A_477 = arith.constant 1.000000e+00 : f32
      %broadcast_in_dim3A_478 = vector.broadcast %jit3A_477 : f32 to vector<16xf32>
      %select_n3A_479 = arith.select %ne3A_440, %add3A_476, %broadcast_in_dim3A_478 : vector<16xi1>, vector<16xf32>
      %div3A_480 = arith.constant 1.000000e+00 : f32
      %div3A_481 = vector.broadcast %div3A_480 : f32 to vector<16xf32>
      %div3A_482 = arith.divf %div3A_481, %select_n3A_479 : vector<16xf32>
      %add3A_483 = arith.constant 9.99999993E-9 : f32
      %add3A_484 = vector.broadcast %add3A_483 : f32 to vector<16xf32>
      %add3A_485 = arith.addf %select_n3A_431, %add3A_484 : vector<16xf32>
      %jit3A_486 = arith.constant 1.000000e+00 : f32
      %broadcast_in_dim3A_487 = vector.broadcast %jit3A_486 : f32 to vector<16xf32>
      %select_n3A_488 = arith.select %ne3A_443, %add3A_485, %broadcast_in_dim3A_487 : vector<16xi1>, vector<16xf32>
      %div3A_489 = arith.constant 1.000000e+00 : f32
      %div3A_490 = vector.broadcast %div3A_489 : f32 to vector<16xf32>
      %div3A_491 = arith.divf %div3A_490, %select_n3A_488 : vector<16xf32>
      %add3A_492 = arith.constant 0 : i32
      %add3A_493 = arith.addi %mul3A_199, %add3A_492 : i32
      %mul3A_494 = arith.constant 3 : i32
      %mul3A_495 = arith.muli %mul3A_494, %add3A_493 : i32
      %add3A_496 = vector.broadcast %mul3A_495 : i32 to vector<16xi32>
      %add3A_497 = arith.addi %mul3A_47, %add3A_496 : vector<16xi32>
      %add3A_498 = arith.constant 1 : i32
      %add3A_499 = arith.addi %mul3A_199, %add3A_498 : i32
      %mul3A_500 = arith.constant 3 : i32
      %mul3A_501 = arith.muli %mul3A_500, %add3A_499 : i32
      %add3A_502 = vector.broadcast %mul3A_501 : i32 to vector<16xi32>
      %add3A_503 = arith.addi %mul3A_47, %add3A_502 : vector<16xi32>
      %add3A_504 = arith.constant 2 : i32
      %add3A_505 = arith.addi %mul3A_199, %add3A_504 : i32
      %mul3A_506 = arith.constant 3 : i32
      %mul3A_507 = arith.muli %mul3A_506, %add3A_505 : i32
      %add3A_508 = vector.broadcast %mul3A_507 : i32 to vector<16xi32>
      %add3A_509 = arith.addi %mul3A_47, %add3A_508 : vector<16xi32>
      %add3A_510 = arith.constant 3 : i32
      %add3A_511 = arith.addi %mul3A_199, %add3A_510 : i32
      %mul3A_512 = arith.constant 3 : i32
      %mul3A_513 = arith.muli %mul3A_512, %add3A_511 : i32
      %add3A_514 = vector.broadcast %mul3A_513 : i32 to vector<16xi32>
      %add3A_515 = arith.addi %mul3A_47, %add3A_514 : vector<16xi32>
      %mul3A_516 = arith.mulf %sub3A_283, %div3A_464 : vector<16xf32>
      tpu.vector_store_idx %arg15[%add3A_497], %mul3A_516 : memref<24576xf32, #tpu.memory_space<vmem>>[vector<16xi32>], vector<16xf32>,
      %add3A_517 = arith.constant 1 : i32
      %add3A_518 = vector.broadcast %add3A_517 : i32 to vector<16xi32>
      %add3A_519 = arith.addi %add3A_497, %add3A_518 : vector<16xi32>
      %mul3A_520 = arith.mulf %sub3A_287, %div3A_464 : vector<16xf32>
      tpu.vector_store_idx %arg15[%add3A_519], %mul3A_520 : memref<24576xf32, #tpu.memory_space<vmem>>[vector<16xi32>], vector<16xf32>,
      %add3A_521 = arith.constant 2 : i32
      %add3A_522 = vector.broadcast %add3A_521 : i32 to vector<16xi32>
      %add3A_523 = arith.addi %add3A_497, %add3A_522 : vector<16xi32>
      %mul3A_524 = arith.mulf %sub3A_291, %div3A_464 : vector<16xf32>
      tpu.vector_store_idx %arg15[%add3A_523], %mul3A_524 : memref<24576xf32, #tpu.memory_space<vmem>>[vector<16xi32>], vector<16xf32>,
      %mul3A_525 = arith.mulf %sub3A_284, %div3A_473 : vector<16xf32>
      tpu.vector_store_idx %arg15[%add3A_503], %mul3A_525 : memref<24576xf32, #tpu.memory_space<vmem>>[vector<16xi32>], vector<16xf32>,
      %add3A_526 = arith.constant 1 : i32
      %add3A_527 = vector.broadcast %add3A_526 : i32 to vector<16xi32>
      %add3A_528 = arith.addi %add3A_503, %add3A_527 : vector<16xi32>
      %mul3A_529 = arith.mulf %sub3A_288, %div3A_473 : vector<16xf32>
      tpu.vector_store_idx %arg15[%add3A_528], %mul3A_529 : memref<24576xf32, #tpu.memory_space<vmem>>[vector<16xi32>], vector<16xf32>,
      %add3A_530 = arith.constant 2 : i32
      %add3A_531 = vector.broadcast %add3A_530 : i32 to vector<16xi32>
      %add3A_532 = arith.addi %add3A_503, %add3A_531 : vector<16xi32>
      %mul3A_533 = arith.mulf %sub3A_292, %div3A_473 : vector<16xf32>
      tpu.vector_store_idx %arg15[%add3A_532], %mul3A_533 : memref<24576xf32, #tpu.memory_space<vmem>>[vector<16xi32>], vector<16xf32>,
      %mul3A_534 = arith.mulf %sub3A_285, %div3A_482 : vector<16xf32>
      tpu.vector_store_idx %arg15[%add3A_509], %mul3A_534 : memref<24576xf32, #tpu.memory_space<vmem>>[vector<16xi32>], vector<16xf32>,
      %add3A_535 = arith.constant 1 : i32
      %add3A_536 = vector.broadcast %add3A_535 : i32 to vector<16xi32>
      %add3A_537 = arith.addi %add3A_509, %add3A_536 : vector<16xi32>
      %mul3A_538 = arith.mulf %sub3A_289, %div3A_482 : vector<16xf32>
      tpu.vector_store_idx %arg15[%add3A_537], %mul3A_538 : memref<24576xf32, #tpu.memory_space<vmem>>[vector<16xi32>], vector<16xf32>,
      %add3A_539 = arith.constant 2 : i32
      %add3A_540 = vector.broadcast %add3A_539 : i32 to vector<16xi32>
      %add3A_541 = arith.addi %add3A_509, %add3A_540 : vector<16xi32>
      %mul3A_542 = arith.mulf %sub3A_293, %div3A_482 : vector<16xf32>
      tpu.vector_store_idx %arg15[%add3A_541], %mul3A_542 : memref<24576xf32, #tpu.memory_space<vmem>>[vector<16xi32>], vector<16xf32>,
      %mul3A_543 = arith.mulf %sub3A_286, %div3A_491 : vector<16xf32>
      tpu.vector_store_idx %arg15[%add3A_515], %mul3A_543 : memref<24576xf32, #tpu.memory_space<vmem>>[vector<16xi32>], vector<16xf32>,
      %add3A_544 = arith.constant 1 : i32
      %add3A_545 = vector.broadcast %add3A_544 : i32 to vector<16xi32>
      %add3A_546 = arith.addi %add3A_515, %add3A_545 : vector<16xi32>
      %mul3A_547 = arith.mulf %sub3A_290, %div3A_491 : vector<16xf32>
      tpu.vector_store_idx %arg15[%add3A_546], %mul3A_547 : memref<24576xf32, #tpu.memory_space<vmem>>[vector<16xi32>], vector<16xf32>,
      %add3A_548 = arith.constant 2 : i32
      %add3A_549 = vector.broadcast %add3A_548 : i32 to vector<16xi32>
      %add3A_550 = arith.addi %add3A_515, %add3A_549 : vector<16xi32>
      %mul3A_551 = arith.mulf %sub3A_294, %div3A_491 : vector<16xf32>
      tpu.vector_store_idx %arg15[%add3A_550], %mul3A_551 : memref<24576xf32, #tpu.memory_space<vmem>>[vector<16xi32>], vector<16xf32>,
    }
    %scan3A_172 = arith.constant 128 : i32
    %add3A_173 = arith.constant 24576 : i32
    %add3A_174 = arith.addi %mul3A_41, %add3A_173 : i32
    %dma_start3A_175 = tpu.memref_slice %arg5[%add3A_174] : memref<1048576xf32, #tpu.memory_space<hbm>> -> memref<8192xf32, #tpu.memory_space<hbm>>
    %dma_start3A_176 = tpu.memref_slice %arg5[%add3A_174] : memref<1048576xf32, #tpu.memory_space<hbm>> -> memref<8192xf32, #tpu.memory_space<hbm>>
    tpu.enqueue_dma source(%arg13 : memref<8192xf32, #tpu.memory_space<vmem>>) target(%dma_start3A_176 : memref<8192xf32, #tpu.memory_space<hbm>>) target_semaphore(%arg19 : memref<!tpu.dma_semaphore, #tpu.memory_space<semaphore_mem>>)
    %mul3A_177 = arith.constant 3 : i32
    %mul3A_178 = arith.muli %add3A_174, %mul3A_177 : i32
    %dma_start3A_179 = tpu.memref_slice %arg6[%mul3A_178] : memref<3145728xf32, #tpu.memory_space<hbm>> -> memref<24576xf32, #tpu.memory_space<hbm>>
    %dma_start3A_180 = tpu.memref_slice %arg6[%mul3A_178] : memref<3145728xf32, #tpu.memory_space<hbm>> -> memref<24576xf32, #tpu.memory_space<hbm>>
    tpu.enqueue_dma source(%arg15 : memref<24576xf32, #tpu.memory_space<vmem>>) target(%dma_start3A_180 : memref<24576xf32, #tpu.memory_space<hbm>>) target_semaphore(%arg19 : memref<!tpu.dma_semaphore, #tpu.memory_space<semaphore_mem>>)
    %dma_wait3A_181 = arith.constant 0 : i32
    %dma_wait3A_182 = tpu.memref_slice %arg5[%dma_wait3A_181] : memref<1048576xf32, #tpu.memory_space<hbm>> -> memref<8192xf32, #tpu.memory_space<hbm>>
    %dma_wait3A_183 = arith.constant 0 : i32
    %dma_wait3A_184 = tpu.memref_slice %arg5[%dma_wait3A_183] : memref<1048576xf32, #tpu.memory_space<hbm>> -> memref<8192xf32, #tpu.memory_space<hbm>>
    tpu.wait_dma2 semaphore(%arg18 : memref<!tpu.dma_semaphore, #tpu.memory_space<semaphore_mem>>) src(%arg12 : memref<8192xf32, #tpu.memory_space<vmem>>) dst(%dma_wait3A_184 : memref<8192xf32, #tpu.memory_space<hbm>>)
    %dma_wait3A_185 = arith.constant 0 : i32
    %dma_wait3A_186 = tpu.memref_slice %arg6[%dma_wait3A_185] : memref<3145728xf32, #tpu.memory_space<hbm>> -> memref<24576xf32, #tpu.memory_space<hbm>>
    %dma_wait3A_187 = arith.constant 0 : i32
    %dma_wait3A_188 = tpu.memref_slice %arg6[%dma_wait3A_187] : memref<3145728xf32, #tpu.memory_space<hbm>> -> memref<24576xf32, #tpu.memory_space<hbm>>
    tpu.wait_dma2 semaphore(%arg18 : memref<!tpu.dma_semaphore, #tpu.memory_space<semaphore_mem>>) src(%arg14 : memref<24576xf32, #tpu.memory_space<vmem>>) dst(%dma_wait3A_188 : memref<24576xf32, #tpu.memory_space<hbm>>)
    %dma_wait3A_189 = arith.constant 0 : i32
    %dma_wait3A_190 = tpu.memref_slice %arg5[%dma_wait3A_189] : memref<1048576xf32, #tpu.memory_space<hbm>> -> memref<8192xf32, #tpu.memory_space<hbm>>
    %dma_wait3A_191 = arith.constant 0 : i32
    %dma_wait3A_192 = tpu.memref_slice %arg5[%dma_wait3A_191] : memref<1048576xf32, #tpu.memory_space<hbm>> -> memref<8192xf32, #tpu.memory_space<hbm>>
    tpu.wait_dma2 semaphore(%arg19 : memref<!tpu.dma_semaphore, #tpu.memory_space<semaphore_mem>>) src(%arg13 : memref<8192xf32, #tpu.memory_space<vmem>>) dst(%dma_wait3A_192 : memref<8192xf32, #tpu.memory_space<hbm>>)
    %dma_wait3A_193 = arith.constant 0 : i32
    %dma_wait3A_194 = tpu.memref_slice %arg6[%dma_wait3A_193] : memref<3145728xf32, #tpu.memory_space<hbm>> -> memref<24576xf32, #tpu.memory_space<hbm>>
    %dma_wait3A_195 = arith.constant 0 : i32
    %dma_wait3A_196 = tpu.memref_slice %arg6[%dma_wait3A_195] : memref<3145728xf32, #tpu.memory_space<hbm>> -> memref<24576xf32, #tpu.memory_space<hbm>>
    tpu.wait_dma2 semaphore(%arg19 : memref<!tpu.dma_semaphore, #tpu.memory_space<semaphore_mem>>) src(%arg15 : memref<24576xf32, #tpu.memory_space<vmem>>) dst(%dma_wait3A_196 : memref<24576xf32, #tpu.memory_space<hbm>>)
    return
  }
}

</mosaic_0001>

<sc_bundles>
// kernel: kernel.3.cloned.1.call-start
scs
__scs_entry_jumppad:
0x0: {  	(pc) =	sbr.rel $0x88, $3  }
0x1: {  	(tag) =	ssettag $0x0;
	lr =	simm.s32 $0x1  }
0x2: {  	[smem:$0x3F9E] =	sst lr;
	_ =	strace $0xD0000000  }
0x3: {  	_ = 	snop  }
0x4: {  	_ = 	snop  }
0x5: {  	_ = 	snop  }
0x6: {  	_ = 	snop  }
0x7: {  	_ = 	snop  }
__scs_overlays_trampoline_lowered:
0x8: {  	[smem:$0x3FAD] =	sst s0  }
0x9: {  	[smem:$0x3FAE] =	sst s1  }
0xa: {  	[smem:$0x3FAF] =	sst s2  }
0xb: {  	[smem:$0x3FB0] =	sst s3  }
0xc: {  	[smem:$0x3FB1] =	sst s4  }
0xd: {  	[smem:$0x3FB2] =	sst s5  }
0xe: {  	[smem:$0x3FB3] =	sst s6  }
0xf: {  	[smem:$0x3FB4] =	sst s7  }
0x10: {  	[smem:$0x3FB5] =	sst s8  }
0x11: {  	[smem:$0x3FB6] =	sst s9;
	s0 =	simm.s32 @!p0 $0x0  }
0x12: {  	s1 =	sld [smem:$0x3F9C];
	s0 =	simm.s32 @p0 $0x1  }
0x13: {  	[smem:$0x3FB7] =	sst s0;
	s0 =	simm.s32 @!p1 $0x0  }
0x14: {  	s2 =	sld [smem:$0x3F9B];
	s0 =	simm.s32 @p1 $0x1  }
0x15: {  	[smem:$0x3FB8] =	sst s0;
	s0 =	simm.s32 @!p2 $0x0  }
0x16: {  	s3 =	sld [smem:$0x3FDB];
	s0 =	simm.s32 @p2 $0x1  }
0x17: {  	s4 =	simm.s32 $0x1BF5;
	[smem:$0x3FBA] =	sst s0  }
0x18: {  	s0 =	sld [smem:$0x3F9D];
	_ =	swait.ge [sflag:s4], $0x0  }
0x19: {  	s7 =	sld [smem:$0x3F9E]  }
0x1a: {  	s8 =	sadd.s32 $0xFFFFE003, lr  }
0x1b: {  	s9 =	sadd.s32 $0xFFFFFEF7, lr;
	s5 =	simm.s32 $0xFFFFFFFF;
	p2 =	slt.u32 s8, $0xFFFFF086  }
0x1c: {  	p1 =	slt.u32 s9, $0xF7A;
	s5 =	simm.s32 @!p2 $0x0  }
0x1d: {  	s5 =	simm.s32 @p1 $0x1;
	p0 =	seq.s32 s7, s2  }
0x1e: {  	s7 =	smul.u32 @!p0 $0xF7A, s2;
	p2 =	seq.s32 @!p0 s5, $0x0  }
0x1f: {  	s9 =	smul.u32 $0xF7A, s1;
	s8 =	simm.s32 @!p0 $0x1BF5;
	p2 =	por !p2, p0  }
0x20: {  	[sflag:s8] =	ssyncset.s32 @!p0 $0xFFFFF086;
	s6 =	sadd.s32 @!p0 s3, s7;
	s7 =	simm.s32 @!p0 $0x108  }
0x21: {  	s3 =	sadd.s32 s3, s9;
	s6 =	sadd.s32 @!p0 $0x88, s6;
	s7 =	simm.s32 @p2 $0x1082  }
0x22: {  	[simem:s7], [sflag:s8] =	dma.local @!p0 [hbm:s6], $0xF7A  }
0x23: {  	s9 =	sor.u32 $0xD0000000, s2;
	s6 =	simm.s32 $0x108;
	_ =	swait.ge @!p0 [sflag:s8], $0x0  }
0x24: {  	s3 =	sadd.s32 $0x88, s3;
	s6 =	simm.s32 @!p1 $0x1082;
	[sflag:s4] =	ssyncset.s32 $0xFFFFF086  }
0x25: {  	[simem:s6], [sflag:s4] =	dma.local [hbm:s3], $0xF7A  }
0x26: {  	[smem:$0x3F9E] =	sst s1;
	(tag) =	ssettag s2;
	_ =	strace s9  }
0x27: {  	s1 =	sld [smem:$0x3FAE]  }
0x28: {  	s2 =	sld [smem:$0x3FAF]  }
0x29: {  	s4 =	sld [smem:$0x3FB1]  }
0x2a: {  	p0 =	seq.s32 s5, $0x0;
	s5 =	sld [smem:$0x3FB2]  }
0x2b: {  	s6 =	sld [smem:$0x3FB3]  }
0x2c: {  	s7 =	sld [smem:$0x3FB4]  }
0x2d: {  	s3 =	simm.s32 $0x108;
	s8 =	sld [smem:$0x3FB5]  }
0x2e: {  	s3 =	simm.s32 @!p0 $0x1082;
	s9 =	sld [smem:$0x3FB6]  }
0x2f: {  	lr =	sadd.s32 s0, s3;
	s0 =	sld [smem:$0x3FAD]  }
0x30: {  	s3 =	sld [smem:$0x3FB0]  }
0x31: {  	[smem:$0x3FB9] =	sst s10  }
0x32: {  	s10 =	sld [smem:$0x3FB7];
	_ =	sdelay $0x3  }
0x33: {  	p0 =	seq.s32 s10, $0x1;
	s10 =	sld [smem:$0x3FB9];
	_ =	sdelay $0x3  }
0x34: {  	[smem:$0x3FB9] =	sst s10  }
0x35: {  	s10 =	sld [smem:$0x3FB8];
	_ =	sdelay $0x3  }
0x36: {  	p1 =	seq.s32 s10, $0x1;
	s10 =	sld [smem:$0x3FB9];
	_ =	sdelay $0x3  }
0x37: {  	[smem:$0x3FB9] =	sst s10  }
0x38: {  	s10 =	sld [smem:$0x3FBA]  }
0x39: {  	_ = 	snop;
	(pc) =	sbr.ind lr, $3  }
0x3a: {  	_ = 	snop  }
0x3b: {  	_ = 	snop  }
0x3c: {  	p2 =	seq.s32 s10, $0x1;
	s10 =	sld [smem:$0x3FB9]  }
0x3d: {  	_ =	shalt  }
0x3e: {  	_ =	shalt  }
0x3f: {  	_ =	shalt  }
0x40: {  	_ =	shalt  }
0x41: {  	_ =	shalt  }
0x42: {  	_ =	shalt  }
0x43: {  	_ =	shalt  }
0x44: {  	_ =	shalt  }
0x45: {  	_ =	shalt  }
0x46: {  	_ =	shalt  }
0x47: {  	_ =	shalt  }
0x48: {  	_ =	shalt  }
0x49: {  	_ =	shalt  }
0x4a: {  	_ =	shalt  }
0x4b: {  	_ =	shalt  }
0x4c: {  	_ =	shalt  }
0x4d: {  	_ =	shalt  }
0x4e: {  	_ =	shalt  }
0x4f: {  	_ =	shalt  }
0x50: {  	_ =	shalt  }
0x51: {  	_ =	shalt  }
0x52: {  	_ =	shalt  }
0x53: {  	_ =	shalt  }
0x54: {  	_ =	shalt  }
0x55: {  	_ =	shalt  }
0x56: {  	_ =	shalt  }
0x57: {  	_ =	shalt  }
0x58: {  	_ =	shalt  }
0x59: {  	_ =	shalt  }
0x5a: {  	_ =	shalt  }
0x5b: {  	_ =	shalt  }
0x5c: {  	_ =	shalt  }
0x5d: {  	_ =	shalt  }
0x5e: {  	_ =	shalt  }
0x5f: {  	_ =	shalt  }
0x60: {  	_ =	shalt  }
0x61: {  	_ =	shalt  }
0x62: {  	_ =	shalt  }
0x63: {  	_ =	shalt  }
0x64: {  	_ =	shalt  }
0x65: {  	_ =	shalt  }
0x66: {  	_ =	shalt  }
0x67: {  	_ =	shalt  }
0x68: {  	_ =	shalt  }
0x69: {  	_ =	shalt  }
0x6a: {  	_ =	shalt  }
0x6b: {  	_ =	shalt  }
0x6c: {  	_ =	shalt  }
0x6d: {  	_ =	shalt  }
0x6e: {  	_ =	shalt  }
0x6f: {  	_ =	shalt  }
0x70: {  	_ =	shalt  }
0x71: {  	_ =	shalt  }
0x72: {  	_ =	shalt  }
0x73: {  	_ =	shalt  }
0x74: {  	_ =	shalt  }
0x75: {  	_ =	shalt  }
0x76: {  	_ =	shalt  }
0x77: {  	_ =	shalt  }
0x78: {  	_ =	shalt  }
0x79: {  	_ =	shalt  }
0x7a: {  	_ =	shalt  }
0x7b: {  	_ =	shalt  }
0x7c: {  	_ =	shalt  }
0x7d: {  	_ =	shalt  }
0x7e: {  	_ =	shalt  }
0x7f: {  	_ =	shalt  }
0x80: {  	_ =	shalt  }
0x81: {  	_ =	shalt  }
0x82: {  	_ =	shalt  }
0x83: {  	_ =	shalt  }
0x84: {  	_ =	shalt  }
0x85: {  	_ =	shalt  }
0x86: {  	_ =	shalt  }
0x87: {  	_ =	shalt  }
.Lfunc_end0:
.L_simem_size_0:
called_computation_lowered:
.L_overlay_start_0:
0x88: {  	s2 =	sld [smem:$0x3FD9]  }
0x89: {  	s3 =	sld [smem:$0x3FFE];
	_ =	sdelay $0x1  }
0x8a: {  	s1 =	srdreg.scid  }
0x8b: {  	s0 =	sand.u32 $0x1, s1  }
0x8c: {  	s14 =	sshll.u32 s0, $0xA;
	s2 =	sadd.s32 s3, s2  }
0x8d: {  	s2 =	sadd.s32 s2, s14  }
0x8e: {  	[smem:$0x3FC5] =	sst s2  }
0x8f: {  	_ = 	snop  }
0x90: {  	s2 =	sld [smem:$0x3FD0];
	_ =	sdelay $0x2  }
0x91: {  	s15 =	simm.s32 $0xA;
	s4 =	simm.s32 $0x10  }
0x92: {  	[smem:s4], [sflag:s15] =	dma.local [hbm:s2], $0x1  }
0x93: {  	_ =	swait.eq [sflag:s15], $0x1  }
0x94: {  	s16 =	sld [smem:$0x10]  }
0x95: {  	s17 =	sld [smem:$0x11];
	[sflag:s15] =	ssyncset.done $0x0  }
0x96: {  	s5 =	sld [smem:$0x12];
	[sflag:s15] =	ssyncadd.s32 $0xFFFFFFFF  }
0x97: {  	s18 =	sld [smem:$0x13];
	(tm) =	ssettm $0x1  }
0x98: {  	s6 =	sld [smem:$0x3FFB];
	_ =	sdelay $0x3  }
0x99: {  	_ =	strace s6  }
0x9a: {  	s6 =	sld [smem:$0x3FFC];
	_ =	sdelay $0x3  }
0x9b: {  	_ =	strace s6  }
0x9c: {  	s6 =	sld [smem:$0x3FFD];
	_ =	sdelay $0x3  }
0x9d: {  	_ =	strace s6  }
0x9e: {  	_ =	strace $0x8FFFFFFF  }
0x9f: {  	s19 =	sld [smem:$0x3FDB];
	_ =	sdelay $0x1  }
0xa0: {  	s7 =	simm.s32 $_scs_section_size  }
0xa1: {  	s8 =	simm.s32 $_size__tile_overlayer_lowered;
	s9 =	simm.s32 $_tile_overlayer_lowered  }
0xa2: {  	s22 =	simm.s32 $0x1BFF;
	s21 =	sshll.u32 s9, $0x1;
	s6 =	sadd.s32 s7, s19  }
0xa3: {  	s10 =	simm.s32 $0x0;
	s20 =	sshll.u32 s8, $0x1;
	s8 =	sadd.s32 s21, s6  }
0xa4: {  	[timem:s10], [sflag:s22] =	dma.local [hbm:s8], s20  }
0xa5: {  	_ =	swait.ge [sflag:s22], s20  }
0xa6: {  	s7 =	ssub.s32 $0x0, s20;
	[sflag:s22] =	ssyncset.done $0x0  }
0xa7: {  	[sflag:s22] =	ssyncadd.s32 s7;
	_ =	sdelay $0x1  }
0xa8: {  	s23 =	simm.s32 $0x1B8B  }
0xa9: {  	_ =	swait.ge [sflag:s23], $0x1  }
0xaa: {  	[sflag:s23] =	ssyncset.done $0x0  }
0xab: {  	s25 =	simm.s32 $0x1B8E;
	s24 =	sld [smem:$0x3FFE];
	[sflag:s23] =	ssyncadd.s32 $0xFFFFFFFF  }
0xac: {  	s26 =	simm.s32 $execute0_lowered;
	[smem:$0x3FD2] =	sst s25  }
0xad: {  	s8 =	sshll.u32 s26, $0x1;
	_ =	strace $0x80000046;
	[dreg:$0x1] =	wrdreg $0xFFFFFFFF  }
0xae: {  	s28 =	simm.s32 $_size_execute0_lowered;
	s6 =	sadd.s32 s6, s8;
	[dreg:$0x0] =	wrdreg $0x0  }
0xaf: {  	s8 =	sshll.u32 s28, $0x1;
	[dreg:$0x2] =	wrdreg s6  }
0xb0: {  	[dreg:$0x3] =	wrdreg s8  }
0xb1: {  	[dreg:$0x4] =	wrdreg $0xC0  }
0xb2: {  	_ =	task [dreg:s10], $0x5FFFF  }
0xb3: {  	[dreg:$0x1] =	wrdreg $0xFFFFFFFF  }
0xb4: {  	[dreg:$0x0] =	wrdreg $0x60  }
0xb5: {  	[dreg:$0x2] =	wrdreg s18  }
0xb6: {  	[dreg:$0x3] =	wrdreg s5  }
0xb7: {  	[dreg:$0x4] =	wrdreg s16  }
0xb8: {  	[dreg:$0x5] =	wrdreg s24  }
0xb9: {  	[dreg:$0x6] =	wrdreg s17  }
0xba: {  	[dreg:$0x7] =	wrdreg $0x9  }
0xbb: {  	_ =	task.clear_ibuf [dreg:s10], $0x8FFFF;
	_ =	strace $0x90000046  }
0xbc: {  	s29 =	simm.s32 $0x9;
	_ =	strace $0x80000048  }
0xbd: {  	_ =	swait.ge [sflag:s29], $0x1  }
0xbe: {  	[sflag:s29] =	ssyncadd.s32 $0xFFFFFFFF  }
0xbf: {  	_ =	strace $0x90000048  }
0xc0: {  	_ =	sfence  }
0xc1: {  	s30 =	sld [smem:$0x0];
	_ =	sdelay $0x2  }
0xc2: {  	s31 =	sshll.u32 s1, $0xD;
	s1 =	sshrl.u32 s1, $0x2  }
0xc3: {  	s3 =	sand.u32 $0x4000, s31;
	s1 =	sadd.s32 s1, s30  }
0xc4: {  	s0 =	sor.u32 s3, s0;
	s1 =	sshll.u32 s1, $0x11  }
0xc5: {  	s0 =	sor.u32 s1, s0  }
0xc6: {  	s0 =	sadd.s32 $0x8F2B, s0  }
0xc7: {  	[sflag:s0] =	ssyncadd.remote.s32 $0x1  }
0xc8: {  	_ =	sfence.sel $0xFFFF  }
0xc9: {  	[dreg:$0x0] =	wrdreg $0xFFFFFFFF;
	(pc) =	sbr.abs _section_cstart, $3  }
0xca: {  	[dreg:$0x1] =	wrdreg $0xFFFFFFFF  }
0xcb: {  	_ =	task.clear_ibuf [dreg:s10], $0x2FFFF;
	_ =	strace $0x9FFFFFFF  }
0xcc: {  	(tm) =	ssettm $0x7FFFFFFF  }
0xcd: {  	_ =	shalt  }
tec
execute0_lowered:
.L_overlay_start_1:
0x0: {  	(tag) =	ssettag $0x1  }
0x1: {  	s0 =	rddreg [dreg:$0x0]  }
0x2: {  	s1 =	rddreg [dreg:$0x1]  }
0x3: {  	s3 =	rddreg [dreg:$0x2]  }
0x4: {  	s4 =	rddreg [dreg:$0x3]  }
0x5: {  	s5 =	rddreg [dreg:$0x4]  }
0x6: {  	s13 =	stileid.u32;
	s6 =	srdreg.scid  }
0x7: {  	s2 =	simm.s32 $0x0;
	s28 =	simm.s32 $0x5800;
	s29 =	simm.s32 $0x3800  }
0x8: {  	s30 =	simm.s32 $0x7800;
	s31 =	simm.s32 $0x1;
	s7 =	sshll.u32 s13, $0x1  }
0x9: {  	s6 =	sand.u32 $0x1, s6;
	[smem:$0x7FF] =	sst s2;
	s8 =	sshrl.u32 s13, $0x1  }
0xa: {  	s4 =	sadd.s32 $0x1C00, s4;
	s7 =	sand.u32 $0x2, s7;
	s9 =	sshll.u32 s8, $0xB  }
0xb: {  	s10 =	ssub.s32 $0x2, s6;
	s8 =	smul.u32 $0x300, s8;
	s7 =	sor.u32 s6, s7  }
0xc: {  	_ =	strace $0x80000047;
	s17 =	sshrl.u32 s10, $0x1;
	s7 =	sshll.u32 s7, $0x9  }
0xd: {  	s0 =	sadd.s32 s0, s8;
	s7 =	sor.u32 s9, s7;
	s9 =	ssub.s32 s10, s17  }
0xe: {  	[dreg:$0x6] =	wrdreg s0;
	s11 =	sshll.u32 s7, $0x6;
	s18 =	sshll.u32 s7, $0x3  }
0xf: {  	s7 =	smul.u32 $0x18, s7;
	s12 =	sor.u32 $0x2000, s11;
	s19 =	sadd.s32 s1, s18  }
0x10: {  	s21 =	sadd.s32 s3, s18;
	s24 =	sadd.s32 s4, s18;
	[dreg:$0x7] =	wrdreg s19  }
0x11: {  	s25 =	sor.u32 $0x4000, s11;
	s18 =	sor.u32 $0x6000, s11;
	[dreg:$0x8] =	wrdreg s21  }
0x12: {  	s20 =	sshrl.u32 s12, $0x3;
	[dreg:$0xb] =	wrdreg s24;
	s14 =	smul.u32 $0x3, s12  }
0x13: {  	s7 =	sadd.s32 s5, s7;
	s26 =	sshrl.u32 s25, $0x3;
	s8 =	smul.u32 $0x3, s25  }
0x14: {  	s11 =	sshrl.u32 s18, $0x3;
	s10 =	smul.u32 $0x3, s18;
	s19 =	sand.u32 $0x1, s13  }
0x15: {  	s24 =	smul.u32 $0x600, s6;
	s6 =	simm.s32 $0x4;
	s22 =	sadd.s32 s1, s20  }
0x16: {  	s23 =	sadd.s32 s3, s20;
	[dreg:$0xc] =	wrdreg s7;
	s15 =	sadd.s32 s1, s26  }
0x17: {  	s16 =	sadd.s32 s3, s26;
	s0 =	sadd.s32 s4, s20;
	[dreg:$0x9] =	wrdreg s22  }
0x18: {  	s20 =	sadd.s32 s1, s11;
	s21 =	smul.u32 $0xC00, s19;
	[dreg:$0xa] =	wrdreg s23  }
0x19: {  	s25 =	sadd.s32 s4, s26;
	s18 =	sadd.s32 s4, s11;
	[dreg:$0xd] =	wrdreg s15  }
0x1a: {  	s1 =	simm.s32 $0xD800;
	s4 =	simm.s32 $0xB800;
	[dreg:$0xe] =	wrdreg s16  }
0x1b: {  	s7 =	simm.s32 $0x3;
	[dreg:$0xf] =	wrdreg s0;
	s17 =	sshrl.u32 s14, $0x3  }
0x1c: {  	[dreg:$0x11] =	wrdreg s20;
	s22 =	sadd.s32 s3, s11;
	s23 =	sshrl.u32 s8, $0x3  }
0x1d: {  	[dreg:$0x13] =	wrdreg s25;
	s26 =	sshrl.u32 s10, $0x3;
	s25 =	simm.s32 $0x5  }
0x1e: {  	s3 =	simm.s32 $0x2;
	s8 =	simm.s32 $0x0;
	s0 =	sadd.s32 s5, s17  }
0x1f: {  	v1 =	vlaneseq.u32;
	[dreg:$0x12] =	wrdreg s22;
	s17 =	sadd.s32 s5, s23;
	s19 =	sadd.s32 s5, s26  }
0x20: {  	v0 =	vmul.u32 $0xC, v1;
	s20 =	sadd.s32 s24, s21;
	s21 =	smax.u32 s9, $0x1;
	s26 =	simm.s32 $0x1800  }
0x21: {  	s5 =	simm.s32 $0x13800;
	[dreg:$0x10] =	wrdreg s0;
	s12 =	sor.u32 $0x180, s20  }
0x22: {  	v1 =	vmul.u32 $0x4, v1;
	v2 =	vor.u32 $0x1, v0;
	v3 =	vor.u32 $0x2, v0;
	s23 =	sadd.s32 $0x300, s20;
	s24 =	sadd.s32 $0x480, s20;
	s0 =	simm.s32 $0x9800  }
.LBB2_1:
0x23: {  	s9 =	rddreg [dreg:$0x6]  }
0x24: {  	[tilespmem:s2], [sflag:$0x5] =	stream.linear.gather [hbm4b:s9+s2], $0x1800, $0x38;
	[tilespmem:$0x19800] =	vst v63  }
0x25: {  	_ =	swait.ge [sflag:s25], $0x1800  }
0x26: {  	[sflag:s25] =	ssyncset.done $0x0  }
0x27: {  	s11 =	rddreg [dreg:$0x7];
	[sflag:s25] =	ssyncadd.s32 $0xFFFFE800  }
0x28: {  	[tilespmem:s26], [sflag:$0x1] =	stream.linear.gather [hbm4b:s11+s2], $0x2000, $0x38;
	[tilespmem:$0x19800] =	vst v63  }
0x29: {  	s13 =	rddreg [dreg:$0x8]  }
0x2a: {  	[tilespmem:s28], [sflag:$0x1] =	stream.linear.gather [hbm4b:s13+s2], $0x2000, $0x38;
	[tilespmem:$0x19800] =	vst v63  }
0x2b: {  	s14 =	rddreg [dreg:$0x9]  }
0x2c: {  	[tilespmem:s29], [sflag:$0x2] =	stream.linear.gather [hbm4b:s14+s2], $0x2000, $0x38;
	[tilespmem:$0x19800] =	vst v63  }
0x2d: {  	s15 =	rddreg [dreg:$0xa]  }
0x2e: {  	[tilespmem:s30], [sflag:$0x2] =	stream.linear.gather [hbm4b:s15+s2], $0x2000, $0x38;
	[tilespmem:$0x19800] =	vst v63  }
0x2f: {  	s16 =	simm.s32 $0x2;
	_ =	swait.ge [sflag:s31], $0x2000  }
0x30: {  	s10 =	simm.s32 $0x0;
	v4 =	vor.u32 s16, v1;
	[sflag:s31] =	ssyncset.done $0x0  }
0x31: {  	s22 =	simm.s32 $0x1;
	v15 =	vor.u32 s10, v1;
	[sflag:s31] =	ssyncadd.s32 $0xFFFFE000  }
0x32: {  	v16 =	vor.u32 s22, v1;
	_ =	swait.ge [sflag:s31], $0x2000  }
0x33: {  	[sflag:s31] =	ssyncset.done $0x0  }
0x34: {  	[sflag:s31] =	ssyncadd.s32 $0xFFFFE000  }
0x35: {  	v5 =	vld.idx.msk [tilespmem:v4+s26+$0x0], $0xffff  }
0x36: {  	v6 =	vmov s20;
	v7 =	vld.idx.msk [tilespmem:v15+s26+$0x0], $0xffff  }
0x37: {  	v8 =	vadd.s32 $0x2, v6;
	v10 =	vld.idx.msk [tilespmem:v16+s26+$0x0], $0xffff  }
0x38: {  	v9 =	vadd.s32 $0x1, v6;
	_ =	sdelay $0x1  }
0x39: {  	v14 =	vor.u32 s7, v1;
	v5 =	vmul.u32 $0x3, v5  }
0x3a: {  	v7 =	vmul.u32 $0x3, v7  }
0x3b: {  	v11 =	vld.idx.msk [tilespmem:v8+s2+$0x0], $0xffff;
	v10 =	vmul.u32 $0x3, v10  }
0x3c: {  	v17 =	vld.idx.msk [tilespmem:v9+s2+$0x0], $0xffff  }
0x3d: {  	v18 =	vld.idx.msk [tilespmem:v6+s2+$0x0], $0xffff;
	v8 =	vadd.s32 $0x1, v7  }
0x3e: {  	v9 =	vld.idx.msk [tilespmem:v14+s26+$0x0], $0xffff;
	v6 =	vadd.s32 $0x2, v5  }
0x3f: {  	v12 =	vadd.s32 $0x2, v7;
	v13 =	vld.idx.msk [tilespmem:v5+s2+$0x0], $0xffff  }
0x40: {  	v19 =	vadd.s32 $0x1, v10;
	v7 =	vld.idx.msk [tilespmem:v7+s2+$0x0], $0xffff  }
0x41: {  	v20 =	vadd.s32 $0x2, v10;
	v10 =	vld.idx.msk [tilespmem:v10+s2+$0x0], $0xffff  }
0x42: {  	v5 =	vadd.s32 $0x1, v5;
	v8 =	vld.idx.msk [tilespmem:v8+s2+$0x0], $0xffff  }
0x43: {  	v22 =	vmul.u32 $0x3, v9;
	v21 =	vld.idx.msk [tilespmem:v6+s2+$0x0], $0xffff  }
0x44: {  	v9 =	vld.idx.msk [tilespmem:v12+s2+$0x0], $0xffff  }
0x45: {  	v12 =	vadd.s32 $0x1, v22;
	v19 =	vld.idx.msk [tilespmem:v19+s2+$0x0], $0xffff  }
0x46: {  	v20 =	vld.idx.msk [tilespmem:v20+s2+$0x0], $0xffff  }
0x47: {  	v23 =	vld.idx.msk [tilespmem:v5+s2+$0x0], $0xffff;
	v24 =	vsub.f32 v7, v18  }
0x48: {  	v7 =	vadd.s32 $0x2, v22;
	v6 =	vsub.f32 v13, v18;
	v25 =	vsub.f32 v8, v17  }
0x49: {  	v5 =	vsub.f32 v21, v11;
	v26 =	vsub.f32 v9, v11  }
0x4a: {  	v27 =	vld.idx.msk [tilespmem:v12+s2+$0x0], $0xffff;
	v9 =	vsub.f32 v19, v17;
	v8 =	vmul.f32 v24, v24;
	v21 =	vmul.f32 v25, v25  }
0x4b: {  	v13 =	vsub.f32 v10, v18;
	v12 =	vsub.f32 v20, v11;
	v19 =	vmul.f32 v26, v26  }
0x4c: {  	v20 =	vmul.f32 v9, v9;
	v10 =	vadd.f32 v21, v8;
	v8 =	vsub.f32 v23, v17;
	v21 =	vld.idx.msk [tilespmem:v22+s2+$0x0], $0xffff  }
0x4d: {  	v22 =	vmul.f32 v13, v13;
	v23 =	vmul.f32 v5, v5;
	v28 =	vld.idx.msk [tilespmem:v7+s2+$0x0], $0xffff  }
0x4e: {  	v19 =	vadd.f32 v19, v10;
	v10 =	vmul.f32 v6, v6;
	v29 =	vmul.f32 v8, v8  }
0x4f: {  	v7 =	vsub.f32 v27, v17;
	v20 =	vadd.f32 v20, v22;
	v22 =	vmul.f32 v12, v12  }
0x50: {  	v17 =	vshrl.u32 v19, $0x1;
	v52 =	vmul.f32 $5.000000000e-01, v19;
	v29 =	vadd.f32 v29, v10  }
0x51: {  	v20 =	vadd.f32 v22, v20;
	v17 =	vsub.s32 $0x5F3759DF, v17;
	v10 =	vsub.f32 v21, v18  }
0x52: {  	v18 =	vmul.f32 v7, v7;
	v11 =	vsub.f32 v28, v11;
	v21 =	vmul.f32 v17, v52  }
0x53: {  	v22 =	vshrl.u32 v20, $0x1;
	v53 =	vmul.f32 $5.000000000e-01, v20;
	v30 =	vmul.f32 v10, v10  }
0x54: {  	v23 =	vadd.f32 v23, v29;
	v22 =	vsub.s32 $0x5F3759DF, v22;
	v21 =	vmul.f32 v17, v21  }
0x55: {  	v55 =	vmul.f32 v11, v11;
	v54 =	vmul.f32 v22, v53;
	v18 =	vadd.f32 v18, v30  }
0x56: {  	v31 =	vshrl.u32 v23, $0x1;
	v32 =	vmul.f32 $5.000000000e-01, v23;
	v21 =	vsub.f32 $1.500000000e+00, v21  }
0x57: {  	v31 =	vsub.s32 $0x5F3759DF, v31;
	v29 =	vmul.f32 v22, v54;
	v18 =	vadd.f32 v55, v18  }
0x58: {  	v17 =	vmul.f32 v17, v21;
	v21 =	vmul.f32 v31, v32  }
0x59: {  	v29 =	vsub.f32 $1.500000000e+00, v29;
	v30 =	vshrl.u32 v18, $0x1;
	v33 =	vmul.f32 $5.000000000e-01, v18  }
0x5a: {  	v27 =	vmul.f32 v17, v52;
	v21 =	vmul.f32 v31, v21;
	v30 =	vsub.s32 $0x5F3759DF, v30  }
0x5b: {  	v22 =	vmul.f32 v22, v29;
	v56 =	vmul.f32 v30, v33  }
0x5c: {  	v27 =	vmul.f32 v27, v17;
	v21 =	vsub.f32 $1.500000000e+00, v21  }
0x5d: {  	v28 =	vmul.f32 v22, v53;
	v29 =	vmul.f32 v30, v56  }
0x5e: {  	v27 =	vsub.f32 $1.500000000e+00, v27;
	v21 =	vmul.f32 v31, v21  }
0x5f: {  	v28 =	vmul.f32 v28, v22;
	v29 =	vsub.f32 $1.500000000e+00, v29  }
0x60: {  	v17 =	vmul.f32 v27, v17;
	v31 =	vmul.f32 v21, v32  }
0x61: {  	v57 =	vld.idx.msk [tilespmem:v15+s28+$0x0], $0xffff;
	v28 =	vsub.f32 $1.500000000e+00, v28;
	v29 =	vmul.f32 v30, v29  }
0x62: {  	v17 =	vmul.f32 v17, v19;
	v58 =	vmul.f32 v31, v21  }
0x63: {  	vm0 =	vgt.f32 v19, $0.0e+00;
	v19 =	vmul.f32 v28, v22;
	v59 =	vmul.f32 v29, v33  }
0x64: {  	vm11 =	vgt.f32 v20, $0.0e+00;
	v22 =	vld.idx.msk [tilespmem:v16+s28+$0x0], $0xffff;
	v30 =	vsub.f32 $1.500000000e+00, v58  }
0x65: {  	v17 =	vnsel vm0, $0x0, v17;
	v19 =	vmul.f32 v19, v20;
	v20 =	vmul.f32 v59, v29  }
0x66: {  	vm1 =	veq.s32 v57, $0x0;
	v60 =	vadd.f32 $9.999999930e-09, v17;
	v21 =	vmul.f32 v30, v21  }
0x67: {  	v62 =	vld.idx.msk [tilespmem:v4+s28+$0x0], $0xffff;
	vm2 =	vgt.f32 v23, $0.0e+00;
	v19 =	vnsel vm11, $0x0, v19;
	v20 =	vsub.f32 $1.500000000e+00, v20  }
0x68: {  	v27 =	vsel vm1, $0x3F800000, v60;
	v61 =	vadd.f32 $9.999999930e-09, v19;
	v21 =	vmul.f32 v21, v23  }
0x69: {  	vm12 =	veq.s32 v22, $0x0;
	(erf) = vrcp.f32 v27;
	v20 =	vmul.f32 v20, v29  }
0x6a: {  	v22 =	vsel vm12, $0x3F800000, v61;
	v21 =	vnsel vm2, $0x0, v21  }
0x6b: {  	(erf) = vrcp.f32 v22;
	v20 =	vmul.f32 v20, v18;
	v22 =	vadd.f32 $9.999999930e-09, v21  }
0x6c: {  	vm14 =	veq.s32 v62, $0x0;
	vm13 =	vgt.f32 v18, $0.0e+00;
	v23 =	vld.idx.msk [tilespmem:v14+s28+$0x0], $0xffff  }
0x6d: {  	v18 =	vsel vm12, $0x0, v19;
	v19 =	vnsel vm13, $0x0, v20;
	v20 =	vsel vm14, $0x3F800000, v22  }
0x6e: {  	(erf) = vrcp.f32 v20;
	_ =	sdelay $0x1  }
0x6f: {  	v63 =	vadd.s32 s2, v0;
	v17 =	vsel vm1, $0x0, v17;
	v22 =	vadd.f32 $9.999999930e-09, v19  }
0x70: {  	[tilespmem:v15+s0+$0x0] =	vst.idx.msk $0xffff, v17;
	v15 =	vsel vm14, $0x0, v21;
	vm15 =	veq.s32 v23, $0x0  }
0x71: {  	[tilespmem:v16+s0+$0x0] =	vst.idx.msk $0xffff, v18;
	v17 =	vsel vm15, $0x0, v19;
	v20 =	vadd.s32 s2, v2;
	v18 =	vsel vm15, $0x3F800000, v22;
	v19 =	vpop (erf)  }
0x72: {  	s11 =	simm.s32 $0x3;
	s13 =	simm.s32 $0x40;
	v16 =	vadd.s32 s2, v3;
	[tilespmem:v4+s0+$0x0] =	vst.idx.msk $0xffff, v15;
	(erf) = vrcp.f32 v18;
	v22 =	vmul.f32 v19, v24  }
0x73: {  	s9 =	simm.s32 $0xC0;
	s22 =	simm.s32 $0x180;
	s10 =	simm.s32 $0x43;
	v15 =	vadd.s32 s11, v0;
	v4 =	vor.u32 s13, v1;
	[tilespmem:v14+s0+$0x0] =	vst.idx.msk $0xffff, v17;
	v14 =	vadd.s32 s11, v2  }
0x74: {  	s14 =	simm.s32 $0x6;
	s13 =	simm.s32 $0x0;
	v17 =	vadd.s32 s11, v3;
	s11 =	smov.u32 s20;
	v21 =	vmul.f32 v19, v25;
	v18 =	vmul.f32 v19, v26;
	v19 =	vpop (erf);
	[tilespmem:v63+s1+$0x0] =	vst.idx.msk $0xffff, v22  }
.LBB2_2:
0x75: {  	p0 =	sne.s32 s22, $0x5F40  }
0x76: {  	v22 =	vadd.s32 s14, v0;
	[tilespmem:v20+s1+$0x0] =	vst.idx.msk $0xffff, v21;
	v13 =	vmul.f32 v19, v13;
	s11 =	sadd.s32 $0x3, s11;
	v20 =	vpop (erf);
	s15 =	smov.u32 s22;
	s22 =	sadd.s32 $0xC0, s22  }
0x77: {  	v9 =	vmul.f32 v19, v9;
	[tilespmem:v16+s1+$0x0] =	vst.idx.msk $0xffff, v18;
	v6 =	vmul.f32 v20, v6;
	v16 =	vadd.s32 s14, v2  }
0x78: {  	s16 =	sadd.s32 $0x9, s13;
	s13 =	smov.u32 s9;
	v18 =	vmul.f32 v19, v12;
	v8 =	vmul.f32 v20, v8;
	s9 =	smov.u32 s15;
	[tilespmem:v15+s1+$0x0] =	vst.idx.msk $0xffff, v13;
	v13 =	vadd.s32 s14, v3  }
0x79: {  	v5 =	vmul.f32 v20, v5;
	v15 =	vadd.s32 s16, v0;
	[tilespmem:v14+s1+$0x0] =	vst.idx.msk $0xffff, v9  }
0x7a: {  	v9 =	vadd.s32 s16, v2;
	[tilespmem:v17+s1+$0x0] =	vst.idx.msk $0xffff, v18  }
0x7b: {  	s14 =	sadd.s32 $0xFFFFFFFF, s10;
	[tilespmem:v22+s1+$0x0] =	vst.idx.msk $0xffff, v6;
	v6 =	vadd.s32 s16, v3;
	v12 =	vpop (erf)  }
0x7c: {  	v14 =	vor.u32 s14, v1;
	[tilespmem:v16+s1+$0x0] =	vst.idx.msk $0xffff, v8;
	v8 =	vmul.f32 v12, v10;
	v7 =	vmul.f32 v12, v7  }
0x7d: {  	v10 =	vmov s11;
	[tilespmem:v13+s1+$0x0] =	vst.idx.msk $0xffff, v5;
	v5 =	vmul.f32 v12, v11  }
0x7e: {  	v11 =	vadd.s32 $0x2, v10;
	[tilespmem:v15+s1+$0x0] =	vst.idx.msk $0xffff, v8  }
0x7f: {  	v8 =	vadd.s32 $0x1, v10;
	[tilespmem:v9+s1+$0x0] =	vst.idx.msk $0xffff, v7  }
0x80: {  	s14 =	sadd.s32 $0xFFFFFFFE, s10;
	[tilespmem:v6+s1+$0x0] =	vst.idx.msk $0xffff, v5  }
0x81: {  	v16 =	vor.u32 s14, v1;
	v5 =	vld.idx.msk [tilespmem:v14+s26+$0x0], $0xffff  }
0x82: {  	v6 =	vld.idx.msk [tilespmem:v4+s26+$0x0], $0xffff  }
0x83: {  	v11 =	vld.idx.msk [tilespmem:v11+s2+$0x0], $0xffff  }
0x84: {  	v15 =	vor.u32 s10, v1;
	v7 =	vld.idx.msk [tilespmem:v8+s2+$0x0], $0xffff  }
0x85: {  	v10 =	vld.idx.msk [tilespmem:v10+s2+$0x0], $0xffff  }
0x86: {  	v8 =	vld.idx.msk [tilespmem:v16+s26+$0x0], $0xffff  }
0x87: {  	v5 =	vmul.u32 $0x3, v5  }
0x88: {  	v6 =	vmul.u32 $0x3, v6  }
0x89: {  	v12 =	vadd.s32 $0x1, v5;
	v13 =	vadd.s32 $0x2, v5;
	v9 =	vld.idx.msk [tilespmem:v15+s26+$0x0], $0xffff  }
0x8a: {  	v17 =	vadd.s32 $0x1, v6;
	v18 =	vadd.s32 $0x2, v6;
	_ =	sdelay $0x1  }
0x8b: {  	v8 =	vmul.u32 $0x3, v8  }
0x8c: {  	v5 =	vld.idx.msk [tilespmem:v5+s2+$0x0], $0xffff  }
0x8d: {  	v19 =	vadd.s32 $0x1, v8;
	v6 =	vld.idx.msk [tilespmem:v6+s2+$0x0], $0xffff  }
0x8e: {  	v9 =	vmul.u32 $0x3, v9;
	v20 =	vld.idx.msk [tilespmem:v17+s2+$0x0], $0xffff  }
0x8f: {  	v17 =	vadd.s32 $0x2, v8;
	v13 =	vld.idx.msk [tilespmem:v13+s2+$0x0], $0xffff  }
0x90: {  	v21 =	vadd.s32 $0x1, v9;
	v23 =	vadd.s32 $0x2, v9;
	v22 =	vld.idx.msk [tilespmem:v18+s2+$0x0], $0xffff  }
0x91: {  	v8 =	vld.idx.msk [tilespmem:v8+s2+$0x0], $0xffff  }
0x92: {  	v24 =	vld.idx.msk [tilespmem:v19+s2+$0x0], $0xffff  }
0x93: {  	v12 =	vld.idx.msk [tilespmem:v12+s2+$0x0], $0xffff  }
0x94: {  	v18 =	vsub.f32 v20, v7;
	v25 =	vld.idx.msk [tilespmem:v17+s2+$0x0], $0xffff;
	v17 =	vsub.f32 v6, v10  }
0x95: {  	v6 =	vsub.f32 v5, v10;
	v5 =	vsub.f32 v13, v11;
	v20 =	vld.idx.msk [tilespmem:v21+s2+$0x0], $0xffff  }
0x96: {  	v19 =	vsub.f32 v22, v11;
	v22 =	vmul.f32 v18, v18;
	v21 =	vmul.f32 v17, v17  }
0x97: {  	v13 =	vsub.f32 v8, v10  }
0x98: {  	v26 =	vld.idx.msk [tilespmem:v9+s2+$0x0], $0xffff;
	v9 =	vsub.f32 v24, v7;
	v21 =	vadd.f32 v22, v21;
	v22 =	vmul.f32 v19, v19  }
0x99: {  	v27 =	vmul.f32 v5, v5;
	v8 =	vsub.f32 v12, v7;
	v24 =	vmul.f32 v13, v13  }
0x9a: {  	v12 =	vsub.f32 v25, v11;
	v23 =	vld.idx.msk [tilespmem:v23+s2+$0x0], $0xffff;
	v21 =	vadd.f32 v22, v21;
	v22 =	vmul.f32 v9, v9  }
0x9b: {  	v7 =	vsub.f32 v20, v7;
	v20 =	vmul.f32 v6, v6;
	v25 =	vmul.f32 v8, v8  }
0x9c: {  	v22 =	vadd.f32 v22, v24;
	v24 =	vshrl.u32 v21, $0x1;
	v28 =	vmul.f32 $5.000000000e-01, v21  }
0x9d: {  	v29 =	vmul.f32 v12, v12;
	v20 =	vadd.f32 v25, v20;
	v24 =	vsub.s32 $0x5F3759DF, v24  }
0x9e: {  	v25 =	vmul.f32 v7, v7;
	v10 =	vsub.f32 v26, v10;
	v26 =	vmul.f32 v24, v28  }
0x9f: {  	v22 =	vadd.f32 v29, v22;
	v20 =	vadd.f32 v27, v20  }
0xa0: {  	v11 =	vsub.f32 v23, v11;
	v23 =	vmul.f32 v10, v10;
	v26 =	vmul.f32 v24, v26  }
0xa1: {  	v27 =	vshrl.u32 v22, $0x1;
	v29 =	vshrl.u32 v20, $0x1;
	v30 =	vmul.f32 $5.000000000e-01, v22  }
0xa2: {  	v23 =	vadd.f32 v25, v23;
	v25 =	vsub.s32 $0x5F3759DF, v27;
	v27 =	vmul.f32 $5.000000000e-01, v20  }
0xa3: {  	v31 =	vmul.f32 v11, v11;
	v29 =	vsub.s32 $0x5F3759DF, v29;
	v32 =	vmul.f32 v25, v30  }
0xa4: {  	v26 =	vsub.f32 $1.500000000e+00, v26;
	v33 =	vmul.f32 v29, v27  }
0xa5: {  	v23 =	vadd.f32 v31, v23;
	v31 =	vmul.f32 v25, v32;
	v34 =	vld.idx.msk [tilespmem:v4+s28+$0x0], $0xffff  }
0xa6: {  	v24 =	vmul.f32 v24, v26;
	v26 =	vmul.f32 v29, v33  }
0xa7: {  	v33 =	vshrl.u32 v23, $0x1;
	v35 =	vmul.f32 $5.000000000e-01, v23;
	v31 =	vsub.f32 $1.500000000e+00, v31;
	v32 =	vld.idx.msk [tilespmem:v16+s28+$0x0], $0xffff  }
0xa8: {  	v33 =	vsub.s32 $0x5F3759DF, v33;
	v28 =	vmul.f32 v24, v28;
	v26 =	vsub.f32 $1.500000000e+00, v26  }
0xa9: {  	v25 =	vmul.f32 v25, v31;
	v31 =	vmul.f32 v33, v35  }
0xaa: {  	v28 =	vmul.f32 v28, v24;
	v26 =	vmul.f32 v29, v26  }
0xab: {  	v29 =	vmul.f32 v33, v31;
	v30 =	vmul.f32 v25, v30  }
0xac: {  	v28 =	vsub.f32 $1.500000000e+00, v28;
	v27 =	vmul.f32 v26, v27  }
0xad: {  	v29 =	vsub.f32 $1.500000000e+00, v29;
	v30 =	vmul.f32 v30, v25  }
0xae: {  	v24 =	vmul.f32 v28, v24;
	v27 =	vmul.f32 v27, v26  }
0xaf: {  	vm0 =	vgt.f32 v21, $0.0e+00;
	v28 =	vmul.f32 v33, v29;
	v29 =	vsub.f32 $1.500000000e+00, v30  }
0xb0: {  	vm1 =	vgt.f32 v20, $0.0e+00;
	v21 =	vmul.f32 v24, v21;
	v27 =	vsub.f32 $1.500000000e+00, v27  }
0xb1: {  	vm2 =	vgt.f32 v22, $0.0e+00;
	v25 =	vmul.f32 v29, v25;
	v29 =	vmul.f32 v28, v35;
	v24 =	vld.idx.msk [tilespmem:v14+s28+$0x0], $0xffff  }
0xb2: {  	v21 =	vnsel vm0, $0x0, v21;
	vm0 =	veq.s32 v34, $0x0;
	v26 =	vmul.f32 v27, v26  }
0xb3: {  	v27 =	vmul.f32 v29, v28;
	v22 =	vmul.f32 v25, v22;
	v25 =	vadd.f32 $9.999999930e-09, v21  }
0xb4: {  	vm3 =	veq.s32 v32, $0x0;
	v21 =	vsel vm0, $0x0, v21;
	v20 =	vmul.f32 v26, v20;
	v29 =	vld.idx.msk [tilespmem:v15+s28+$0x0], $0xffff  }
0xb5: {  	v26 =	vsub.f32 $1.500000000e+00, v27;
	v22 =	vnsel vm2, $0x0, v22;
	[tilespmem:v4+s0+$0x0] =	vst.idx.msk $0xffff, v21;
	v4 =	vsel vm0, $0x3F800000, v25  }
0xb6: {  	v20 =	vnsel vm1, $0x0, v20;
	v21 =	vadd.f32 $9.999999930e-09, v22;
	(erf) = vrcp.f32 v4  }
0xb7: {  	v22 =	vsel vm3, $0x0, v22;
	v4 =	vmul.f32 v26, v28;
	v25 =	vadd.f32 $9.999999930e-09, v20  }
0xb8: {  	vm0 =	veq.s32 v24, $0x0;
	[tilespmem:v16+s0+$0x0] =	vst.idx.msk $0xffff, v22;
	v16 =	vsel vm3, $0x3F800000, v21  }
0xb9: {  	v4 =	vmul.f32 v4, v23;
	v21 =	vsel vm0, $0x3F800000, v25;
	(erf) = vrcp.f32 v16  }
0xba: {  	vm1 =	vgt.f32 v23, $0.0e+00;
	v16 =	vsel vm0, $0x0, v20;
	(erf) = vrcp.f32 v21  }
0xbb: {  	vm0 =	veq.s32 v29, $0x0;
	v4 =	vnsel vm1, $0x0, v4;
	[tilespmem:v14+s0+$0x0] =	vst.idx.msk $0xffff, v16  }
0xbc: {  	v14 =	vsel vm0, $0x0, v4;
	v4 =	vadd.f32 $9.999999930e-09, v4  }
0xbd: {  	v22 =	vadd.s32 s13, v0;
	[tilespmem:v15+s0+$0x0] =	vst.idx.msk $0xffff, v14  }
.Ltmp0:
0xbe: {  	v20 =	vadd.s32 s13, v2;
	v4 =	vsel vm0, $0x3F800000, v4;
	(pc) =	sbr.rel @p0 .LBB2_2-.Ltmp0, $4  }
0xbf: {  	s15 =	sadd.s32 $0x3, s13;
	v16 =	vadd.s32 s13, v3;
	v14 =	vpop (erf);
	(erf) = vrcp.f32 v4  }
0xc0: {  	s10 =	sadd.s32 $0x40, s10;
	v15 =	vadd.s32 s15, v0;
	v17 =	vmul.f32 v14, v17;
	v21 =	vmul.f32 v14, v18  }
0xc1: {  	s14 =	sadd.s32 $0xFFFFFFFD, s10;
	v18 =	vmul.f32 v14, v19;
	v14 =	vadd.s32 s15, v2  }
0xc2: {  	v4 =	vor.u32 s14, v1;
	s14 =	sadd.s32 $0x6, s13;
	[tilespmem:v22+s1+$0x0] =	vst.idx.msk $0xffff, v17;
	v17 =	vadd.s32 s15, v3;
	v19 =	vpop (erf)  }
0xc3: {  	_ =	sdelay $0x3  }
0xc4: {  	v22 =	vadd.s32 s14, v0;
	[tilespmem:v20+s1+$0x0] =	vst.idx.msk $0xffff, v21;
	v13 =	vmul.f32 v19, v13  }
0xc5: {  	v9 =	vmul.f32 v19, v9;
	[tilespmem:v16+s1+$0x0] =	vst.idx.msk $0xffff, v18;
	v16 =	vadd.s32 s14, v2  }
0xc6: {  	s13 =	sadd.s32 $0x9, s13;
	v12 =	vmul.f32 v19, v12;
	v18 =	vpop (erf);
	[tilespmem:v15+s1+$0x0] =	vst.idx.msk $0xffff, v13;
	v13 =	vadd.s32 s14, v3  }
0xc7: {  	v6 =	vmul.f32 v18, v6;
	v15 =	vadd.s32 s13, v0;
	[tilespmem:v14+s1+$0x0] =	vst.idx.msk $0xffff, v9  }
0xc8: {  	v8 =	vmul.f32 v18, v8;
	v9 =	vadd.s32 s13, v2;
	[tilespmem:v17+s1+$0x0] =	vst.idx.msk $0xffff, v12  }
0xc9: {  	s16 =	sadd.s32 $0xFFFFFFFF, s10;
	v12 =	vmul.f32 v18, v5;
	[tilespmem:v22+s1+$0x0] =	vst.idx.msk $0xffff, v6;
	v6 =	vadd.s32 s13, v3;
	v14 =	vpop (erf)  }
0xca: {  	v5 =	vor.u32 s16, v1;
	[tilespmem:v16+s1+$0x0] =	vst.idx.msk $0xffff, v8;
	v8 =	vmul.f32 v14, v10  }
0xcb: {  	v7 =	vmul.f32 v14, v7;
	[tilespmem:v13+s1+$0x0] =	vst.idx.msk $0xffff, v12  }
0xcc: {  	v10 =	vmul.f32 v14, v11;
	[tilespmem:v15+s1+$0x0] =	vst.idx.msk $0xffff, v8  }
0xcd: {  	[tilespmem:v9+s1+$0x0] =	vst.idx.msk $0xffff, v7  }
0xce: {  	s22 =	sadd.s32 $0xFFFFFFFE, s10;
	s11 =	sadd.s32 $0x3, s11;
	[tilespmem:v6+s1+$0x0] =	vst.idx.msk $0xffff, v10  }
0xcf: {  	v7 =	vor.u32 s22, v1;
	v9 =	vmov s11;
	v8 =	vld.idx.msk [tilespmem:v5+s26+$0x0], $0xffff  }
0xd0: {  	v11 =	vadd.s32 $0x2, v9;
	v10 =	vld.idx.msk [tilespmem:v4+s26+$0x0], $0xffff  }
0xd1: {  	v12 =	vadd.s32 $0x1, v9  }
0xd2: {  	v6 =	vor.u32 s10, v1;
	_ =	sdelay $0x1  }
0xd3: {  	v13 =	vld.idx.msk [tilespmem:v7+s26+$0x0], $0xffff;
	v8 =	vmul.u32 $0x3, v8  }
0xd4: {  	v14 =	vld.idx.msk [tilespmem:v11+s2+$0x0], $0xffff;
	v10 =	vmul.u32 $0x3, v10  }
0xd5: {  	v11 =	vld.idx.msk [tilespmem:v12+s2+$0x0], $0xffff  }
0xd6: {  	v15 =	vld.idx.msk [tilespmem:v6+s26+$0x0], $0xffff;
	v12 =	vadd.s32 $0x1, v10  }
0xd7: {  	v16 =	vadd.s32 $0x2, v8  }
0xd8: {  	v17 =	vld.idx.msk [tilespmem:v9+s2+$0x0], $0xffff;
	v9 =	vadd.s32 $0x2, v10;
	v13 =	vmul.u32 $0x3, v13  }
0xd9: {  	v18 =	vld.idx.msk [tilespmem:v8+s2+$0x0], $0xffff  }
0xda: {  	v19 =	vadd.s32 $0x1, v13;
	v10 =	vld.idx.msk [tilespmem:v10+s2+$0x0], $0xffff  }
0xdb: {  	v15 =	vmul.u32 $0x3, v15;
	v20 =	vadd.s32 $0x2, v13;
	v12 =	vld.idx.msk [tilespmem:v12+s2+$0x0], $0xffff  }
0xdc: {  	v16 =	vld.idx.msk [tilespmem:v16+s2+$0x0], $0xffff  }
0xdd: {  	v8 =	vadd.s32 $0x1, v8;
	v21 =	vld.idx.msk [tilespmem:v9+s2+$0x0], $0xffff  }
0xde: {  	v22 =	vadd.s32 $0x1, v15;
	v13 =	vld.idx.msk [tilespmem:v13+s2+$0x0], $0xffff  }
0xdf: {  	v25 =	vadd.s32 $0x2, v15;
	v19 =	vld.idx.msk [tilespmem:v19+s2+$0x0], $0xffff  }
0xe0: {  	v20 =	vld.idx.msk [tilespmem:v20+s2+$0x0], $0xffff  }
0xe1: {  	v15 =	vld.idx.msk [tilespmem:v15+s2+$0x0], $0xffff  }
0xe2: {  	v23 =	vld.idx.msk [tilespmem:v8+s2+$0x0], $0xffff;
	v24 =	vsub.f32 v10, v17  }
0xe3: {  	v9 =	vsub.f32 v18, v17;
	v18 =	vld.idx.msk [tilespmem:v22+s2+$0x0], $0xffff;
	v12 =	vsub.f32 v12, v11  }
0xe4: {  	v25 =	vld.idx.msk [tilespmem:v25+s2+$0x0], $0xffff;
	v8 =	vsub.f32 v16, v14;
	v21 =	vsub.f32 v21, v14;
	v10 =	vmul.f32 v24, v24  }
0xe5: {  	v16 =	vmul.f32 v12, v12;
	v13 =	vsub.f32 v13, v17;
	v19 =	vsub.f32 v19, v11  }
0xe6: {  	v22 =	vmul.f32 v21, v21;
	v20 =	vsub.f32 v20, v14;
	v15 =	vsub.f32 v15, v17  }
0xe7: {  	v26 =	vmul.f32 v8, v8;
	v16 =	vadd.f32 v16, v10;
	v10 =	vsub.f32 v23, v11  }
0xe8: {  	v23 =	vmul.f32 v13, v13;
	v11 =	vsub.f32 v18, v11;
	v27 =	vmul.f32 v19, v19  }
0xe9: {  	v14 =	vsub.f32 v25, v14;
	v16 =	vadd.f32 v22, v16;
	v22 =	vmul.f32 v9, v9  }
0xea: {  	v28 =	vmul.f32 v10, v10;
	v18 =	vadd.f32 v27, v23;
	v23 =	vmul.f32 v20, v20  }
0xeb: {  	v53 =	vmul.f32 v15, v15;
	v52 =	vshrl.u32 v16, $0x1;
	v29 =	vmul.f32 $5.000000000e-01, v16  }
0xec: {  	v22 =	vadd.f32 v28, v22;
	v27 =	vsub.s32 $0x5F3759DF, v52;
	v17 =	vadd.f32 v23, v18  }
0xed: {  	v56 =	vmul.f32 v14, v14;
	v23 =	vmul.f32 v27, v29  }
0xee: {  	v22 =	vadd.f32 v26, v22;
	v54 =	vshrl.u32 v17, $0x1;
	v30 =	vmul.f32 $5.000000000e-01, v17  }
0xef: {  	v18 =	vmul.f32 v11, v11;
	v23 =	vmul.f32 v27, v23;
	v55 =	vsub.s32 $0x5F3759DF, v54  }
0xf0: {  	v31 =	vshrl.u32 v22, $0x1;
	v32 =	vmul.f32 $5.000000000e-01, v22;
	v28 =	vmul.f32 v55, v30  }
0xf1: {  	v18 =	vadd.f32 v18, v53;
	v31 =	vsub.s32 $0x5F3759DF, v31;
	v23 =	vsub.f32 $1.500000000e+00, v23  }
0xf2: {  	v58 =	vmul.f32 v31, v32;
	v57 =	vmul.f32 v55, v28  }
0xf3: {  	v18 =	vadd.f32 v56, v18;
	v23 =	vmul.f32 v27, v23  }
0xf4: {  	v28 =	vmul.f32 v31, v58;
	v25 =	vsub.f32 $1.500000000e+00, v57  }
0xf5: {  	v59 =	vshrl.u32 v18, $0x1;
	v33 =	vmul.f32 $5.000000000e-01, v18;
	v29 =	vmul.f32 v23, v29  }
0xf6: {  	v27 =	vsub.s32 $0x5F3759DF, v59;
	v28 =	vsub.f32 $1.500000000e+00, v28;
	v25 =	vmul.f32 v55, v25  }
0xf7: {  	v60 =	vmul.f32 v27, v33;
	v29 =	vmul.f32 v29, v23  }
0xf8: {  	v28 =	vmul.f32 v31, v28;
	v30 =	vmul.f32 v25, v30  }
0xf9: {  	v26 =	vmul.f32 v27, v60  }
0xfa: {  	v29 =	vsub.f32 $1.500000000e+00, v29;
	v31 =	vmul.f32 v28, v32;
	v30 =	vmul.f32 v30, v25  }
0xfb: {  	v26 =	vsub.f32 $1.500000000e+00, v26  }
0xfc: {  	v23 =	vmul.f32 v29, v23;
	v63 =	vmul.f32 v31, v28;
	v62 =	vsub.f32 $1.500000000e+00, v30  }
0xfd: {  	v61 =	vld.idx.msk [tilespmem:v4+s28+$0x0], $0xffff;
	vm0 =	vgt.f32 v16, $0.0e+00;
	v26 =	vmul.f32 v27, v26  }
0xfe: {  	v23 =	vmul.f32 v23, v16;
	v30 =	vsub.f32 $1.500000000e+00, v63;
	v16 =	vmul.f32 v62, v25  }
0xff: {  	vm4 =	vgt.f32 v17, $0.0e+00;
	v33 =	vmul.f32 v26, v33  }
0x100: {  	v34 =	vld.idx.msk [tilespmem:v7+s28+$0x0], $0xffff;
	v23 =	vnsel vm0, $0x0, v23;
	v16 =	vmul.f32 v16, v17;
	v17 =	vmul.f32 v30, v28  }
0x101: {  	v36 =	vld.idx.msk [tilespmem:v5+s28+$0x0], $0xffff;
	v25 =	vmul.f32 v33, v26;
	v35 =	vadd.f32 $9.999999930e-09, v23  }
0x102: {  	vm1 =	veq.s32 v61, $0x0;
	vm5 =	vgt.f32 v22, $0.0e+00;
	v17 =	vmul.f32 v17, v22  }
0x103: {  	v25 =	vsub.f32 $1.500000000e+00, v25;
	v16 =	vnsel vm4, $0x0, v16;
	v29 =	vsel vm1, $0x3F800000, v35  }
0x104: {  	v37 =	vadd.f32 $9.999999930e-09, v16;
	(erf) = vrcp.f32 v29;
	v17 =	vnsel vm5, $0x0, v17  }
0x105: {  	vm2 =	veq.s32 v34, $0x0;
	v22 =	vmul.f32 v25, v26;
	v40 =	vadd.f32 $9.999999930e-09, v17  }
0x106: {  	v38 =	vld.idx.msk [tilespmem:v6+s28+$0x0], $0xffff;
	vm6 =	veq.s32 v36, $0x0;
	vm3 =	vgt.f32 v18, $0.0e+00;
	v39 =	vsel vm2, $0x3F800000, v37  }
0x107: {  	v22 =	vmul.f32 v22, v18;
	(erf) = vrcp.f32 v39;
	v18 =	vsel vm6, $0x3F800000, v40  }
0x108: {  	(erf) = vrcp.f32 v18  }
0x109: {  	v22 =	vnsel vm3, $0x0, v22  }
0x10a: {  	v18 =	vadd.f32 $9.999999930e-09, v22  }
0x10b: {  	v41 =	vadd.s32 s9, v0;
	vm7 =	veq.s32 v38, $0x0;
	v23 =	vsel vm1, $0x0, v23  }
0x10c: {  	[tilespmem:v4+s0+$0x0] =	vst.idx.msk $0xffff, v23;
	v4 =	vsel vm2, $0x0, v16;
	v16 =	vsel vm7, $0x3F800000, v18;
	v18 =	vadd.s32 s9, v2  }
0x10d: {  	s11 =	sadd.s32 $0x3, s9;
	[tilespmem:v7+s0+$0x0] =	vst.idx.msk $0xffff, v4;
	v7 =	vadd.s32 s9, v3;
	v4 =	vsel vm6, $0x0, v17;
	v17 =	vpop (erf);
	(erf) = vrcp.f32 v16  }
0x10e: {  	[tilespmem:v5+s0+$0x0] =	vst.idx.msk $0xffff, v4;
	v5 =	vadd.s32 s11, v0;
	v4 =	vsel vm7, $0x0, v22;
	v16 =	vmul.f32 v17, v24  }
0x10f: {  	[tilespmem:v6+s0+$0x0] =	vst.idx.msk $0xffff, v4;
	v6 =	vadd.s32 s11, v2;
	v4 =	vmul.f32 v17, v12  }
0x110: {  	s13 =	sadd.s32 $0x6, s9;
	v12 =	vmul.f32 v17, v21;
	[tilespmem:v41+s1+$0x0] =	vst.idx.msk $0xffff, v16;
	v16 =	vadd.s32 s11, v3;
	v17 =	vpop (erf)  }
0x111: {  	v21 =	vadd.s32 s13, v0;
	[tilespmem:v18+s1+$0x0] =	vst.idx.msk $0xffff, v4;
	v4 =	vmul.f32 v17, v13;
	v13 =	vpop (erf)  }
0x112: {  	[tilespmem:v7+s1+$0x0] =	vst.idx.msk $0xffff, v12;
	v7 =	vmul.f32 v17, v19;
	v12 =	vadd.s32 s13, v2;
	v9 =	vmul.f32 v13, v9  }
0x113: {  	s14 =	sadd.s32 $0x9, s9;
	[tilespmem:v5+s1+$0x0] =	vst.idx.msk $0xffff, v4;
	v4 =	vmul.f32 v17, v20;
	v5 =	vadd.s32 s13, v3  }
0x114: {  	v17 =	vadd.s32 s14, v0;
	[tilespmem:v6+s1+$0x0] =	vst.idx.msk $0xffff, v7  }
0x115: {  	v6 =	vmul.f32 v13, v10;
	[tilespmem:v16+s1+$0x0] =	vst.idx.msk $0xffff, v4;
	v4 =	vadd.s32 s14, v2  }
0x116: {  	v7 =	vmul.f32 v13, v8;
	v8 =	vadd.s32 s14, v3;
	[tilespmem:v21+s1+$0x0] =	vst.idx.msk $0xffff, v9;
	v9 =	vpop (erf)  }
0x117: {  	[tilespmem:v12+s1+$0x0] =	vst.idx.msk $0xffff, v6;
	v6 =	vmul.f32 v9, v15  }
0x118: {  	v10 =	vmul.f32 v9, v11;
	[tilespmem:v5+s1+$0x0] =	vst.idx.msk $0xffff, v7  }
0x119: {  	v5 =	vmul.f32 v9, v14;
	[tilespmem:v17+s1+$0x0] =	vst.idx.msk $0xffff, v6  }
0x11a: {  	[tilespmem:v4+s1+$0x0] =	vst.idx.msk $0xffff, v10  }
0x11b: {  	s15 =	rddreg [dreg:$0xb];
	s10 =	simm.s32 $0x0;
	[tilespmem:v8+s1+$0x0] =	vst.idx.msk $0xffff, v5  }
0x11c: {  	[hbm4b:s15+s10] =	stream.linear.scatter [tilespmem:s0], [sflag:$0x3], $0x2000, $0x38;
	[tilespmem:$0x19800] =	vst v63  }
0x11d: {  	s16 =	rddreg [dreg:$0xc]  }
0x11e: {  	[hbm4b:s16+s10] =	stream.linear.scatter [tilespmem:s1], [sflag:$0x3], $0x6000, $0x38;
	[tilespmem:$0x19800] =	vst v63  }
0x11f: {  	s22 =	rddreg [dreg:$0xd]  }
0x120: {  	[tilespmem:s26], [sflag:$0x1] =	stream.linear.gather [hbm4b:s22+s10], $0x2000, $0x38;
	[tilespmem:$0x19800] =	vst v63  }
0x121: {  	s11 =	rddreg [dreg:$0xe]  }
0x122: {  	[tilespmem:s28], [sflag:$0x1] =	stream.linear.gather [hbm4b:s11+s10], $0x2000, $0x38;
	[tilespmem:$0x19800] =	vst v63  }
0x123: {  	s13 =	simm.s32 $0x2;
	_ =	swait.ge [sflag:s3], $0x2000  }
0x124: {  	s14 =	simm.s32 $0x0;
	v4 =	vor.u32 s13, v1;
	[sflag:s3] =	ssyncset.done $0x0  }
0x125: {  	v15 =	vor.u32 s14, v1;
	s15 =	simm.s32 $0x1;
	[sflag:s3] =	ssyncadd.s32 $0xFFFFE000  }
0x126: {  	v16 =	vor.u32 s15, v1;
	_ =	swait.ge [sflag:s3], $0x2000  }
0x127: {  	[sflag:s3] =	ssyncset.done $0x0  }
0x128: {  	[sflag:s3] =	ssyncadd.s32 $0xFFFFE000  }
0x129: {  	v5 =	vld.idx.msk [tilespmem:v4+s29+$0x0], $0xffff  }
0x12a: {  	v6 =	vmov s12;
	v7 =	vld.idx.msk [tilespmem:v15+s29+$0x0], $0xffff  }
0x12b: {  	v8 =	vadd.s32 $0x2, v6;
	v10 =	vld.idx.msk [tilespmem:v16+s29+$0x0], $0xffff  }
0x12c: {  	v9 =	vadd.s32 $0x1, v6  }
0x12d: {  	s16 =	simm.s32 $0x3  }
0x12e: {  	v14 =	vor.u32 s16, v1;
	v5 =	vmul.u32 $0x3, v5  }
0x12f: {  	v7 =	vmul.u32 $0x3, v7  }
0x130: {  	v11 =	vld.idx.msk [tilespmem:v8+s2+$0x0], $0xffff;
	v10 =	vmul.u32 $0x3, v10  }
0x131: {  	v17 =	vld.idx.msk [tilespmem:v9+s2+$0x0], $0xffff  }
0x132: {  	v18 =	vld.idx.msk [tilespmem:v6+s2+$0x0], $0xffff;
	v8 =	vadd.s32 $0x1, v7  }
0x133: {  	v9 =	vld.idx.msk [tilespmem:v14+s29+$0x0], $0xffff;
	v6 =	vadd.s32 $0x2, v5  }
0x134: {  	v12 =	vadd.s32 $0x2, v7;
	v13 =	vld.idx.msk [tilespmem:v5+s2+$0x0], $0xffff  }
0x135: {  	v19 =	vadd.s32 $0x1, v10;
	v7 =	vld.idx.msk [tilespmem:v7+s2+$0x0], $0xffff  }
0x136: {  	v20 =	vadd.s32 $0x2, v10;
	v10 =	vld.idx.msk [tilespmem:v10+s2+$0x0], $0xffff  }
0x137: {  	v5 =	vadd.s32 $0x1, v5;
	v8 =	vld.idx.msk [tilespmem:v8+s2+$0x0], $0xffff  }
0x138: {  	v22 =	vmul.u32 $0x3, v9;
	v21 =	vld.idx.msk [tilespmem:v6+s2+$0x0], $0xffff  }
0x139: {  	v9 =	vld.idx.msk [tilespmem:v12+s2+$0x0], $0xffff  }
0x13a: {  	v12 =	vadd.s32 $0x1, v22;
	v19 =	vld.idx.msk [tilespmem:v19+s2+$0x0], $0xffff  }
0x13b: {  	v20 =	vld.idx.msk [tilespmem:v20+s2+$0x0], $0xffff  }
0x13c: {  	v23 =	vld.idx.msk [tilespmem:v5+s2+$0x0], $0xffff;
	v42 =	vsub.f32 v7, v18  }
0x13d: {  	v7 =	vadd.s32 $0x2, v22;
	v6 =	vsub.f32 v13, v18;
	v43 =	vsub.f32 v8, v17  }
0x13e: {  	v5 =	vsub.f32 v21, v11;
	v44 =	vsub.f32 v9, v11  }
0x13f: {  	v45 =	vld.idx.msk [tilespmem:v12+s2+$0x0], $0xffff;
	v9 =	vsub.f32 v19, v17;
	v8 =	vmul.f32 v42, v42;
	v21 =	vmul.f32 v43, v43  }
0x140: {  	v13 =	vsub.f32 v10, v18;
	v12 =	vsub.f32 v20, v11;
	v19 =	vmul.f32 v44, v44  }
0x141: {  	v20 =	vmul.f32 v9, v9;
	v10 =	vadd.f32 v21, v8;
	v8 =	vsub.f32 v23, v17;
	v21 =	vld.idx.msk [tilespmem:v22+s2+$0x0], $0xffff  }
0x142: {  	v22 =	vmul.f32 v13, v13;
	v23 =	vmul.f32 v5, v5;
	v46 =	vld.idx.msk [tilespmem:v7+s2+$0x0], $0xffff  }
0x143: {  	v19 =	vadd.f32 v19, v10;
	v10 =	vmul.f32 v6, v6;
	v47 =	vmul.f32 v8, v8  }
0x144: {  	v7 =	vsub.f32 v45, v17;
	v20 =	vadd.f32 v20, v22;
	v22 =	vmul.f32 v12, v12  }
0x145: {  	v17 =	vshrl.u32 v19, $0x1;
	v48 =	vmul.f32 $5.000000000e-01, v19;
	v29 =	vadd.f32 v47, v10  }
0x146: {  	v20 =	vadd.f32 v22, v20;
	v17 =	vsub.s32 $0x5F3759DF, v17;
	v10 =	vsub.f32 v21, v18  }
0x147: {  	v18 =	vmul.f32 v7, v7;
	v11 =	vsub.f32 v46, v11;
	v21 =	vmul.f32 v17, v48  }
0x148: {  	v22 =	vshrl.u32 v20, $0x1;
	v49 =	vmul.f32 $5.000000000e-01, v20;
	v50 =	vmul.f32 v10, v10  }
0x149: {  	v23 =	vadd.f32 v23, v29;
	v22 =	vsub.s32 $0x5F3759DF, v22;
	v21 =	vmul.f32 v17, v21  }
0x14a: {  	v52 =	vmul.f32 v11, v11;
	v51 =	vmul.f32 v22, v49;
	v18 =	vadd.f32 v18, v50  }
0x14b: {  	v53 =	vshrl.u32 v23, $0x1;
	v54 =	vmul.f32 $5.000000000e-01, v23;
	v21 =	vsub.f32 $1.500000000e+00, v21  }
0x14c: {  	v31 =	vsub.s32 $0x5F3759DF, v53;
	v29 =	vmul.f32 v22, v51;
	v18 =	vadd.f32 v52, v18  }
0x14d: {  	v17 =	vmul.f32 v17, v21;
	v21 =	vmul.f32 v31, v54  }
0x14e: {  	v29 =	vsub.f32 $1.500000000e+00, v29;
	v30 =	vshrl.u32 v18, $0x1;
	v55 =	vmul.f32 $5.000000000e-01, v18  }
0x14f: {  	v27 =	vmul.f32 v17, v48;
	v21 =	vmul.f32 v31, v21;
	v30 =	vsub.s32 $0x5F3759DF, v30  }
0x150: {  	v22 =	vmul.f32 v22, v29;
	v56 =	vmul.f32 v30, v55  }
0x151: {  	v27 =	vmul.f32 v27, v17;
	v21 =	vsub.f32 $1.500000000e+00, v21  }
0x152: {  	v28 =	vmul.f32 v22, v49;
	v29 =	vmul.f32 v30, v56  }
0x153: {  	v27 =	vsub.f32 $1.500000000e+00, v27;
	v21 =	vmul.f32 v31, v21  }
0x154: {  	v28 =	vmul.f32 v28, v22;
	v29 =	vsub.f32 $1.500000000e+00, v29  }
0x155: {  	v17 =	vmul.f32 v27, v17;
	v31 =	vmul.f32 v21, v54  }
0x156: {  	v57 =	vld.idx.msk [tilespmem:v15+s30+$0x0], $0xffff;
	v28 =	vsub.f32 $1.500000000e+00, v28;
	v29 =	vmul.f32 v30, v29  }
0x157: {  	v17 =	vmul.f32 v17, v19;
	v58 =	vmul.f32 v31, v21  }
0x158: {  	vm8 =	vgt.f32 v19, $0.0e+00;
	v19 =	vmul.f32 v28, v22;
	v59 =	vmul.f32 v29, v55  }
0x159: {  	vm9 =	vgt.f32 v20, $0.0e+00;
	v22 =	vld.idx.msk [tilespmem:v16+s30+$0x0], $0xffff;
	v30 =	vsub.f32 $1.500000000e+00, v58  }
0x15a: {  	v17 =	vnsel vm8, $0x0, v17;
	v19 =	vmul.f32 v19, v20;
	v20 =	vmul.f32 v59, v29  }
0x15b: {  	vm10 =	veq.s32 v57, $0x0;
	v60 =	vadd.f32 $9.999999930e-09, v17;
	v21 =	vmul.f32 v30, v21  }
0x15c: {  	v62 =	vld.idx.msk [tilespmem:v4+s30+$0x0], $0xffff;
	vm12 =	vgt.f32 v23, $0.0e+00;
	v19 =	vnsel vm9, $0x0, v19;
	v20 =	vsub.f32 $1.500000000e+00, v20  }
0x15d: {  	v27 =	vsel vm10, $0x3F800000, v60;
	v61 =	vadd.f32 $9.999999930e-09, v19;
	v21 =	vmul.f32 v21, v23  }
0x15e: {  	vm11 =	veq.s32 v22, $0x0;
	(erf) = vrcp.f32 v27;
	v20 =	vmul.f32 v20, v29  }
0x15f: {  	v22 =	vsel vm11, $0x3F800000, v61;
	v21 =	vnsel vm12, $0x0, v21  }
0x160: {  	(erf) = vrcp.f32 v22;
	v20 =	vmul.f32 v20, v18;
	v22 =	vadd.f32 $9.999999930e-09, v21  }
0x161: {  	vm14 =	veq.s32 v62, $0x0;
	vm13 =	vgt.f32 v18, $0.0e+00;
	v23 =	vld.idx.msk [tilespmem:v14+s30+$0x0], $0xffff  }
0x162: {  	v18 =	vsel vm11, $0x0, v19;
	v19 =	vnsel vm13, $0x0, v20;
	v20 =	vsel vm14, $0x3F800000, v22  }
0x163: {  	(erf) = vrcp.f32 v20;
	_ =	sdelay $0x1  }
0x164: {  	v63 =	vadd.s32 s10, v0;
	v17 =	vsel vm10, $0x0, v17;
	v22 =	vadd.f32 $9.999999930e-09, v19  }
0x165: {  	[tilespmem:v15+s4+$0x0] =	vst.idx.msk $0xffff, v17;
	v15 =	vsel vm14, $0x0, v21;
	vm15 =	veq.s32 v23, $0x0  }
0x166: {  	[tilespmem:v16+s4+$0x0] =	vst.idx.msk $0xffff, v18;
	v17 =	vsel vm15, $0x0, v19;
	v20 =	vadd.s32 s10, v2;
	v18 =	vsel vm15, $0x3F800000, v22;
	v19 =	vpop (erf)  }
0x167: {  	s15 =	simm.s32 $0x3;
	s22 =	simm.s32 $0x40;
	v16 =	vadd.s32 s10, v3;
	[tilespmem:v4+s4+$0x0] =	vst.idx.msk $0xffff, v15;
	(erf) = vrcp.f32 v18;
	v22 =	vmul.f32 v19, v42  }
0x168: {  	s9 =	simm.s32 $0xC0;
	s14 =	simm.s32 $0x6;
	v15 =	vadd.s32 s15, v2;
	v4 =	vor.u32 s22, v1;
	[tilespmem:v14+s4+$0x0] =	vst.idx.msk $0xffff, v17;
	v14 =	vadd.s32 s15, v0  }
0x169: {  	s13 =	simm.s32 $0x180;
	s11 =	simm.s32 $0x43;
	s22 =	smov.u32 s12;
	v17 =	vadd.s32 s15, v3;
	v21 =	vmul.f32 v19, v43;
	v18 =	vmul.f32 v19, v44;
	v19 =	vpop (erf);
	[tilespmem:v63+s5+$0x0] =	vst.idx.msk $0xffff, v22  }
.LBB2_4:
0x16a: {  	p0 =	sne.s32 s13, $0x5F40  }
0x16b: {  	v22 =	vadd.s32 s14, v0;
	[tilespmem:v20+s5+$0x0] =	vst.idx.msk $0xffff, v21;
	v13 =	vmul.f32 v19, v13;
	s22 =	sadd.s32 $0x3, s22;
	v20 =	vpop (erf);
	s15 =	smov.u32 s13;
	s13 =	sadd.s32 $0xC0, s13  }
0x16c: {  	v9 =	vmul.f32 v19, v9;
	[tilespmem:v16+s5+$0x0] =	vst.idx.msk $0xffff, v18;
	v6 =	vmul.f32 v20, v6;
	v16 =	vadd.s32 s14, v2  }
0x16d: {  	s16 =	sadd.s32 $0x9, s10;
	s10 =	smov.u32 s9;
	v8 =	vmul.f32 v20, v8;
	s9 =	smov.u32 s15;
	[tilespmem:v14+s5+$0x0] =	vst.idx.msk $0xffff, v13;
	v14 =	vmul.f32 v19, v12;
	v13 =	vadd.s32 s14, v3  }
0x16e: {  	v18 =	vadd.s32 s16, v0;
	v5 =	vmul.f32 v20, v5;
	[tilespmem:v15+s5+$0x0] =	vst.idx.msk $0xffff, v9  }
0x16f: {  	v9 =	vadd.s32 s16, v2;
	[tilespmem:v17+s5+$0x0] =	vst.idx.msk $0xffff, v14  }
0x170: {  	s14 =	sadd.s32 $0xFFFFFFFF, s11;
	[tilespmem:v22+s5+$0x0] =	vst.idx.msk $0xffff, v6;
	v6 =	vadd.s32 s16, v3;
	v12 =	vpop (erf)  }
0x171: {  	v14 =	vor.u32 s14, v1;
	[tilespmem:v16+s5+$0x0] =	vst.idx.msk $0xffff, v8;
	v8 =	vmul.f32 v12, v10;
	v7 =	vmul.f32 v12, v7  }
0x172: {  	v10 =	vmov s22;
	[tilespmem:v13+s5+$0x0] =	vst.idx.msk $0xffff, v5;
	v5 =	vmul.f32 v12, v11  }
0x173: {  	v11 =	vadd.s32 $0x2, v10;
	[tilespmem:v18+s5+$0x0] =	vst.idx.msk $0xffff, v8  }
0x174: {  	v8 =	vadd.s32 $0x1, v10;
	[tilespmem:v9+s5+$0x0] =	vst.idx.msk $0xffff, v7  }
0x175: {  	s14 =	sadd.s32 $0xFFFFFFFE, s11;
	[tilespmem:v6+s5+$0x0] =	vst.idx.msk $0xffff, v5  }
0x176: {  	v16 =	vor.u32 s14, v1;
	v5 =	vld.idx.msk [tilespmem:v14+s29+$0x0], $0xffff  }
0x177: {  	v6 =	vld.idx.msk [tilespmem:v4+s29+$0x0], $0xffff  }
0x178: {  	v11 =	vld.idx.msk [tilespmem:v11+s2+$0x0], $0xffff  }
0x179: {  	v15 =	vor.u32 s11, v1;
	v7 =	vld.idx.msk [tilespmem:v8+s2+$0x0], $0xffff  }
0x17a: {  	v10 =	vld.idx.msk [tilespmem:v10+s2+$0x0], $0xffff  }
0x17b: {  	v8 =	vld.idx.msk [tilespmem:v16+s29+$0x0], $0xffff  }
0x17c: {  	v5 =	vmul.u32 $0x3, v5  }
0x17d: {  	v6 =	vmul.u32 $0x3, v6  }
0x17e: {  	v12 =	vadd.s32 $0x1, v5;
	v13 =	vadd.s32 $0x2, v5;
	v9 =	vld.idx.msk [tilespmem:v15+s29+$0x0], $0xffff  }
0x17f: {  	v17 =	vadd.s32 $0x1, v6;
	v18 =	vadd.s32 $0x2, v6;
	_ =	sdelay $0x1  }
0x180: {  	v8 =	vmul.u32 $0x3, v8  }
0x181: {  	v5 =	vld.idx.msk [tilespmem:v5+s2+$0x0], $0xffff  }
0x182: {  	v19 =	vadd.s32 $0x1, v8;
	v6 =	vld.idx.msk [tilespmem:v6+s2+$0x0], $0xffff  }
0x183: {  	v9 =	vmul.u32 $0x3, v9;
	v20 =	vld.idx.msk [tilespmem:v17+s2+$0x0], $0xffff  }
0x184: {  	v17 =	vadd.s32 $0x2, v8;
	v13 =	vld.idx.msk [tilespmem:v13+s2+$0x0], $0xffff  }
0x185: {  	v21 =	vadd.s32 $0x1, v9;
	v23 =	vadd.s32 $0x2, v9;
	v22 =	vld.idx.msk [tilespmem:v18+s2+$0x0], $0xffff  }
0x186: {  	v8 =	vld.idx.msk [tilespmem:v8+s2+$0x0], $0xffff  }
0x187: {  	v24 =	vld.idx.msk [tilespmem:v19+s2+$0x0], $0xffff  }
0x188: {  	v12 =	vld.idx.msk [tilespmem:v12+s2+$0x0], $0xffff  }
0x189: {  	v18 =	vsub.f32 v20, v7;
	v25 =	vld.idx.msk [tilespmem:v17+s2+$0x0], $0xffff;
	v17 =	vsub.f32 v6, v10  }
0x18a: {  	v6 =	vsub.f32 v5, v10;
	v5 =	vsub.f32 v13, v11;
	v20 =	vld.idx.msk [tilespmem:v21+s2+$0x0], $0xffff  }
0x18b: {  	v19 =	vsub.f32 v22, v11;
	v22 =	vmul.f32 v18, v18;
	v21 =	vmul.f32 v17, v17  }
0x18c: {  	v13 =	vsub.f32 v8, v10  }
0x18d: {  	v26 =	vld.idx.msk [tilespmem:v9+s2+$0x0], $0xffff;
	v9 =	vsub.f32 v24, v7;
	v21 =	vadd.f32 v22, v21;
	v22 =	vmul.f32 v19, v19  }
0x18e: {  	v27 =	vmul.f32 v5, v5;
	v8 =	vsub.f32 v12, v7;
	v24 =	vmul.f32 v13, v13  }
0x18f: {  	v12 =	vsub.f32 v25, v11;
	v23 =	vld.idx.msk [tilespmem:v23+s2+$0x0], $0xffff;
	v21 =	vadd.f32 v22, v21;
	v22 =	vmul.f32 v9, v9  }
0x190: {  	v7 =	vsub.f32 v20, v7;
	v20 =	vmul.f32 v6, v6;
	v25 =	vmul.f32 v8, v8  }
0x191: {  	v22 =	vadd.f32 v22, v24;
	v24 =	vshrl.u32 v21, $0x1;
	v28 =	vmul.f32 $5.000000000e-01, v21  }
0x192: {  	v29 =	vmul.f32 v12, v12;
	v20 =	vadd.f32 v25, v20;
	v24 =	vsub.s32 $0x5F3759DF, v24  }
0x193: {  	v25 =	vmul.f32 v7, v7;
	v10 =	vsub.f32 v26, v10;
	v26 =	vmul.f32 v24, v28  }
0x194: {  	v22 =	vadd.f32 v29, v22;
	v20 =	vadd.f32 v27, v20  }
0x195: {  	v11 =	vsub.f32 v23, v11;
	v23 =	vmul.f32 v10, v10;
	v26 =	vmul.f32 v24, v26  }
0x196: {  	v27 =	vshrl.u32 v22, $0x1;
	v29 =	vshrl.u32 v20, $0x1;
	v30 =	vmul.f32 $5.000000000e-01, v22  }
0x197: {  	v23 =	vadd.f32 v25, v23;
	v25 =	vsub.s32 $0x5F3759DF, v27;
	v27 =	vmul.f32 $5.000000000e-01, v20  }
0x198: {  	v31 =	vmul.f32 v11, v11;
	v29 =	vsub.s32 $0x5F3759DF, v29;
	v32 =	vmul.f32 v25, v30  }
0x199: {  	v26 =	vsub.f32 $1.500000000e+00, v26;
	v33 =	vmul.f32 v29, v27  }
0x19a: {  	v23 =	vadd.f32 v31, v23;
	v31 =	vmul.f32 v25, v32;
	v34 =	vld.idx.msk [tilespmem:v4+s30+$0x0], $0xffff  }
0x19b: {  	v24 =	vmul.f32 v24, v26;
	v26 =	vmul.f32 v29, v33  }
0x19c: {  	v33 =	vshrl.u32 v23, $0x1;
	v35 =	vmul.f32 $5.000000000e-01, v23;
	v31 =	vsub.f32 $1.500000000e+00, v31;
	v32 =	vld.idx.msk [tilespmem:v16+s30+$0x0], $0xffff  }
0x19d: {  	v33 =	vsub.s32 $0x5F3759DF, v33;
	v28 =	vmul.f32 v24, v28;
	v26 =	vsub.f32 $1.500000000e+00, v26  }
0x19e: {  	v25 =	vmul.f32 v25, v31;
	v31 =	vmul.f32 v33, v35  }
0x19f: {  	v28 =	vmul.f32 v28, v24;
	v26 =	vmul.f32 v29, v26  }
0x1a0: {  	v29 =	vmul.f32 v33, v31;
	v30 =	vmul.f32 v25, v30  }
0x1a1: {  	v28 =	vsub.f32 $1.500000000e+00, v28;
	v27 =	vmul.f32 v26, v27  }
0x1a2: {  	v29 =	vsub.f32 $1.500000000e+00, v29;
	v30 =	vmul.f32 v30, v25  }
0x1a3: {  	v24 =	vmul.f32 v28, v24;
	v27 =	vmul.f32 v27, v26  }
0x1a4: {  	vm0 =	vgt.f32 v21, $0.0e+00;
	v28 =	vmul.f32 v33, v29;
	v29 =	vsub.f32 $1.500000000e+00, v30  }
0x1a5: {  	vm1 =	vgt.f32 v20, $0.0e+00;
	v21 =	vmul.f32 v24, v21;
	v27 =	vsub.f32 $1.500000000e+00, v27  }
0x1a6: {  	vm2 =	vgt.f32 v22, $0.0e+00;
	v25 =	vmul.f32 v29, v25;
	v29 =	vmul.f32 v28, v35;
	v24 =	vld.idx.msk [tilespmem:v14+s30+$0x0], $0xffff  }
0x1a7: {  	v21 =	vnsel vm0, $0x0, v21;
	vm0 =	veq.s32 v34, $0x0;
	v26 =	vmul.f32 v27, v26  }
0x1a8: {  	v27 =	vmul.f32 v29, v28;
	v22 =	vmul.f32 v25, v22;
	v25 =	vadd.f32 $9.999999930e-09, v21  }
0x1a9: {  	vm3 =	veq.s32 v32, $0x0;
	v21 =	vsel vm0, $0x0, v21;
	v20 =	vmul.f32 v26, v20;
	v29 =	vld.idx.msk [tilespmem:v15+s30+$0x0], $0xffff  }
0x1aa: {  	v26 =	vsub.f32 $1.500000000e+00, v27;
	v22 =	vnsel vm2, $0x0, v22;
	[tilespmem:v4+s4+$0x0] =	vst.idx.msk $0xffff, v21;
	v4 =	vsel vm0, $0x3F800000, v25  }
0x1ab: {  	v20 =	vnsel vm1, $0x0, v20;
	v21 =	vadd.f32 $9.999999930e-09, v22;
	(erf) = vrcp.f32 v4  }
0x1ac: {  	v22 =	vsel vm3, $0x0, v22;
	v4 =	vmul.f32 v26, v28;
	v25 =	vadd.f32 $9.999999930e-09, v20  }
0x1ad: {  	vm0 =	veq.s32 v24, $0x0;
	[tilespmem:v16+s4+$0x0] =	vst.idx.msk $0xffff, v22;
	v16 =	vsel vm3, $0x3F800000, v21  }
0x1ae: {  	v4 =	vmul.f32 v4, v23;
	v21 =	vsel vm0, $0x3F800000, v25;
	(erf) = vrcp.f32 v16  }
0x1af: {  	vm1 =	vgt.f32 v23, $0.0e+00;
	v16 =	vsel vm0, $0x0, v20;
	(erf) = vrcp.f32 v21  }
0x1b0: {  	vm0 =	veq.s32 v29, $0x0;
	v4 =	vnsel vm1, $0x0, v4;
	[tilespmem:v14+s4+$0x0] =	vst.idx.msk $0xffff, v16  }
0x1b1: {  	v14 =	vsel vm0, $0x0, v4;
	v4 =	vadd.f32 $9.999999930e-09, v4  }
0x1b2: {  	v22 =	vadd.s32 s10, v0;
	[tilespmem:v15+s4+$0x0] =	vst.idx.msk $0xffff, v14  }
.Ltmp1:
0x1b3: {  	v20 =	vadd.s32 s10, v2;
	v4 =	vsel vm0, $0x3F800000, v4;
	(pc) =	sbr.rel @p0 .LBB2_4-.Ltmp1, $4  }
0x1b4: {  	s15 =	sadd.s32 $0x3, s10;
	v16 =	vadd.s32 s10, v3;
	v15 =	vpop (erf);
	(erf) = vrcp.f32 v4  }
0x1b5: {  	s11 =	sadd.s32 $0x40, s11;
	v14 =	vadd.s32 s15, v0;
	v17 =	vmul.f32 v15, v17;
	v21 =	vmul.f32 v15, v18  }
0x1b6: {  	s14 =	sadd.s32 $0xFFFFFFFD, s11;
	v18 =	vmul.f32 v15, v19;
	v15 =	vadd.s32 s15, v2  }
0x1b7: {  	v4 =	vor.u32 s14, v1;
	s14 =	sadd.s32 $0x6, s10;
	[tilespmem:v22+s5+$0x0] =	vst.idx.msk $0xffff, v17;
	v17 =	vadd.s32 s15, v3;
	v19 =	vpop (erf)  }
0x1b8: {  	_ =	sdelay $0x3  }
0x1b9: {  	v22 =	vadd.s32 s14, v0;
	[tilespmem:v20+s5+$0x0] =	vst.idx.msk $0xffff, v21;
	v13 =	vmul.f32 v19, v13  }
0x1ba: {  	v9 =	vmul.f32 v19, v9;
	[tilespmem:v16+s5+$0x0] =	vst.idx.msk $0xffff, v18;
	v16 =	vadd.s32 s14, v2  }
0x1bb: {  	s10 =	sadd.s32 $0x9, s10;
	v12 =	vmul.f32 v19, v12;
	v18 =	vpop (erf);
	[tilespmem:v14+s5+$0x0] =	vst.idx.msk $0xffff, v13;
	v13 =	vadd.s32 s14, v3  }
0x1bc: {  	v6 =	vmul.f32 v18, v6;
	v14 =	vadd.s32 s10, v0;
	[tilespmem:v15+s5+$0x0] =	vst.idx.msk $0xffff, v9  }
0x1bd: {  	v8 =	vmul.f32 v18, v8;
	v9 =	vadd.s32 s10, v2;
	[tilespmem:v17+s5+$0x0] =	vst.idx.msk $0xffff, v12  }
0x1be: {  	s13 =	sadd.s32 $0xFFFFFFFF, s11;
	v12 =	vmul.f32 v18, v5;
	[tilespmem:v22+s5+$0x0] =	vst.idx.msk $0xffff, v6;
	v6 =	vadd.s32 s10, v3;
	v15 =	vpop (erf)  }
0x1bf: {  	v5 =	vor.u32 s13, v1;
	[tilespmem:v16+s5+$0x0] =	vst.idx.msk $0xffff, v8;
	v8 =	vmul.f32 v15, v10  }
0x1c0: {  	v7 =	vmul.f32 v15, v7;
	[tilespmem:v13+s5+$0x0] =	vst.idx.msk $0xffff, v12  }
0x1c1: {  	v10 =	vmul.f32 v15, v11;
	[tilespmem:v14+s5+$0x0] =	vst.idx.msk $0xffff, v8  }
0x1c2: {  	[tilespmem:v9+s5+$0x0] =	vst.idx.msk $0xffff, v7  }
0x1c3: {  	s15 =	sadd.s32 $0x3, s22;
	s14 =	sadd.s32 $0xFFFFFFFE, s11;
	[tilespmem:v6+s5+$0x0] =	vst.idx.msk $0xffff, v10  }
0x1c4: {  	v7 =	vor.u32 s14, v1;
	v9 =	vmov s15;
	v8 =	vld.idx.msk [tilespmem:v5+s29+$0x0], $0xffff  }
0x1c5: {  	v11 =	vadd.s32 $0x2, v9;
	v10 =	vld.idx.msk [tilespmem:v4+s29+$0x0], $0xffff  }
0x1c6: {  	v12 =	vadd.s32 $0x1, v9  }
0x1c7: {  	v6 =	vor.u32 s11, v1;
	_ =	sdelay $0x1  }
0x1c8: {  	v13 =	vld.idx.msk [tilespmem:v7+s29+$0x0], $0xffff;
	v8 =	vmul.u32 $0x3, v8  }
0x1c9: {  	v14 =	vld.idx.msk [tilespmem:v11+s2+$0x0], $0xffff;
	v10 =	vmul.u32 $0x3, v10  }
0x1ca: {  	v11 =	vld.idx.msk [tilespmem:v12+s2+$0x0], $0xffff  }
0x1cb: {  	v15 =	vld.idx.msk [tilespmem:v6+s29+$0x0], $0xffff;
	v12 =	vadd.s32 $0x1, v10  }
0x1cc: {  	v16 =	vadd.s32 $0x2, v8  }
0x1cd: {  	v17 =	vld.idx.msk [tilespmem:v9+s2+$0x0], $0xffff;
	v9 =	vadd.s32 $0x2, v10;
	v13 =	vmul.u32 $0x3, v13  }
0x1ce: {  	v18 =	vld.idx.msk [tilespmem:v8+s2+$0x0], $0xffff  }
0x1cf: {  	v19 =	vadd.s32 $0x1, v13;
	v10 =	vld.idx.msk [tilespmem:v10+s2+$0x0], $0xffff  }
0x1d0: {  	v15 =	vmul.u32 $0x3, v15;
	v20 =	vadd.s32 $0x2, v13;
	v12 =	vld.idx.msk [tilespmem:v12+s2+$0x0], $0xffff  }
0x1d1: {  	v16 =	vld.idx.msk [tilespmem:v16+s2+$0x0], $0xffff  }
0x1d2: {  	v8 =	vadd.s32 $0x1, v8;
	v21 =	vld.idx.msk [tilespmem:v9+s2+$0x0], $0xffff  }
0x1d3: {  	v22 =	vadd.s32 $0x1, v15;
	v13 =	vld.idx.msk [tilespmem:v13+s2+$0x0], $0xffff  }
0x1d4: {  	v25 =	vadd.s32 $0x2, v15;
	v19 =	vld.idx.msk [tilespmem:v19+s2+$0x0], $0xffff  }
0x1d5: {  	v20 =	vld.idx.msk [tilespmem:v20+s2+$0x0], $0xffff  }
0x1d6: {  	v15 =	vld.idx.msk [tilespmem:v15+s2+$0x0], $0xffff  }
0x1d7: {  	v23 =	vld.idx.msk [tilespmem:v8+s2+$0x0], $0xffff;
	v24 =	vsub.f32 v10, v17  }
0x1d8: {  	v9 =	vsub.f32 v18, v17;
	v18 =	vld.idx.msk [tilespmem:v22+s2+$0x0], $0xffff;
	v12 =	vsub.f32 v12, v11  }
0x1d9: {  	v25 =	vld.idx.msk [tilespmem:v25+s2+$0x0], $0xffff;
	v8 =	vsub.f32 v16, v14;
	v21 =	vsub.f32 v21, v14;
	v10 =	vmul.f32 v24, v24  }
0x1da: {  	v16 =	vmul.f32 v12, v12;
	v13 =	vsub.f32 v13, v17;
	v19 =	vsub.f32 v19, v11  }
0x1db: {  	v22 =	vmul.f32 v21, v21;
	v20 =	vsub.f32 v20, v14;
	v15 =	vsub.f32 v15, v17  }
0x1dc: {  	v26 =	vmul.f32 v8, v8;
	v16 =	vadd.f32 v16, v10;
	v10 =	vsub.f32 v23, v11  }
0x1dd: {  	v23 =	vmul.f32 v13, v13;
	v11 =	vsub.f32 v18, v11;
	v27 =	vmul.f32 v19, v19  }
0x1de: {  	v14 =	vsub.f32 v25, v14;
	v16 =	vadd.f32 v22, v16;
	v22 =	vmul.f32 v9, v9  }
0x1df: {  	v28 =	vmul.f32 v10, v10;
	v18 =	vadd.f32 v27, v23;
	v23 =	vmul.f32 v20, v20  }
0x1e0: {  	v53 =	vmul.f32 v15, v15;
	v52 =	vshrl.u32 v16, $0x1;
	v29 =	vmul.f32 $5.000000000e-01, v16  }
0x1e1: {  	v22 =	vadd.f32 v28, v22;
	v27 =	vsub.s32 $0x5F3759DF, v52;
	v17 =	vadd.f32 v23, v18  }
0x1e2: {  	v56 =	vmul.f32 v14, v14;
	v23 =	vmul.f32 v27, v29  }
0x1e3: {  	v22 =	vadd.f32 v26, v22;
	v54 =	vshrl.u32 v17, $0x1;
	v30 =	vmul.f32 $5.000000000e-01, v17  }
0x1e4: {  	v18 =	vmul.f32 v11, v11;
	v23 =	vmul.f32 v27, v23;
	v55 =	vsub.s32 $0x5F3759DF, v54  }
0x1e5: {  	v31 =	vshrl.u32 v22, $0x1;
	v32 =	vmul.f32 $5.000000000e-01, v22;
	v28 =	vmul.f32 v55, v30  }
0x1e6: {  	v18 =	vadd.f32 v18, v53;
	v31 =	vsub.s32 $0x5F3759DF, v31;
	v23 =	vsub.f32 $1.500000000e+00, v23  }
0x1e7: {  	v58 =	vmul.f32 v31, v32;
	v57 =	vmul.f32 v55, v28  }
0x1e8: {  	v18 =	vadd.f32 v56, v18;
	v23 =	vmul.f32 v27, v23  }
0x1e9: {  	v28 =	vmul.f32 v31, v58;
	v25 =	vsub.f32 $1.500000000e+00, v57  }
0x1ea: {  	v59 =	vshrl.u32 v18, $0x1;
	v33 =	vmul.f32 $5.000000000e-01, v18;
	v29 =	vmul.f32 v23, v29  }
0x1eb: {  	v27 =	vsub.s32 $0x5F3759DF, v59;
	v28 =	vsub.f32 $1.500000000e+00, v28;
	v25 =	vmul.f32 v55, v25  }
0x1ec: {  	v60 =	vmul.f32 v27, v33;
	v29 =	vmul.f32 v29, v23  }
0x1ed: {  	v28 =	vmul.f32 v31, v28;
	v30 =	vmul.f32 v25, v30  }
0x1ee: {  	v26 =	vmul.f32 v27, v60  }
0x1ef: {  	v29 =	vsub.f32 $1.500000000e+00, v29;
	v31 =	vmul.f32 v28, v32;
	v30 =	vmul.f32 v30, v25  }
0x1f0: {  	v26 =	vsub.f32 $1.500000000e+00, v26  }
0x1f1: {  	v23 =	vmul.f32 v29, v23;
	v63 =	vmul.f32 v31, v28;
	v62 =	vsub.f32 $1.500000000e+00, v30  }
0x1f2: {  	v61 =	vld.idx.msk [tilespmem:v4+s30+$0x0], $0xffff;
	vm0 =	vgt.f32 v16, $0.0e+00;
	v26 =	vmul.f32 v27, v26  }
0x1f3: {  	v23 =	vmul.f32 v23, v16;
	v30 =	vsub.f32 $1.500000000e+00, v63;
	v16 =	vmul.f32 v62, v25  }
0x1f4: {  	vm4 =	vgt.f32 v17, $0.0e+00;
	v33 =	vmul.f32 v26, v33  }
0x1f5: {  	v34 =	vld.idx.msk [tilespmem:v7+s30+$0x0], $0xffff;
	v23 =	vnsel vm0, $0x0, v23;
	v16 =	vmul.f32 v16, v17;
	v17 =	vmul.f32 v30, v28  }
0x1f6: {  	v36 =	vld.idx.msk [tilespmem:v5+s30+$0x0], $0xffff;
	v25 =	vmul.f32 v33, v26;
	v35 =	vadd.f32 $9.999999930e-09, v23  }
0x1f7: {  	vm1 =	veq.s32 v61, $0x0;
	vm5 =	vgt.f32 v22, $0.0e+00;
	v17 =	vmul.f32 v17, v22  }
0x1f8: {  	v25 =	vsub.f32 $1.500000000e+00, v25;
	v16 =	vnsel vm4, $0x0, v16;
	v29 =	vsel vm1, $0x3F800000, v35  }
0x1f9: {  	v37 =	vadd.f32 $9.999999930e-09, v16;
	(erf) = vrcp.f32 v29;
	v17 =	vnsel vm5, $0x0, v17  }
0x1fa: {  	vm2 =	veq.s32 v34, $0x0;
	v22 =	vmul.f32 v25, v26;
	v40 =	vadd.f32 $9.999999930e-09, v17  }
0x1fb: {  	v38 =	vld.idx.msk [tilespmem:v6+s30+$0x0], $0xffff;
	vm6 =	veq.s32 v36, $0x0;
	vm3 =	vgt.f32 v18, $0.0e+00;
	v39 =	vsel vm2, $0x3F800000, v37  }
0x1fc: {  	v22 =	vmul.f32 v22, v18;
	(erf) = vrcp.f32 v39;
	v18 =	vsel vm6, $0x3F800000, v40  }
0x1fd: {  	(erf) = vrcp.f32 v18  }
0x1fe: {  	v22 =	vnsel vm3, $0x0, v22  }
0x1ff: {  	v18 =	vadd.f32 $9.999999930e-09, v22  }
0x200: {  	v41 =	vadd.s32 s9, v0;
	vm7 =	veq.s32 v38, $0x0;
	v23 =	vsel vm1, $0x0, v23  }
0x201: {  	[tilespmem:v4+s4+$0x0] =	vst.idx.msk $0xffff, v23;
	v4 =	vsel vm2, $0x0, v16;
	v16 =	vsel vm7, $0x3F800000, v18;
	v18 =	vadd.s32 s9, v2  }
0x202: {  	s16 =	sadd.s32 $0x3, s9;
	[tilespmem:v7+s4+$0x0] =	vst.idx.msk $0xffff, v4;
	v7 =	vadd.s32 s9, v3;
	v4 =	vsel vm6, $0x0, v17;
	v17 =	vpop (erf);
	(erf) = vrcp.f32 v16  }
0x203: {  	[tilespmem:v5+s4+$0x0] =	vst.idx.msk $0xffff, v4;
	v5 =	vadd.s32 s16, v0;
	v4 =	vsel vm7, $0x0, v22;
	v16 =	vmul.f32 v17, v24  }
0x204: {  	[tilespmem:v6+s4+$0x0] =	vst.idx.msk $0xffff, v4;
	v6 =	vadd.s32 s16, v2;
	v4 =	vmul.f32 v17, v12  }
0x205: {  	s22 =	sadd.s32 $0x6, s9;
	v12 =	vmul.f32 v17, v21;
	[tilespmem:v41+s5+$0x0] =	vst.idx.msk $0xffff, v16;
	v16 =	vadd.s32 s16, v3;
	v17 =	vpop (erf)  }
0x206: {  	v21 =	vadd.s32 s22, v0;
	[tilespmem:v18+s5+$0x0] =	vst.idx.msk $0xffff, v4;
	v4 =	vmul.f32 v17, v13;
	v13 =	vpop (erf)  }
0x207: {  	[tilespmem:v7+s5+$0x0] =	vst.idx.msk $0xffff, v12;
	v7 =	vmul.f32 v17, v19;
	v12 =	vadd.s32 s22, v2;
	v9 =	vmul.f32 v13, v9  }
0x208: {  	s10 =	sadd.s32 $0x9, s9;
	[tilespmem:v5+s5+$0x0] =	vst.idx.msk $0xffff, v4;
	v4 =	vmul.f32 v17, v20;
	v5 =	vadd.s32 s22, v3  }
0x209: {  	v17 =	vadd.s32 s10, v0;
	[tilespmem:v6+s5+$0x0] =	vst.idx.msk $0xffff, v7  }
0x20a: {  	v6 =	vmul.f32 v13, v10;
	[tilespmem:v16+s5+$0x0] =	vst.idx.msk $0xffff, v4;
	v4 =	vadd.s32 s10, v2  }
0x20b: {  	v7 =	vmul.f32 v13, v8;
	v8 =	vadd.s32 s10, v3;
	[tilespmem:v21+s5+$0x0] =	vst.idx.msk $0xffff, v9;
	v9 =	vpop (erf)  }
0x20c: {  	[tilespmem:v12+s5+$0x0] =	vst.idx.msk $0xffff, v6;
	v6 =	vmul.f32 v9, v15  }
0x20d: {  	v10 =	vmul.f32 v9, v11;
	[tilespmem:v5+s5+$0x0] =	vst.idx.msk $0xffff, v7  }
0x20e: {  	v5 =	vmul.f32 v9, v14;
	[tilespmem:v17+s5+$0x0] =	vst.idx.msk $0xffff, v6  }
0x20f: {  	[tilespmem:v4+s5+$0x0] =	vst.idx.msk $0xffff, v10  }
0x210: {  	s13 =	rddreg [dreg:$0xf];
	s10 =	simm.s32 $0x0;
	[tilespmem:v8+s5+$0x0] =	vst.idx.msk $0xffff, v5  }
0x211: {  	[hbm4b:s13+s10] =	stream.linear.scatter [tilespmem:s4], [sflag:$0x4], $0x2000, $0x38;
	[tilespmem:$0x19800] =	vst v63  }
0x212: {  	s14 =	rddreg [dreg:$0x10]  }
0x213: {  	[hbm4b:s14+s10] =	stream.linear.scatter [tilespmem:s5], [sflag:$0x4], $0x6000, $0x38;
	[tilespmem:$0x19800] =	vst v63  }
0x214: {  	s15 =	rddreg [dreg:$0x11]  }
0x215: {  	[tilespmem:s29], [sflag:$0x2] =	stream.linear.gather [hbm4b:s15+s10], $0x2000, $0x38;
	[tilespmem:$0x19800] =	vst v63  }
0x216: {  	s16 =	rddreg [dreg:$0x12]  }
0x217: {  	[tilespmem:s30], [sflag:$0x2] =	stream.linear.gather [hbm4b:s16+s10], $0x2000, $0x38;
	[tilespmem:$0x19800] =	vst v63  }
0x218: {  	_ =	swait.ge [sflag:s31], $0x2000  }
0x219: {  	[sflag:s31] =	ssyncset.done $0x0  }
0x21a: {  	[sflag:s31] =	ssyncadd.s32 $0xFFFFE000  }
0x21b: {  	_ =	swait.ge [sflag:s31], $0x2000  }
0x21c: {  	[sflag:s31] =	ssyncset.done $0x0  }
0x21d: {  	s22 =	simm.s32 $0x3;
	[sflag:s31] =	ssyncadd.s32 $0xFFFFE000  }
0x21e: {  	s14 =	simm.s32 $0x2;
	_ =	swait.ge [sflag:s22], $0x2000  }
0x21f: {  	v4 =	vor.u32 s14, v1;
	s15 =	simm.s32 $0x0;
	[sflag:s22] =	ssyncset.done $0x0  }
0x220: {  	v15 =	vor.u32 s15, v1;
	s16 =	simm.s32 $0x1;
	[sflag:s22] =	ssyncadd.s32 $0xFFFFE000  }
0x221: {  	v16 =	vor.u32 s16, v1;
	_ =	swait.ge [sflag:s22], $0x6000  }
0x222: {  	[sflag:s22] =	ssyncset.done $0x0  }
0x223: {  	[sflag:s22] =	ssyncadd.s32 $0xFFFFA000  }
0x224: {  	v5 =	vld.idx.msk [tilespmem:v4+s26+$0x0], $0xffff  }
0x225: {  	v6 =	vmov s23;
	v7 =	vld.idx.msk [tilespmem:v15+s26+$0x0], $0xffff  }
0x226: {  	v8 =	vadd.s32 $0x2, v6;
	v10 =	vld.idx.msk [tilespmem:v16+s26+$0x0], $0xffff  }
0x227: {  	v9 =	vadd.s32 $0x1, v6;
	_ =	sdelay $0x1  }
0x228: {  	v14 =	vor.u32 s22, v1;
	v5 =	vmul.u32 $0x3, v5  }
0x229: {  	v7 =	vmul.u32 $0x3, v7  }
0x22a: {  	v11 =	vld.idx.msk [tilespmem:v8+s2+$0x0], $0xffff;
	v10 =	vmul.u32 $0x3, v10  }
0x22b: {  	v17 =	vld.idx.msk [tilespmem:v9+s2+$0x0], $0xffff  }
0x22c: {  	v18 =	vld.idx.msk [tilespmem:v6+s2+$0x0], $0xffff;
	v8 =	vadd.s32 $0x1, v7  }
0x22d: {  	v9 =	vld.idx.msk [tilespmem:v14+s26+$0x0], $0xffff;
	v6 =	vadd.s32 $0x2, v5  }
0x22e: {  	v12 =	vadd.s32 $0x2, v7;
	v13 =	vld.idx.msk [tilespmem:v5+s2+$0x0], $0xffff  }
0x22f: {  	v19 =	vadd.s32 $0x1, v10;
	v7 =	vld.idx.msk [tilespmem:v7+s2+$0x0], $0xffff  }
0x230: {  	v20 =	vadd.s32 $0x2, v10;
	v10 =	vld.idx.msk [tilespmem:v10+s2+$0x0], $0xffff  }
0x231: {  	v5 =	vadd.s32 $0x1, v5;
	v8 =	vld.idx.msk [tilespmem:v8+s2+$0x0], $0xffff  }
0x232: {  	v22 =	vmul.u32 $0x3, v9;
	v21 =	vld.idx.msk [tilespmem:v6+s2+$0x0], $0xffff  }
0x233: {  	v9 =	vld.idx.msk [tilespmem:v12+s2+$0x0], $0xffff  }
0x234: {  	v12 =	vadd.s32 $0x1, v22;
	v19 =	vld.idx.msk [tilespmem:v19+s2+$0x0], $0xffff  }
0x235: {  	v20 =	vld.idx.msk [tilespmem:v20+s2+$0x0], $0xffff  }
0x236: {  	v23 =	vld.idx.msk [tilespmem:v5+s2+$0x0], $0xffff;
	v42 =	vsub.f32 v7, v18  }
0x237: {  	v7 =	vadd.s32 $0x2, v22;
	v6 =	vsub.f32 v13, v18;
	v43 =	vsub.f32 v8, v17  }
0x238: {  	v5 =	vsub.f32 v21, v11;
	v44 =	vsub.f32 v9, v11  }
0x239: {  	v45 =	vld.idx.msk [tilespmem:v12+s2+$0x0], $0xffff;
	v9 =	vsub.f32 v19, v17;
	v8 =	vmul.f32 v42, v42;
	v21 =	vmul.f32 v43, v43  }
0x23a: {  	v13 =	vsub.f32 v10, v18;
	v12 =	vsub.f32 v20, v11;
	v19 =	vmul.f32 v44, v44  }
0x23b: {  	v20 =	vmul.f32 v9, v9;
	v10 =	vadd.f32 v21, v8;
	v8 =	vsub.f32 v23, v17;
	v21 =	vld.idx.msk [tilespmem:v22+s2+$0x0], $0xffff  }
0x23c: {  	v22 =	vmul.f32 v13, v13;
	v23 =	vmul.f32 v5, v5;
	v46 =	vld.idx.msk [tilespmem:v7+s2+$0x0], $0xffff  }
0x23d: {  	v19 =	vadd.f32 v19, v10;
	v10 =	vmul.f32 v6, v6;
	v47 =	vmul.f32 v8, v8  }
0x23e: {  	v7 =	vsub.f32 v45, v17;
	v20 =	vadd.f32 v20, v22;
	v22 =	vmul.f32 v12, v12  }
0x23f: {  	v17 =	vshrl.u32 v19, $0x1;
	v48 =	vmul.f32 $5.000000000e-01, v19;
	v29 =	vadd.f32 v47, v10  }
0x240: {  	v20 =	vadd.f32 v22, v20;
	v17 =	vsub.s32 $0x5F3759DF, v17;
	v10 =	vsub.f32 v21, v18  }
0x241: {  	v18 =	vmul.f32 v7, v7;
	v11 =	vsub.f32 v46, v11;
	v21 =	vmul.f32 v17, v48  }
0x242: {  	v22 =	vshrl.u32 v20, $0x1;
	v49 =	vmul.f32 $5.000000000e-01, v20;
	v50 =	vmul.f32 v10, v10  }
0x243: {  	v23 =	vadd.f32 v23, v29;
	v22 =	vsub.s32 $0x5F3759DF, v22;
	v21 =	vmul.f32 v17, v21  }
0x244: {  	v52 =	vmul.f32 v11, v11;
	v51 =	vmul.f32 v22, v49;
	v18 =	vadd.f32 v18, v50  }
0x245: {  	v53 =	vshrl.u32 v23, $0x1;
	v54 =	vmul.f32 $5.000000000e-01, v23;
	v21 =	vsub.f32 $1.500000000e+00, v21  }
0x246: {  	v31 =	vsub.s32 $0x5F3759DF, v53;
	v29 =	vmul.f32 v22, v51;
	v18 =	vadd.f32 v52, v18  }
0x247: {  	v17 =	vmul.f32 v17, v21;
	v21 =	vmul.f32 v31, v54  }
0x248: {  	v29 =	vsub.f32 $1.500000000e+00, v29;
	v30 =	vshrl.u32 v18, $0x1;
	v55 =	vmul.f32 $5.000000000e-01, v18  }
0x249: {  	v27 =	vmul.f32 v17, v48;
	v21 =	vmul.f32 v31, v21;
	v30 =	vsub.s32 $0x5F3759DF, v30  }
0x24a: {  	v22 =	vmul.f32 v22, v29;
	v56 =	vmul.f32 v30, v55  }
0x24b: {  	v27 =	vmul.f32 v27, v17;
	v21 =	vsub.f32 $1.500000000e+00, v21  }
0x24c: {  	v28 =	vmul.f32 v22, v49;
	v29 =	vmul.f32 v30, v56  }
0x24d: {  	v27 =	vsub.f32 $1.500000000e+00, v27;
	v21 =	vmul.f32 v31, v21  }
0x24e: {  	v28 =	vmul.f32 v28, v22;
	v29 =	vsub.f32 $1.500000000e+00, v29  }
0x24f: {  	v17 =	vmul.f32 v27, v17;
	v31 =	vmul.f32 v21, v54  }
0x250: {  	v57 =	vld.idx.msk [tilespmem:v15+s28+$0x0], $0xffff;
	v28 =	vsub.f32 $1.500000000e+00, v28;
	v29 =	vmul.f32 v30, v29  }
0x251: {  	v17 =	vmul.f32 v17, v19;
	v58 =	vmul.f32 v31, v21  }
0x252: {  	vm8 =	vgt.f32 v19, $0.0e+00;
	v19 =	vmul.f32 v28, v22;
	v59 =	vmul.f32 v29, v55  }
0x253: {  	vm9 =	vgt.f32 v20, $0.0e+00;
	v22 =	vld.idx.msk [tilespmem:v16+s28+$0x0], $0xffff;
	v30 =	vsub.f32 $1.500000000e+00, v58  }
0x254: {  	v17 =	vnsel vm8, $0x0, v17;
	v19 =	vmul.f32 v19, v20;
	v20 =	vmul.f32 v59, v29  }
0x255: {  	vm10 =	veq.s32 v57, $0x0;
	v60 =	vadd.f32 $9.999999930e-09, v17;
	v21 =	vmul.f32 v30, v21  }
0x256: {  	v62 =	vld.idx.msk [tilespmem:v4+s28+$0x0], $0xffff;
	vm12 =	vgt.f32 v23, $0.0e+00;
	v19 =	vnsel vm9, $0x0, v19;
	v20 =	vsub.f32 $1.500000000e+00, v20  }
0x257: {  	v27 =	vsel vm10, $0x3F800000, v60;
	v61 =	vadd.f32 $9.999999930e-09, v19;
	v21 =	vmul.f32 v21, v23  }
0x258: {  	vm11 =	veq.s32 v22, $0x0;
	(erf) = vrcp.f32 v27;
	v20 =	vmul.f32 v20, v29  }
0x259: {  	v22 =	vsel vm11, $0x3F800000, v61;
	v21 =	vnsel vm12, $0x0, v21  }
0x25a: {  	(erf) = vrcp.f32 v22;
	v20 =	vmul.f32 v20, v18;
	v22 =	vadd.f32 $9.999999930e-09, v21  }
0x25b: {  	vm14 =	veq.s32 v62, $0x0;
	vm13 =	vgt.f32 v18, $0.0e+00;
	v23 =	vld.idx.msk [tilespmem:v14+s28+$0x0], $0xffff  }
0x25c: {  	v18 =	vsel vm11, $0x0, v19;
	v19 =	vnsel vm13, $0x0, v20;
	v20 =	vsel vm14, $0x3F800000, v22  }
0x25d: {  	(erf) = vrcp.f32 v20;
	_ =	sdelay $0x1  }
0x25e: {  	v63 =	vadd.s32 s10, v0;
	v17 =	vsel vm10, $0x0, v17;
	v22 =	vadd.f32 $9.999999930e-09, v19  }
0x25f: {  	[tilespmem:v15+s0+$0x0] =	vst.idx.msk $0xffff, v17;
	v15 =	vsel vm14, $0x0, v21;
	vm15 =	veq.s32 v23, $0x0  }
0x260: {  	[tilespmem:v16+s0+$0x0] =	vst.idx.msk $0xffff, v18;
	v17 =	vsel vm15, $0x0, v19;
	v20 =	vadd.s32 s10, v2;
	v18 =	vsel vm15, $0x3F800000, v22;
	v19 =	vpop (erf)  }
0x261: {  	s15 =	simm.s32 $0x3;
	s22 =	simm.s32 $0x40;
	v16 =	vadd.s32 s10, v3;
	[tilespmem:v4+s0+$0x0] =	vst.idx.msk $0xffff, v15;
	(erf) = vrcp.f32 v18;
	v22 =	vmul.f32 v19, v42  }
0x262: {  	s11 =	simm.s32 $0x43;
	s9 =	simm.s32 $0xC0;
	v15 =	vadd.s32 s15, v2;
	v4 =	vor.u32 s22, v1;
	[tilespmem:v14+s0+$0x0] =	vst.idx.msk $0xffff, v17;
	v14 =	vadd.s32 s15, v0  }
0x263: {  	s13 =	simm.s32 $0x180;
	s14 =	simm.s32 $0x6;
	s22 =	smov.u32 s23;
	v17 =	vadd.s32 s15, v3;
	v21 =	vmul.f32 v19, v43;
	v18 =	vmul.f32 v19, v44;
	v19 =	vpop (erf);
	[tilespmem:v63+s1+$0x0] =	vst.idx.msk $0xffff, v22  }
.LBB2_6:
0x264: {  	p0 =	sne.s32 s13, $0x5F40  }
0x265: {  	v22 =	vadd.s32 s14, v0;
	[tilespmem:v20+s1+$0x0] =	vst.idx.msk $0xffff, v21;
	v13 =	vmul.f32 v19, v13;
	s22 =	sadd.s32 $0x3, s22;
	v20 =	vpop (erf);
	s15 =	smov.u32 s13;
	s13 =	sadd.s32 $0xC0, s13  }
0x266: {  	v9 =	vmul.f32 v19, v9;
	[tilespmem:v16+s1+$0x0] =	vst.idx.msk $0xffff, v18;
	v6 =	vmul.f32 v20, v6;
	v16 =	vadd.s32 s14, v2  }
0x267: {  	s16 =	sadd.s32 $0x9, s10;
	s10 =	smov.u32 s9;
	v8 =	vmul.f32 v20, v8;
	s9 =	smov.u32 s15;
	[tilespmem:v14+s1+$0x0] =	vst.idx.msk $0xffff, v13;
	v14 =	vmul.f32 v19, v12;
	v13 =	vadd.s32 s14, v3  }
0x268: {  	v18 =	vadd.s32 s16, v0;
	v5 =	vmul.f32 v20, v5;
	[tilespmem:v15+s1+$0x0] =	vst.idx.msk $0xffff, v9  }
0x269: {  	v9 =	vadd.s32 s16, v2;
	[tilespmem:v17+s1+$0x0] =	vst.idx.msk $0xffff, v14  }
0x26a: {  	s14 =	sadd.s32 $0xFFFFFFFF, s11;
	[tilespmem:v22+s1+$0x0] =	vst.idx.msk $0xffff, v6;
	v6 =	vadd.s32 s16, v3;
	v12 =	vpop (erf)  }
0x26b: {  	v14 =	vor.u32 s14, v1;
	[tilespmem:v16+s1+$0x0] =	vst.idx.msk $0xffff, v8;
	v8 =	vmul.f32 v12, v10;
	v7 =	vmul.f32 v12, v7  }
0x26c: {  	v10 =	vmov s22;
	[tilespmem:v13+s1+$0x0] =	vst.idx.msk $0xffff, v5;
	v5 =	vmul.f32 v12, v11  }
0x26d: {  	v11 =	vadd.s32 $0x2, v10;
	[tilespmem:v18+s1+$0x0] =	vst.idx.msk $0xffff, v8  }
0x26e: {  	v8 =	vadd.s32 $0x1, v10;
	[tilespmem:v9+s1+$0x0] =	vst.idx.msk $0xffff, v7  }
0x26f: {  	s14 =	sadd.s32 $0xFFFFFFFE, s11;
	[tilespmem:v6+s1+$0x0] =	vst.idx.msk $0xffff, v5  }
0x270: {  	v16 =	vor.u32 s14, v1;
	v5 =	vld.idx.msk [tilespmem:v14+s26+$0x0], $0xffff  }
0x271: {  	v6 =	vld.idx.msk [tilespmem:v4+s26+$0x0], $0xffff  }
0x272: {  	v11 =	vld.idx.msk [tilespmem:v11+s2+$0x0], $0xffff  }
0x273: {  	v15 =	vor.u32 s11, v1;
	v7 =	vld.idx.msk [tilespmem:v8+s2+$0x0], $0xffff  }
0x274: {  	v10 =	vld.idx.msk [tilespmem:v10+s2+$0x0], $0xffff  }
0x275: {  	v8 =	vld.idx.msk [tilespmem:v16+s26+$0x0], $0xffff  }
0x276: {  	v5 =	vmul.u32 $0x3, v5  }
0x277: {  	v6 =	vmul.u32 $0x3, v6  }
0x278: {  	v12 =	vadd.s32 $0x1, v5;
	v13 =	vadd.s32 $0x2, v5;
	v9 =	vld.idx.msk [tilespmem:v15+s26+$0x0], $0xffff  }
0x279: {  	v17 =	vadd.s32 $0x1, v6;
	v18 =	vadd.s32 $0x2, v6;
	_ =	sdelay $0x1  }
0x27a: {  	v8 =	vmul.u32 $0x3, v8  }
0x27b: {  	v5 =	vld.idx.msk [tilespmem:v5+s2+$0x0], $0xffff  }
0x27c: {  	v19 =	vadd.s32 $0x1, v8;
	v6 =	vld.idx.msk [tilespmem:v6+s2+$0x0], $0xffff  }
0x27d: {  	v9 =	vmul.u32 $0x3, v9;
	v20 =	vld.idx.msk [tilespmem:v17+s2+$0x0], $0xffff  }
0x27e: {  	v17 =	vadd.s32 $0x2, v8;
	v13 =	vld.idx.msk [tilespmem:v13+s2+$0x0], $0xffff  }
0x27f: {  	v21 =	vadd.s32 $0x1, v9;
	v23 =	vadd.s32 $0x2, v9;
	v22 =	vld.idx.msk [tilespmem:v18+s2+$0x0], $0xffff  }
0x280: {  	v8 =	vld.idx.msk [tilespmem:v8+s2+$0x0], $0xffff  }
0x281: {  	v24 =	vld.idx.msk [tilespmem:v19+s2+$0x0], $0xffff  }
0x282: {  	v12 =	vld.idx.msk [tilespmem:v12+s2+$0x0], $0xffff  }
0x283: {  	v18 =	vsub.f32 v20, v7;
	v25 =	vld.idx.msk [tilespmem:v17+s2+$0x0], $0xffff;
	v17 =	vsub.f32 v6, v10  }
0x284: {  	v6 =	vsub.f32 v5, v10;
	v5 =	vsub.f32 v13, v11;
	v20 =	vld.idx.msk [tilespmem:v21+s2+$0x0], $0xffff  }
0x285: {  	v19 =	vsub.f32 v22, v11;
	v22 =	vmul.f32 v18, v18;
	v21 =	vmul.f32 v17, v17  }
0x286: {  	v13 =	vsub.f32 v8, v10  }
0x287: {  	v26 =	vld.idx.msk [tilespmem:v9+s2+$0x0], $0xffff;
	v9 =	vsub.f32 v24, v7;
	v21 =	vadd.f32 v22, v21;
	v22 =	vmul.f32 v19, v19  }
0x288: {  	v27 =	vmul.f32 v5, v5;
	v8 =	vsub.f32 v12, v7;
	v24 =	vmul.f32 v13, v13  }
0x289: {  	v12 =	vsub.f32 v25, v11;
	v23 =	vld.idx.msk [tilespmem:v23+s2+$0x0], $0xffff;
	v21 =	vadd.f32 v22, v21;
	v22 =	vmul.f32 v9, v9  }
0x28a: {  	v7 =	vsub.f32 v20, v7;
	v20 =	vmul.f32 v6, v6;
	v25 =	vmul.f32 v8, v8  }
0x28b: {  	v22 =	vadd.f32 v22, v24;
	v24 =	vshrl.u32 v21, $0x1;
	v28 =	vmul.f32 $5.000000000e-01, v21  }
0x28c: {  	v29 =	vmul.f32 v12, v12;
	v20 =	vadd.f32 v25, v20;
	v24 =	vsub.s32 $0x5F3759DF, v24  }
0x28d: {  	v25 =	vmul.f32 v7, v7;
	v10 =	vsub.f32 v26, v10;
	v26 =	vmul.f32 v24, v28  }
0x28e: {  	v22 =	vadd.f32 v29, v22;
	v20 =	vadd.f32 v27, v20  }
0x28f: {  	v11 =	vsub.f32 v23, v11;
	v23 =	vmul.f32 v10, v10;
	v26 =	vmul.f32 v24, v26  }
0x290: {  	v27 =	vshrl.u32 v22, $0x1;
	v29 =	vshrl.u32 v20, $0x1;
	v30 =	vmul.f32 $5.000000000e-01, v22  }
0x291: {  	v23 =	vadd.f32 v25, v23;
	v25 =	vsub.s32 $0x5F3759DF, v27;
	v27 =	vmul.f32 $5.000000000e-01, v20  }
0x292: {  	v31 =	vmul.f32 v11, v11;
	v29 =	vsub.s32 $0x5F3759DF, v29;
	v32 =	vmul.f32 v25, v30  }
0x293: {  	v26 =	vsub.f32 $1.500000000e+00, v26;
	v33 =	vmul.f32 v29, v27  }
0x294: {  	v23 =	vadd.f32 v31, v23;
	v31 =	vmul.f32 v25, v32;
	v34 =	vld.idx.msk [tilespmem:v4+s28+$0x0], $0xffff  }
0x295: {  	v24 =	vmul.f32 v24, v26;
	v26 =	vmul.f32 v29, v33  }
0x296: {  	v33 =	vshrl.u32 v23, $0x1;
	v35 =	vmul.f32 $5.000000000e-01, v23;
	v31 =	vsub.f32 $1.500000000e+00, v31;
	v32 =	vld.idx.msk [tilespmem:v16+s28+$0x0], $0xffff  }
0x297: {  	v33 =	vsub.s32 $0x5F3759DF, v33;
	v28 =	vmul.f32 v24, v28;
	v26 =	vsub.f32 $1.500000000e+00, v26  }
0x298: {  	v25 =	vmul.f32 v25, v31;
	v31 =	vmul.f32 v33, v35  }
0x299: {  	v28 =	vmul.f32 v28, v24;
	v26 =	vmul.f32 v29, v26  }
0x29a: {  	v29 =	vmul.f32 v33, v31;
	v30 =	vmul.f32 v25, v30  }
0x29b: {  	v28 =	vsub.f32 $1.500000000e+00, v28;
	v27 =	vmul.f32 v26, v27  }
0x29c: {  	v29 =	vsub.f32 $1.500000000e+00, v29;
	v30 =	vmul.f32 v30, v25  }
0x29d: {  	v24 =	vmul.f32 v28, v24;
	v27 =	vmul.f32 v27, v26  }
0x29e: {  	vm0 =	vgt.f32 v21, $0.0e+00;
	v28 =	vmul.f32 v33, v29;
	v29 =	vsub.f32 $1.500000000e+00, v30  }
0x29f: {  	vm1 =	vgt.f32 v20, $0.0e+00;
	v21 =	vmul.f32 v24, v21;
	v27 =	vsub.f32 $1.500000000e+00, v27  }
0x2a0: {  	vm2 =	vgt.f32 v22, $0.0e+00;
	v25 =	vmul.f32 v29, v25;
	v29 =	vmul.f32 v28, v35;
	v24 =	vld.idx.msk [tilespmem:v14+s28+$0x0], $0xffff  }
0x2a1: {  	v21 =	vnsel vm0, $0x0, v21;
	vm0 =	veq.s32 v34, $0x0;
	v26 =	vmul.f32 v27, v26  }
0x2a2: {  	v27 =	vmul.f32 v29, v28;
	v22 =	vmul.f32 v25, v22;
	v25 =	vadd.f32 $9.999999930e-09, v21  }
0x2a3: {  	vm3 =	veq.s32 v32, $0x0;
	v21 =	vsel vm0, $0x0, v21;
	v20 =	vmul.f32 v26, v20;
	v29 =	vld.idx.msk [tilespmem:v15+s28+$0x0], $0xffff  }
0x2a4: {  	v26 =	vsub.f32 $1.500000000e+00, v27;
	v22 =	vnsel vm2, $0x0, v22;
	[tilespmem:v4+s0+$0x0] =	vst.idx.msk $0xffff, v21;
	v4 =	vsel vm0, $0x3F800000, v25  }
0x2a5: {  	v20 =	vnsel vm1, $0x0, v20;
	v21 =	vadd.f32 $9.999999930e-09, v22;
	(erf) = vrcp.f32 v4  }
0x2a6: {  	v22 =	vsel vm3, $0x0, v22;
	v4 =	vmul.f32 v26, v28;
	v25 =	vadd.f32 $9.999999930e-09, v20  }
0x2a7: {  	vm0 =	veq.s32 v24, $0x0;
	[tilespmem:v16+s0+$0x0] =	vst.idx.msk $0xffff, v22;
	v16 =	vsel vm3, $0x3F800000, v21  }
0x2a8: {  	v4 =	vmul.f32 v4, v23;
	v21 =	vsel vm0, $0x3F800000, v25;
	(erf) = vrcp.f32 v16  }
0x2a9: {  	vm1 =	vgt.f32 v23, $0.0e+00;
	v16 =	vsel vm0, $0x0, v20;
	(erf) = vrcp.f32 v21  }
0x2aa: {  	vm0 =	veq.s32 v29, $0x0;
	v4 =	vnsel vm1, $0x0, v4;
	[tilespmem:v14+s0+$0x0] =	vst.idx.msk $0xffff, v16  }
0x2ab: {  	v14 =	vsel vm0, $0x0, v4;
	v4 =	vadd.f32 $9.999999930e-09, v4  }
0x2ac: {  	v22 =	vadd.s32 s10, v0;
	[tilespmem:v15+s0+$0x0] =	vst.idx.msk $0xffff, v14  }
.Ltmp2:
0x2ad: {  	v20 =	vadd.s32 s10, v2;
	v4 =	vsel vm0, $0x3F800000, v4;
	(pc) =	sbr.rel @p0 .LBB2_6-.Ltmp2, $4  }
0x2ae: {  	s15 =	sadd.s32 $0x3, s10;
	v16 =	vadd.s32 s10, v3;
	v15 =	vpop (erf);
	(erf) = vrcp.f32 v4  }
0x2af: {  	s11 =	sadd.s32 $0x40, s11;
	v14 =	vadd.s32 s15, v0;
	v17 =	vmul.f32 v15, v17;
	v21 =	vmul.f32 v15, v18  }
0x2b0: {  	s14 =	sadd.s32 $0xFFFFFFFD, s11;
	v18 =	vmul.f32 v15, v19;
	v15 =	vadd.s32 s15, v2  }
0x2b1: {  	v4 =	vor.u32 s14, v1;
	s14 =	sadd.s32 $0x6, s10;
	[tilespmem:v22+s1+$0x0] =	vst.idx.msk $0xffff, v17;
	v17 =	vadd.s32 s15, v3;
	v19 =	vpop (erf)  }
0x2b2: {  	_ =	sdelay $0x3  }
0x2b3: {  	v22 =	vadd.s32 s14, v0;
	[tilespmem:v20+s1+$0x0] =	vst.idx.msk $0xffff, v21;
	v13 =	vmul.f32 v19, v13  }
0x2b4: {  	v9 =	vmul.f32 v19, v9;
	[tilespmem:v16+s1+$0x0] =	vst.idx.msk $0xffff, v18;
	v16 =	vadd.s32 s14, v2  }
0x2b5: {  	s10 =	sadd.s32 $0x9, s10;
	v12 =	vmul.f32 v19, v12;
	v18 =	vpop (erf);
	[tilespmem:v14+s1+$0x0] =	vst.idx.msk $0xffff, v13;
	v13 =	vadd.s32 s14, v3  }
0x2b6: {  	v6 =	vmul.f32 v18, v6;
	v14 =	vadd.s32 s10, v0;
	[tilespmem:v15+s1+$0x0] =	vst.idx.msk $0xffff, v9  }
0x2b7: {  	v8 =	vmul.f32 v18, v8;
	v9 =	vadd.s32 s10, v2;
	[tilespmem:v17+s1+$0x0] =	vst.idx.msk $0xffff, v12  }
0x2b8: {  	s13 =	sadd.s32 $0xFFFFFFFF, s11;
	v12 =	vmul.f32 v18, v5;
	[tilespmem:v22+s1+$0x0] =	vst.idx.msk $0xffff, v6;
	v6 =	vadd.s32 s10, v3;
	v15 =	vpop (erf)  }
0x2b9: {  	v5 =	vor.u32 s13, v1;
	[tilespmem:v16+s1+$0x0] =	vst.idx.msk $0xffff, v8;
	v8 =	vmul.f32 v15, v10  }
0x2ba: {  	v7 =	vmul.f32 v15, v7;
	[tilespmem:v13+s1+$0x0] =	vst.idx.msk $0xffff, v12  }
0x2bb: {  	v10 =	vmul.f32 v15, v11;
	[tilespmem:v14+s1+$0x0] =	vst.idx.msk $0xffff, v8  }
0x2bc: {  	[tilespmem:v9+s1+$0x0] =	vst.idx.msk $0xffff, v7  }
0x2bd: {  	s15 =	sadd.s32 $0x3, s22;
	s14 =	sadd.s32 $0xFFFFFFFE, s11;
	[tilespmem:v6+s1+$0x0] =	vst.idx.msk $0xffff, v10  }
0x2be: {  	v7 =	vor.u32 s14, v1;
	v9 =	vmov s15;
	v8 =	vld.idx.msk [tilespmem:v5+s26+$0x0], $0xffff  }
0x2bf: {  	v11 =	vadd.s32 $0x2, v9;
	v10 =	vld.idx.msk [tilespmem:v4+s26+$0x0], $0xffff  }
0x2c0: {  	v12 =	vadd.s32 $0x1, v9  }
0x2c1: {  	v6 =	vor.u32 s11, v1;
	_ =	sdelay $0x1  }
0x2c2: {  	v13 =	vld.idx.msk [tilespmem:v7+s26+$0x0], $0xffff;
	v8 =	vmul.u32 $0x3, v8  }
0x2c3: {  	v14 =	vld.idx.msk [tilespmem:v11+s2+$0x0], $0xffff;
	v10 =	vmul.u32 $0x3, v10  }
0x2c4: {  	v11 =	vld.idx.msk [tilespmem:v12+s2+$0x0], $0xffff  }
0x2c5: {  	v15 =	vld.idx.msk [tilespmem:v6+s26+$0x0], $0xffff;
	v12 =	vadd.s32 $0x1, v10  }
0x2c6: {  	v16 =	vadd.s32 $0x2, v8  }
0x2c7: {  	v17 =	vld.idx.msk [tilespmem:v9+s2+$0x0], $0xffff;
	v9 =	vadd.s32 $0x2, v10;
	v13 =	vmul.u32 $0x3, v13  }
0x2c8: {  	v18 =	vld.idx.msk [tilespmem:v8+s2+$0x0], $0xffff  }
0x2c9: {  	v19 =	vadd.s32 $0x1, v13;
	v10 =	vld.idx.msk [tilespmem:v10+s2+$0x0], $0xffff  }
0x2ca: {  	v15 =	vmul.u32 $0x3, v15;
	v20 =	vadd.s32 $0x2, v13;
	v12 =	vld.idx.msk [tilespmem:v12+s2+$0x0], $0xffff  }
0x2cb: {  	v16 =	vld.idx.msk [tilespmem:v16+s2+$0x0], $0xffff  }
0x2cc: {  	v8 =	vadd.s32 $0x1, v8;
	v21 =	vld.idx.msk [tilespmem:v9+s2+$0x0], $0xffff  }
0x2cd: {  	v22 =	vadd.s32 $0x1, v15;
	v13 =	vld.idx.msk [tilespmem:v13+s2+$0x0], $0xffff  }
0x2ce: {  	v25 =	vadd.s32 $0x2, v15;
	v19 =	vld.idx.msk [tilespmem:v19+s2+$0x0], $0xffff  }
0x2cf: {  	v20 =	vld.idx.msk [tilespmem:v20+s2+$0x0], $0xffff  }
0x2d0: {  	v15 =	vld.idx.msk [tilespmem:v15+s2+$0x0], $0xffff  }
0x2d1: {  	v23 =	vld.idx.msk [tilespmem:v8+s2+$0x0], $0xffff;
	v24 =	vsub.f32 v10, v17  }
0x2d2: {  	v9 =	vsub.f32 v18, v17;
	v18 =	vld.idx.msk [tilespmem:v22+s2+$0x0], $0xffff;
	v12 =	vsub.f32 v12, v11  }
0x2d3: {  	v25 =	vld.idx.msk [tilespmem:v25+s2+$0x0], $0xffff;
	v8 =	vsub.f32 v16, v14;
	v21 =	vsub.f32 v21, v14;
	v10 =	vmul.f32 v24, v24  }
0x2d4: {  	v16 =	vmul.f32 v12, v12;
	v13 =	vsub.f32 v13, v17;
	v19 =	vsub.f32 v19, v11  }
0x2d5: {  	v22 =	vmul.f32 v21, v21;
	v20 =	vsub.f32 v20, v14;
	v15 =	vsub.f32 v15, v17  }
0x2d6: {  	v26 =	vmul.f32 v8, v8;
	v16 =	vadd.f32 v16, v10;
	v10 =	vsub.f32 v23, v11  }
0x2d7: {  	v23 =	vmul.f32 v13, v13;
	v11 =	vsub.f32 v18, v11;
	v27 =	vmul.f32 v19, v19  }
0x2d8: {  	v14 =	vsub.f32 v25, v14;
	v16 =	vadd.f32 v22, v16;
	v22 =	vmul.f32 v9, v9  }
0x2d9: {  	v28 =	vmul.f32 v10, v10;
	v18 =	vadd.f32 v27, v23;
	v23 =	vmul.f32 v20, v20  }
0x2da: {  	v53 =	vmul.f32 v15, v15;
	v52 =	vshrl.u32 v16, $0x1;
	v29 =	vmul.f32 $5.000000000e-01, v16  }
0x2db: {  	v22 =	vadd.f32 v28, v22;
	v27 =	vsub.s32 $0x5F3759DF, v52;
	v17 =	vadd.f32 v23, v18  }
0x2dc: {  	v56 =	vmul.f32 v14, v14;
	v23 =	vmul.f32 v27, v29  }
0x2dd: {  	v22 =	vadd.f32 v26, v22;
	v54 =	vshrl.u32 v17, $0x1;
	v30 =	vmul.f32 $5.000000000e-01, v17  }
0x2de: {  	v18 =	vmul.f32 v11, v11;
	v23 =	vmul.f32 v27, v23;
	v55 =	vsub.s32 $0x5F3759DF, v54  }
0x2df: {  	v31 =	vshrl.u32 v22, $0x1;
	v32 =	vmul.f32 $5.000000000e-01, v22;
	v28 =	vmul.f32 v55, v30  }
0x2e0: {  	v18 =	vadd.f32 v18, v53;
	v31 =	vsub.s32 $0x5F3759DF, v31;
	v23 =	vsub.f32 $1.500000000e+00, v23  }
0x2e1: {  	v58 =	vmul.f32 v31, v32;
	v57 =	vmul.f32 v55, v28  }
0x2e2: {  	v18 =	vadd.f32 v56, v18;
	v23 =	vmul.f32 v27, v23  }
0x2e3: {  	v28 =	vmul.f32 v31, v58;
	v25 =	vsub.f32 $1.500000000e+00, v57  }
0x2e4: {  	v59 =	vshrl.u32 v18, $0x1;
	v33 =	vmul.f32 $5.000000000e-01, v18;
	v29 =	vmul.f32 v23, v29  }
0x2e5: {  	v27 =	vsub.s32 $0x5F3759DF, v59;
	v28 =	vsub.f32 $1.500000000e+00, v28;
	v25 =	vmul.f32 v55, v25  }
0x2e6: {  	v60 =	vmul.f32 v27, v33;
	v29 =	vmul.f32 v29, v23  }
0x2e7: {  	v28 =	vmul.f32 v31, v28;
	v30 =	vmul.f32 v25, v30  }
0x2e8: {  	v26 =	vmul.f32 v27, v60  }
0x2e9: {  	v29 =	vsub.f32 $1.500000000e+00, v29;
	v31 =	vmul.f32 v28, v32;
	v30 =	vmul.f32 v30, v25  }
0x2ea: {  	v26 =	vsub.f32 $1.500000000e+00, v26  }
0x2eb: {  	v23 =	vmul.f32 v29, v23;
	v63 =	vmul.f32 v31, v28;
	v62 =	vsub.f32 $1.500000000e+00, v30  }
0x2ec: {  	v61 =	vld.idx.msk [tilespmem:v4+s28+$0x0], $0xffff;
	vm0 =	vgt.f32 v16, $0.0e+00;
	v26 =	vmul.f32 v27, v26  }
0x2ed: {  	v23 =	vmul.f32 v23, v16;
	v30 =	vsub.f32 $1.500000000e+00, v63;
	v16 =	vmul.f32 v62, v25  }
0x2ee: {  	vm4 =	vgt.f32 v17, $0.0e+00;
	v33 =	vmul.f32 v26, v33  }
0x2ef: {  	v34 =	vld.idx.msk [tilespmem:v7+s28+$0x0], $0xffff;
	v23 =	vnsel vm0, $0x0, v23;
	v16 =	vmul.f32 v16, v17;
	v17 =	vmul.f32 v30, v28  }
0x2f0: {  	v36 =	vld.idx.msk [tilespmem:v5+s28+$0x0], $0xffff;
	v25 =	vmul.f32 v33, v26;
	v35 =	vadd.f32 $9.999999930e-09, v23  }
0x2f1: {  	vm1 =	veq.s32 v61, $0x0;
	vm5 =	vgt.f32 v22, $0.0e+00;
	v17 =	vmul.f32 v17, v22  }
0x2f2: {  	v25 =	vsub.f32 $1.500000000e+00, v25;
	v16 =	vnsel vm4, $0x0, v16;
	v29 =	vsel vm1, $0x3F800000, v35  }
0x2f3: {  	v37 =	vadd.f32 $9.999999930e-09, v16;
	(erf) = vrcp.f32 v29;
	v17 =	vnsel vm5, $0x0, v17  }
0x2f4: {  	vm2 =	veq.s32 v34, $0x0;
	v22 =	vmul.f32 v25, v26;
	v40 =	vadd.f32 $9.999999930e-09, v17  }
0x2f5: {  	v38 =	vld.idx.msk [tilespmem:v6+s28+$0x0], $0xffff;
	vm6 =	veq.s32 v36, $0x0;
	vm3 =	vgt.f32 v18, $0.0e+00;
	v39 =	vsel vm2, $0x3F800000, v37  }
0x2f6: {  	v22 =	vmul.f32 v22, v18;
	(erf) = vrcp.f32 v39;
	v18 =	vsel vm6, $0x3F800000, v40  }
0x2f7: {  	(erf) = vrcp.f32 v18  }
0x2f8: {  	v22 =	vnsel vm3, $0x0, v22  }
0x2f9: {  	v18 =	vadd.f32 $9.999999930e-09, v22  }
0x2fa: {  	v41 =	vadd.s32 s9, v0;
	vm7 =	veq.s32 v38, $0x0;
	v23 =	vsel vm1, $0x0, v23  }
0x2fb: {  	[tilespmem:v4+s0+$0x0] =	vst.idx.msk $0xffff, v23;
	v4 =	vsel vm2, $0x0, v16;
	v16 =	vsel vm7, $0x3F800000, v18;
	v18 =	vadd.s32 s9, v2  }
0x2fc: {  	s16 =	sadd.s32 $0x3, s9;
	[tilespmem:v7+s0+$0x0] =	vst.idx.msk $0xffff, v4;
	v7 =	vadd.s32 s9, v3;
	v4 =	vsel vm6, $0x0, v17;
	v17 =	vpop (erf);
	(erf) = vrcp.f32 v16  }
0x2fd: {  	[tilespmem:v5+s0+$0x0] =	vst.idx.msk $0xffff, v4;
	v5 =	vadd.s32 s16, v0;
	v4 =	vsel vm7, $0x0, v22;
	v16 =	vmul.f32 v17, v24  }
0x2fe: {  	[tilespmem:v6+s0+$0x0] =	vst.idx.msk $0xffff, v4;
	v6 =	vadd.s32 s16, v2;
	v4 =	vmul.f32 v17, v12  }
0x2ff: {  	s22 =	sadd.s32 $0x6, s9;
	v12 =	vmul.f32 v17, v21;
	[tilespmem:v41+s1+$0x0] =	vst.idx.msk $0xffff, v16;
	v16 =	vadd.s32 s16, v3;
	v17 =	vpop (erf)  }
0x300: {  	v21 =	vadd.s32 s22, v0;
	[tilespmem:v18+s1+$0x0] =	vst.idx.msk $0xffff, v4;
	v4 =	vmul.f32 v17, v13;
	v13 =	vpop (erf)  }
0x301: {  	[tilespmem:v7+s1+$0x0] =	vst.idx.msk $0xffff, v12;
	v7 =	vmul.f32 v17, v19;
	v12 =	vadd.s32 s22, v2;
	v9 =	vmul.f32 v13, v9  }
0x302: {  	s10 =	sadd.s32 $0x9, s9;
	[tilespmem:v5+s1+$0x0] =	vst.idx.msk $0xffff, v4;
	v4 =	vmul.f32 v17, v20;
	v5 =	vadd.s32 s22, v3  }
0x303: {  	v17 =	vadd.s32 s10, v0;
	[tilespmem:v6+s1+$0x0] =	vst.idx.msk $0xffff, v7  }
0x304: {  	v6 =	vmul.f32 v13, v10;
	[tilespmem:v16+s1+$0x0] =	vst.idx.msk $0xffff, v4;
	v4 =	vadd.s32 s10, v2  }
0x305: {  	v7 =	vmul.f32 v13, v8;
	v8 =	vadd.s32 s10, v3;
	[tilespmem:v21+s1+$0x0] =	vst.idx.msk $0xffff, v9;
	v9 =	vpop (erf)  }
0x306: {  	[tilespmem:v12+s1+$0x0] =	vst.idx.msk $0xffff, v6;
	v6 =	vmul.f32 v9, v15  }
0x307: {  	v10 =	vmul.f32 v9, v11;
	[tilespmem:v5+s1+$0x0] =	vst.idx.msk $0xffff, v7  }
0x308: {  	v5 =	vmul.f32 v9, v14;
	[tilespmem:v17+s1+$0x0] =	vst.idx.msk $0xffff, v6  }
0x309: {  	[tilespmem:v4+s1+$0x0] =	vst.idx.msk $0xffff, v10  }
0x30a: {  	s11 =	rddreg [dreg:$0x13];
	s10 =	simm.s32 $0x0;
	[tilespmem:v8+s1+$0x0] =	vst.idx.msk $0xffff, v5  }
0x30b: {  	[hbm4b:s11+s10] =	stream.linear.scatter [tilespmem:s0], [sflag:$0x3], $0x2000, $0x38;
	[tilespmem:$0x19800] =	vst v63  }
0x30c: {  	_ = 	snop  }
0x30d: {  	[hbm4b:s17+s10] =	stream.linear.scatter [tilespmem:s1], [sflag:$0x3], $0x6000, $0x38;
	[tilespmem:$0x19800] =	vst v63  }
0x30e: {  	_ =	swait.ge [sflag:s3], $0x2000  }
0x30f: {  	[sflag:s3] =	ssyncset.done $0x0  }
0x310: {  	[sflag:s3] =	ssyncadd.s32 $0xFFFFE000  }
0x311: {  	_ =	swait.ge [sflag:s3], $0x2000  }
0x312: {  	[sflag:s3] =	ssyncset.done $0x0  }
0x313: {  	[sflag:s3] =	ssyncadd.s32 $0xFFFFE000  }
0x314: {  	s13 =	simm.s32 $0x2;
	_ =	swait.ge [sflag:s6], $0x2000  }
0x315: {  	s14 =	simm.s32 $0x0;
	v4 =	vor.u32 s13, v1;
	[sflag:s6] =	ssyncset.done $0x0  }
0x316: {  	s15 =	simm.s32 $0x1;
	v15 =	vor.u32 s14, v1;
	[sflag:s6] =	ssyncadd.s32 $0xFFFFE000  }
0x317: {  	v16 =	vor.u32 s15, v1;
	_ =	swait.ge [sflag:s6], $0x6000  }
0x318: {  	[sflag:s6] =	ssyncset.done $0x0  }
0x319: {  	[sflag:s6] =	ssyncadd.s32 $0xFFFFA000  }
0x31a: {  	v5 =	vld.idx.msk [tilespmem:v4+s29+$0x0], $0xffff  }
0x31b: {  	v6 =	vmov s24;
	v7 =	vld.idx.msk [tilespmem:v15+s29+$0x0], $0xffff  }
0x31c: {  	v8 =	vadd.s32 $0x2, v6;
	v10 =	vld.idx.msk [tilespmem:v16+s29+$0x0], $0xffff  }
0x31d: {  	v9 =	vadd.s32 $0x1, v6  }
0x31e: {  	s16 =	simm.s32 $0x3  }
0x31f: {  	v14 =	vor.u32 s16, v1;
	v5 =	vmul.u32 $0x3, v5  }
0x320: {  	v7 =	vmul.u32 $0x3, v7  }
0x321: {  	v11 =	vld.idx.msk [tilespmem:v8+s2+$0x0], $0xffff;
	v10 =	vmul.u32 $0x3, v10  }
0x322: {  	v17 =	vld.idx.msk [tilespmem:v9+s2+$0x0], $0xffff  }
0x323: {  	v18 =	vld.idx.msk [tilespmem:v6+s2+$0x0], $0xffff;
	v8 =	vadd.s32 $0x1, v7  }
0x324: {  	v9 =	vld.idx.msk [tilespmem:v14+s29+$0x0], $0xffff;
	v6 =	vadd.s32 $0x2, v5  }
0x325: {  	v12 =	vadd.s32 $0x2, v7;
	v13 =	vld.idx.msk [tilespmem:v5+s2+$0x0], $0xffff  }
0x326: {  	v19 =	vadd.s32 $0x1, v10;
	v7 =	vld.idx.msk [tilespmem:v7+s2+$0x0], $0xffff  }
0x327: {  	v20 =	vadd.s32 $0x2, v10;
	v10 =	vld.idx.msk [tilespmem:v10+s2+$0x0], $0xffff  }
0x328: {  	v5 =	vadd.s32 $0x1, v5;
	v8 =	vld.idx.msk [tilespmem:v8+s2+$0x0], $0xffff  }
0x329: {  	v22 =	vmul.u32 $0x3, v9;
	v21 =	vld.idx.msk [tilespmem:v6+s2+$0x0], $0xffff  }
0x32a: {  	v9 =	vld.idx.msk [tilespmem:v12+s2+$0x0], $0xffff  }
0x32b: {  	v12 =	vadd.s32 $0x1, v22;
	v19 =	vld.idx.msk [tilespmem:v19+s2+$0x0], $0xffff  }
0x32c: {  	v20 =	vld.idx.msk [tilespmem:v20+s2+$0x0], $0xffff  }
0x32d: {  	v23 =	vld.idx.msk [tilespmem:v5+s2+$0x0], $0xffff;
	v42 =	vsub.f32 v7, v18  }
0x32e: {  	v7 =	vadd.s32 $0x2, v22;
	v6 =	vsub.f32 v13, v18;
	v43 =	vsub.f32 v8, v17  }
0x32f: {  	v5 =	vsub.f32 v21, v11;
	v44 =	vsub.f32 v9, v11  }
0x330: {  	v45 =	vld.idx.msk [tilespmem:v12+s2+$0x0], $0xffff;
	v9 =	vsub.f32 v19, v17;
	v8 =	vmul.f32 v42, v42;
	v21 =	vmul.f32 v43, v43  }
0x331: {  	v13 =	vsub.f32 v10, v18;
	v12 =	vsub.f32 v20, v11;
	v19 =	vmul.f32 v44, v44  }
0x332: {  	v20 =	vmul.f32 v9, v9;
	v10 =	vadd.f32 v21, v8;
	v8 =	vsub.f32 v23, v17;
	v21 =	vld.idx.msk [tilespmem:v22+s2+$0x0], $0xffff  }
0x333: {  	v22 =	vmul.f32 v13, v13;
	v23 =	vmul.f32 v5, v5;
	v46 =	vld.idx.msk [tilespmem:v7+s2+$0x0], $0xffff  }
0x334: {  	v19 =	vadd.f32 v19, v10;
	v10 =	vmul.f32 v6, v6;
	v47 =	vmul.f32 v8, v8  }
0x335: {  	v7 =	vsub.f32 v45, v17;
	v20 =	vadd.f32 v20, v22;
	v22 =	vmul.f32 v12, v12  }
0x336: {  	v17 =	vshrl.u32 v19, $0x1;
	v48 =	vmul.f32 $5.000000000e-01, v19;
	v29 =	vadd.f32 v47, v10  }
0x337: {  	v20 =	vadd.f32 v22, v20;
	v17 =	vsub.s32 $0x5F3759DF, v17;
	v10 =	vsub.f32 v21, v18  }
0x338: {  	v18 =	vmul.f32 v7, v7;
	v11 =	vsub.f32 v46, v11;
	v21 =	vmul.f32 v17, v48  }
0x339: {  	v22 =	vshrl.u32 v20, $0x1;
	v49 =	vmul.f32 $5.000000000e-01, v20;
	v50 =	vmul.f32 v10, v10  }
0x33a: {  	v23 =	vadd.f32 v23, v29;
	v22 =	vsub.s32 $0x5F3759DF, v22;
	v21 =	vmul.f32 v17, v21  }
0x33b: {  	v52 =	vmul.f32 v11, v11;
	v51 =	vmul.f32 v22, v49;
	v18 =	vadd.f32 v18, v50  }
0x33c: {  	v53 =	vshrl.u32 v23, $0x1;
	v54 =	vmul.f32 $5.000000000e-01, v23;
	v21 =	vsub.f32 $1.500000000e+00, v21  }
0x33d: {  	v31 =	vsub.s32 $0x5F3759DF, v53;
	v29 =	vmul.f32 v22, v51;
	v18 =	vadd.f32 v52, v18  }
0x33e: {  	v17 =	vmul.f32 v17, v21;
	v21 =	vmul.f32 v31, v54  }
0x33f: {  	v29 =	vsub.f32 $1.500000000e+00, v29;
	v30 =	vshrl.u32 v18, $0x1;
	v55 =	vmul.f32 $5.000000000e-01, v18  }
0x340: {  	v27 =	vmul.f32 v17, v48;
	v21 =	vmul.f32 v31, v21;
	v30 =	vsub.s32 $0x5F3759DF, v30  }
0x341: {  	v22 =	vmul.f32 v22, v29;
	v56 =	vmul.f32 v30, v55  }
0x342: {  	v27 =	vmul.f32 v27, v17;
	v21 =	vsub.f32 $1.500000000e+00, v21  }
0x343: {  	v28 =	vmul.f32 v22, v49;
	v29 =	vmul.f32 v30, v56  }
0x344: {  	v27 =	vsub.f32 $1.500000000e+00, v27;
	v21 =	vmul.f32 v31, v21  }
0x345: {  	v28 =	vmul.f32 v28, v22;
	v29 =	vsub.f32 $1.500000000e+00, v29  }
0x346: {  	v17 =	vmul.f32 v27, v17;
	v31 =	vmul.f32 v21, v54  }
0x347: {  	v57 =	vld.idx.msk [tilespmem:v15+s30+$0x0], $0xffff;
	v28 =	vsub.f32 $1.500000000e+00, v28;
	v29 =	vmul.f32 v30, v29  }
0x348: {  	v17 =	vmul.f32 v17, v19;
	v58 =	vmul.f32 v31, v21  }
0x349: {  	vm8 =	vgt.f32 v19, $0.0e+00;
	v19 =	vmul.f32 v28, v22;
	v59 =	vmul.f32 v29, v55  }
0x34a: {  	vm9 =	vgt.f32 v20, $0.0e+00;
	v22 =	vld.idx.msk [tilespmem:v16+s30+$0x0], $0xffff;
	v30 =	vsub.f32 $1.500000000e+00, v58  }
0x34b: {  	v17 =	vnsel vm8, $0x0, v17;
	v19 =	vmul.f32 v19, v20;
	v20 =	vmul.f32 v59, v29  }
0x34c: {  	vm10 =	veq.s32 v57, $0x0;
	v60 =	vadd.f32 $9.999999930e-09, v17;
	v21 =	vmul.f32 v30, v21  }
0x34d: {  	v62 =	vld.idx.msk [tilespmem:v4+s30+$0x0], $0xffff;
	vm12 =	vgt.f32 v23, $0.0e+00;
	v19 =	vnsel vm9, $0x0, v19;
	v20 =	vsub.f32 $1.500000000e+00, v20  }
0x34e: {  	v27 =	vsel vm10, $0x3F800000, v60;
	v61 =	vadd.f32 $9.999999930e-09, v19;
	v21 =	vmul.f32 v21, v23  }
0x34f: {  	vm11 =	veq.s32 v22, $0x0;
	(erf) = vrcp.f32 v27;
	v20 =	vmul.f32 v20, v29  }
0x350: {  	v22 =	vsel vm11, $0x3F800000, v61;
	v21 =	vnsel vm12, $0x0, v21  }
0x351: {  	(erf) = vrcp.f32 v22;
	v20 =	vmul.f32 v20, v18;
	v22 =	vadd.f32 $9.999999930e-09, v21  }
0x352: {  	vm14 =	veq.s32 v62, $0x0;
	vm13 =	vgt.f32 v18, $0.0e+00;
	v23 =	vld.idx.msk [tilespmem:v14+s30+$0x0], $0xffff  }
0x353: {  	v18 =	vsel vm11, $0x0, v19;
	v19 =	vnsel vm13, $0x0, v20;
	v20 =	vsel vm14, $0x3F800000, v22  }
0x354: {  	(erf) = vrcp.f32 v20;
	_ =	sdelay $0x1  }
0x355: {  	v63 =	vadd.s32 s10, v0;
	v17 =	vsel vm10, $0x0, v17;
	v22 =	vadd.f32 $9.999999930e-09, v19  }
0x356: {  	[tilespmem:v15+s4+$0x0] =	vst.idx.msk $0xffff, v17;
	v15 =	vsel vm14, $0x0, v21;
	vm15 =	veq.s32 v23, $0x0  }
0x357: {  	[tilespmem:v16+s4+$0x0] =	vst.idx.msk $0xffff, v18;
	v17 =	vsel vm15, $0x0, v19;
	v20 =	vadd.s32 s10, v2;
	v18 =	vsel vm15, $0x3F800000, v22;
	v19 =	vpop (erf)  }
0x358: {  	s22 =	simm.s32 $0x40;
	s15 =	simm.s32 $0x3;
	v16 =	vadd.s32 s10, v3;
	[tilespmem:v4+s4+$0x0] =	vst.idx.msk $0xffff, v15;
	(erf) = vrcp.f32 v18;
	v22 =	vmul.f32 v19, v42  }
0x359: {  	s9 =	simm.s32 $0xC0;
	s14 =	simm.s32 $0x6;
	v15 =	vadd.s32 s15, v2;
	v4 =	vor.u32 s22, v1;
	[tilespmem:v14+s4+$0x0] =	vst.idx.msk $0xffff, v17;
	v14 =	vadd.s32 s15, v0  }
0x35a: {  	s13 =	simm.s32 $0x180;
	s11 =	simm.s32 $0x43;
	s22 =	smov.u32 s24;
	v17 =	vadd.s32 s15, v3;
	v21 =	vmul.f32 v19, v43;
	v18 =	vmul.f32 v19, v44;
	v19 =	vpop (erf);
	[tilespmem:v63+s5+$0x0] =	vst.idx.msk $0xffff, v22  }
.LBB2_8:
0x35b: {  	p0 =	sne.s32 s13, $0x5F40  }
0x35c: {  	v22 =	vadd.s32 s14, v0;
	[tilespmem:v20+s5+$0x0] =	vst.idx.msk $0xffff, v21;
	v13 =	vmul.f32 v19, v13;
	s22 =	sadd.s32 $0x3, s22;
	v20 =	vpop (erf);
	s15 =	smov.u32 s13;
	s13 =	sadd.s32 $0xC0, s13  }
0x35d: {  	v9 =	vmul.f32 v19, v9;
	[tilespmem:v16+s5+$0x0] =	vst.idx.msk $0xffff, v18;
	v6 =	vmul.f32 v20, v6;
	v16 =	vadd.s32 s14, v2  }
0x35e: {  	s16 =	sadd.s32 $0x9, s10;
	s10 =	smov.u32 s9;
	v8 =	vmul.f32 v20, v8;
	s9 =	smov.u32 s15;
	[tilespmem:v14+s5+$0x0] =	vst.idx.msk $0xffff, v13;
	v14 =	vmul.f32 v19, v12;
	v13 =	vadd.s32 s14, v3  }
0x35f: {  	v18 =	vadd.s32 s16, v0;
	v5 =	vmul.f32 v20, v5;
	[tilespmem:v15+s5+$0x0] =	vst.idx.msk $0xffff, v9  }
0x360: {  	v9 =	vadd.s32 s16, v2;
	[tilespmem:v17+s5+$0x0] =	vst.idx.msk $0xffff, v14  }
0x361: {  	s14 =	sadd.s32 $0xFFFFFFFF, s11;
	[tilespmem:v22+s5+$0x0] =	vst.idx.msk $0xffff, v6;
	v6 =	vadd.s32 s16, v3;
	v12 =	vpop (erf)  }
0x362: {  	v14 =	vor.u32 s14, v1;
	[tilespmem:v16+s5+$0x0] =	vst.idx.msk $0xffff, v8;
	v8 =	vmul.f32 v12, v10;
	v7 =	vmul.f32 v12, v7  }
0x363: {  	v10 =	vmov s22;
	[tilespmem:v13+s5+$0x0] =	vst.idx.msk $0xffff, v5;
	v5 =	vmul.f32 v12, v11  }
0x364: {  	v11 =	vadd.s32 $0x2, v10;
	[tilespmem:v18+s5+$0x0] =	vst.idx.msk $0xffff, v8  }
0x365: {  	v8 =	vadd.s32 $0x1, v10;
	[tilespmem:v9+s5+$0x0] =	vst.idx.msk $0xffff, v7  }
0x366: {  	s14 =	sadd.s32 $0xFFFFFFFE, s11;
	[tilespmem:v6+s5+$0x0] =	vst.idx.msk $0xffff, v5  }
0x367: {  	v16 =	vor.u32 s14, v1;
	v5 =	vld.idx.msk [tilespmem:v14+s29+$0x0], $0xffff  }
0x368: {  	v6 =	vld.idx.msk [tilespmem:v4+s29+$0x0], $0xffff  }
0x369: {  	v11 =	vld.idx.msk [tilespmem:v11+s2+$0x0], $0xffff  }
0x36a: {  	v15 =	vor.u32 s11, v1;
	v7 =	vld.idx.msk [tilespmem:v8+s2+$0x0], $0xffff  }
0x36b: {  	v10 =	vld.idx.msk [tilespmem:v10+s2+$0x0], $0xffff  }
0x36c: {  	v8 =	vld.idx.msk [tilespmem:v16+s29+$0x0], $0xffff  }
0x36d: {  	v5 =	vmul.u32 $0x3, v5  }
0x36e: {  	v6 =	vmul.u32 $0x3, v6  }
0x36f: {  	v12 =	vadd.s32 $0x1, v5;
	v13 =	vadd.s32 $0x2, v5;
	v9 =	vld.idx.msk [tilespmem:v15+s29+$0x0], $0xffff  }
0x370: {  	v17 =	vadd.s32 $0x1, v6;
	v18 =	vadd.s32 $0x2, v6;
	_ =	sdelay $0x1  }
0x371: {  	v8 =	vmul.u32 $0x3, v8  }
0x372: {  	v5 =	vld.idx.msk [tilespmem:v5+s2+$0x0], $0xffff  }
0x373: {  	v19 =	vadd.s32 $0x1, v8;
	v6 =	vld.idx.msk [tilespmem:v6+s2+$0x0], $0xffff  }
0x374: {  	v9 =	vmul.u32 $0x3, v9;
	v20 =	vld.idx.msk [tilespmem:v17+s2+$0x0], $0xffff  }
0x375: {  	v17 =	vadd.s32 $0x2, v8;
	v13 =	vld.idx.msk [tilespmem:v13+s2+$0x0], $0xffff  }
0x376: {  	v21 =	vadd.s32 $0x1, v9;
	v23 =	vadd.s32 $0x2, v9;
	v22 =	vld.idx.msk [tilespmem:v18+s2+$0x0], $0xffff  }
0x377: {  	v8 =	vld.idx.msk [tilespmem:v8+s2+$0x0], $0xffff  }
0x378: {  	v24 =	vld.idx.msk [tilespmem:v19+s2+$0x0], $0xffff  }
0x379: {  	v12 =	vld.idx.msk [tilespmem:v12+s2+$0x0], $0xffff  }
0x37a: {  	v18 =	vsub.f32 v20, v7;
	v25 =	vld.idx.msk [tilespmem:v17+s2+$0x0], $0xffff;
	v17 =	vsub.f32 v6, v10  }
0x37b: {  	v6 =	vsub.f32 v5, v10;
	v5 =	vsub.f32 v13, v11;
	v20 =	vld.idx.msk [tilespmem:v21+s2+$0x0], $0xffff  }
0x37c: {  	v19 =	vsub.f32 v22, v11;
	v22 =	vmul.f32 v18, v18;
	v21 =	vmul.f32 v17, v17  }
0x37d: {  	v13 =	vsub.f32 v8, v10  }
0x37e: {  	v26 =	vld.idx.msk [tilespmem:v9+s2+$0x0], $0xffff;
	v9 =	vsub.f32 v24, v7;
	v21 =	vadd.f32 v22, v21;
	v22 =	vmul.f32 v19, v19  }
0x37f: {  	v27 =	vmul.f32 v5, v5;
	v8 =	vsub.f32 v12, v7;
	v24 =	vmul.f32 v13, v13  }
0x380: {  	v12 =	vsub.f32 v25, v11;
	v23 =	vld.idx.msk [tilespmem:v23+s2+$0x0], $0xffff;
	v21 =	vadd.f32 v22, v21;
	v22 =	vmul.f32 v9, v9  }
0x381: {  	v7 =	vsub.f32 v20, v7;
	v20 =	vmul.f32 v6, v6;
	v25 =	vmul.f32 v8, v8  }
0x382: {  	v22 =	vadd.f32 v22, v24;
	v24 =	vshrl.u32 v21, $0x1;
	v28 =	vmul.f32 $5.000000000e-01, v21  }
0x383: {  	v29 =	vmul.f32 v12, v12;
	v20 =	vadd.f32 v25, v20;
	v24 =	vsub.s32 $0x5F3759DF, v24  }
0x384: {  	v25 =	vmul.f32 v7, v7;
	v10 =	vsub.f32 v26, v10;
	v26 =	vmul.f32 v24, v28  }
0x385: {  	v22 =	vadd.f32 v29, v22;
	v20 =	vadd.f32 v27, v20  }
0x386: {  	v11 =	vsub.f32 v23, v11;
	v23 =	vmul.f32 v10, v10;
	v26 =	vmul.f32 v24, v26  }
0x387: {  	v27 =	vshrl.u32 v22, $0x1;
	v29 =	vshrl.u32 v20, $0x1;
	v30 =	vmul.f32 $5.000000000e-01, v22  }
0x388: {  	v23 =	vadd.f32 v25, v23;
	v25 =	vsub.s32 $0x5F3759DF, v27;
	v27 =	vmul.f32 $5.000000000e-01, v20  }
0x389: {  	v31 =	vmul.f32 v11, v11;
	v29 =	vsub.s32 $0x5F3759DF, v29;
	v32 =	vmul.f32 v25, v30  }
0x38a: {  	v26 =	vsub.f32 $1.500000000e+00, v26;
	v33 =	vmul.f32 v29, v27  }
0x38b: {  	v23 =	vadd.f32 v31, v23;
	v31 =	vmul.f32 v25, v32;
	v34 =	vld.idx.msk [tilespmem:v4+s30+$0x0], $0xffff  }
0x38c: {  	v24 =	vmul.f32 v24, v26;
	v26 =	vmul.f32 v29, v33  }
0x38d: {  	v33 =	vshrl.u32 v23, $0x1;
	v35 =	vmul.f32 $5.000000000e-01, v23;
	v31 =	vsub.f32 $1.500000000e+00, v31;
	v32 =	vld.idx.msk [tilespmem:v16+s30+$0x0], $0xffff  }
0x38e: {  	v33 =	vsub.s32 $0x5F3759DF, v33;
	v28 =	vmul.f32 v24, v28;
	v26 =	vsub.f32 $1.500000000e+00, v26  }
0x38f: {  	v25 =	vmul.f32 v25, v31;
	v31 =	vmul.f32 v33, v35  }
0x390: {  	v28 =	vmul.f32 v28, v24;
	v26 =	vmul.f32 v29, v26  }
0x391: {  	v29 =	vmul.f32 v33, v31;
	v30 =	vmul.f32 v25, v30  }
0x392: {  	v28 =	vsub.f32 $1.500000000e+00, v28;
	v27 =	vmul.f32 v26, v27  }
0x393: {  	v29 =	vsub.f32 $1.500000000e+00, v29;
	v30 =	vmul.f32 v30, v25  }
0x394: {  	v24 =	vmul.f32 v28, v24;
	v27 =	vmul.f32 v27, v26  }
0x395: {  	vm0 =	vgt.f32 v21, $0.0e+00;
	v28 =	vmul.f32 v33, v29;
	v29 =	vsub.f32 $1.500000000e+00, v30  }
0x396: {  	vm1 =	vgt.f32 v20, $0.0e+00;
	v21 =	vmul.f32 v24, v21;
	v27 =	vsub.f32 $1.500000000e+00, v27  }
0x397: {  	vm2 =	vgt.f32 v22, $0.0e+00;
	v25 =	vmul.f32 v29, v25;
	v29 =	vmul.f32 v28, v35;
	v24 =	vld.idx.msk [tilespmem:v14+s30+$0x0], $0xffff  }
0x398: {  	v21 =	vnsel vm0, $0x0, v21;
	vm0 =	veq.s32 v34, $0x0;
	v26 =	vmul.f32 v27, v26  }
0x399: {  	v27 =	vmul.f32 v29, v28;
	v22 =	vmul.f32 v25, v22;
	v25 =	vadd.f32 $9.999999930e-09, v21  }
0x39a: {  	vm3 =	veq.s32 v32, $0x0;
	v21 =	vsel vm0, $0x0, v21;
	v20 =	vmul.f32 v26, v20;
	v29 =	vld.idx.msk [tilespmem:v15+s30+$0x0], $0xffff  }
0x39b: {  	v26 =	vsub.f32 $1.500000000e+00, v27;
	v22 =	vnsel vm2, $0x0, v22;
	[tilespmem:v4+s4+$0x0] =	vst.idx.msk $0xffff, v21;
	v4 =	vsel vm0, $0x3F800000, v25  }
0x39c: {  	v20 =	vnsel vm1, $0x0, v20;
	v21 =	vadd.f32 $9.999999930e-09, v22;
	(erf) = vrcp.f32 v4  }
0x39d: {  	v22 =	vsel vm3, $0x0, v22;
	v4 =	vmul.f32 v26, v28;
	v25 =	vadd.f32 $9.999999930e-09, v20  }
0x39e: {  	vm0 =	veq.s32 v24, $0x0;
	[tilespmem:v16+s4+$0x0] =	vst.idx.msk $0xffff, v22;
	v16 =	vsel vm3, $0x3F800000, v21  }
0x39f: {  	v4 =	vmul.f32 v4, v23;
	v21 =	vsel vm0, $0x3F800000, v25;
	(erf) = vrcp.f32 v16  }
0x3a0: {  	vm1 =	vgt.f32 v23, $0.0e+00;
	v16 =	vsel vm0, $0x0, v20;
	(erf) = vrcp.f32 v21  }
0x3a1: {  	vm0 =	veq.s32 v29, $0x0;
	v4 =	vnsel vm1, $0x0, v4;
	[tilespmem:v14+s4+$0x0] =	vst.idx.msk $0xffff, v16  }
0x3a2: {  	v14 =	vsel vm0, $0x0, v4;
	v4 =	vadd.f32 $9.999999930e-09, v4  }
0x3a3: {  	v22 =	vadd.s32 s10, v0;
	[tilespmem:v15+s4+$0x0] =	vst.idx.msk $0xffff, v14  }
.Ltmp3:
0x3a4: {  	v20 =	vadd.s32 s10, v2;
	v4 =	vsel vm0, $0x3F800000, v4;
	(pc) =	sbr.rel @p0 .LBB2_8-.Ltmp3, $4  }
0x3a5: {  	s15 =	sadd.s32 $0x3, s10;
	v16 =	vadd.s32 s10, v3;
	v15 =	vpop (erf);
	(erf) = vrcp.f32 v4  }
0x3a6: {  	s11 =	sadd.s32 $0x40, s11;
	v14 =	vadd.s32 s15, v0;
	v17 =	vmul.f32 v15, v17;
	v21 =	vmul.f32 v15, v18  }
0x3a7: {  	s14 =	sadd.s32 $0xFFFFFFFD, s11;
	v18 =	vmul.f32 v15, v19;
	v15 =	vadd.s32 s15, v2  }
0x3a8: {  	v4 =	vor.u32 s14, v1;
	s14 =	sadd.s32 $0x6, s10;
	[tilespmem:v22+s5+$0x0] =	vst.idx.msk $0xffff, v17;
	v17 =	vadd.s32 s15, v3;
	v19 =	vpop (erf)  }
0x3a9: {  	_ =	sdelay $0x3  }
0x3aa: {  	v22 =	vadd.s32 s14, v0;
	[tilespmem:v20+s5+$0x0] =	vst.idx.msk $0xffff, v21;
	v13 =	vmul.f32 v19, v13  }
0x3ab: {  	v9 =	vmul.f32 v19, v9;
	v50 =	vadd.s32 s14, v2;
	[tilespmem:v16+s5+$0x0] =	vst.idx.msk $0xffff, v18  }
0x3ac: {  	v51 =	vpop (erf);
	s10 =	sadd.s32 $0x9, s10;
	v12 =	vmul.f32 v19, v12;
	v52 =	vadd.s32 s14, v3;
	[tilespmem:v14+s5+$0x0] =	vst.idx.msk $0xffff, v13  }
0x3ad: {  	v6 =	vmul.f32 v51, v6;
	v53 =	vadd.s32 s10, v0;
	[tilespmem:v15+s5+$0x0] =	vst.idx.msk $0xffff, v9  }
0x3ae: {  	v8 =	vmul.f32 v51, v8;
	v54 =	vadd.s32 s10, v2;
	[tilespmem:v17+s5+$0x0] =	vst.idx.msk $0xffff, v12  }
0x3af: {  	s13 =	sadd.s32 $0xFFFFFFFF, s11;
	v55 =	vmul.f32 v51, v5;
	v56 =	vadd.s32 s10, v3;
	[tilespmem:v22+s5+$0x0] =	vst.idx.msk $0xffff, v6;
	v57 =	vpop (erf)  }
0x3b0: {  	v5 =	vor.u32 s13, v1;
	[tilespmem:v50+s5+$0x0] =	vst.idx.msk $0xffff, v8;
	v58 =	vmul.f32 v57, v10  }
0x3b1: {  	v7 =	vmul.f32 v57, v7;
	[tilespmem:v52+s5+$0x0] =	vst.idx.msk $0xffff, v55  }
0x3b2: {  	v6 =	vor.u32 s11, v1;
	v59 =	vmul.f32 v57, v11;
	[tilespmem:v53+s5+$0x0] =	vst.idx.msk $0xffff, v58  }
0x3b3: {  	[tilespmem:v54+s5+$0x0] =	vst.idx.msk $0xffff, v7  }
0x3b4: {  	[tilespmem:v56+s5+$0x0] =	vst.idx.msk $0xffff, v59  }
0x3b5: {  	s13 =	sadd.s32 $0xFFFFFFFE, s11;
	v8 =	vld.idx.msk [tilespmem:v5+s29+$0x0], $0xffff  }
0x3b6: {  	s14 =	sadd.s32 $0x3, s22;
	v7 =	vor.u32 s13, v1;
	v10 =	vld.idx.msk [tilespmem:v4+s29+$0x0], $0xffff  }
0x3b7: {  	v60 =	vmov s14;
	v32 =	vld.idx.msk [tilespmem:v6+s29+$0x0], $0xffff  }
0x3b8: {  	v61 =	vadd.s32 $0x2, v60  }
0x3b9: {  	v62 =	vadd.s32 $0x1, v60  }
0x3ba: {  	v8 =	vmul.u32 $0x3, v8  }
0x3bb: {  	v13 =	vld.idx.msk [tilespmem:v7+s29+$0x0], $0xffff;
	v10 =	vmul.u32 $0x3, v10  }
0x3bc: {  	v15 =	vmul.u32 $0x3, v32  }
0x3bd: {  	v14 =	vld.idx.msk [tilespmem:v61+s2+$0x0], $0xffff  }
0x3be: {  	v63 =	vld.idx.msk [tilespmem:v62+s2+$0x0], $0xffff;
	v31 =	vadd.s32 $0x1, v10  }
0x3bf: {  	v17 =	vld.idx.msk [tilespmem:v60+s2+$0x0], $0xffff;
	v33 =	vadd.s32 $0x2, v8  }
0x3c0: {  	v34 =	vadd.s32 $0x2, v10;
	v13 =	vmul.u32 $0x3, v13;
	v35 =	vld.idx.msk [tilespmem:v8+s2+$0x0], $0xffff  }
0x3c1: {  	v10 =	vld.idx.msk [tilespmem:v10+s2+$0x0], $0xffff  }
0x3c2: {  	v38 =	vadd.s32 $0x1, v15;
	v25 =	vadd.s32 $0x2, v15;
	v36 =	vadd.s32 $0x1, v13;
	v15 =	vld.idx.msk [tilespmem:v15+s2+$0x0], $0xffff  }
0x3c3: {  	v12 =	vld.idx.msk [tilespmem:v31+s2+$0x0], $0xffff  }
0x3c4: {  	v37 =	vadd.s32 $0x2, v13;
	v16 =	vld.idx.msk [tilespmem:v33+s2+$0x0], $0xffff  }
0x3c5: {  	v8 =	vadd.s32 $0x1, v8;
	v21 =	vld.idx.msk [tilespmem:v34+s2+$0x0], $0xffff  }
0x3c6: {  	v13 =	vld.idx.msk [tilespmem:v13+s2+$0x0], $0xffff  }
0x3c7: {  	v19 =	vld.idx.msk [tilespmem:v36+s2+$0x0], $0xffff  }
0x3c8: {  	v40 =	vld.idx.msk [tilespmem:v38+s2+$0x0], $0xffff;
	v24 =	vsub.f32 v10, v17  }
0x3c9: {  	v20 =	vld.idx.msk [tilespmem:v37+s2+$0x0], $0xffff;
	v9 =	vsub.f32 v35, v17;
	v12 =	vsub.f32 v12, v63  }
0x3ca: {  	v23 =	vld.idx.msk [tilespmem:v8+s2+$0x0], $0xffff;
	v15 =	vsub.f32 v15, v17;
	v8 =	vsub.f32 v16, v14  }
0x3cb: {  	v21 =	vsub.f32 v21, v14;
	v10 =	vmul.f32 v24, v24;
	v39 =	vmul.f32 v12, v12  }
0x3cc: {  	v13 =	vsub.f32 v13, v17;
	v19 =	vsub.f32 v19, v63  }
0x3cd: {  	v11 =	vsub.f32 v40, v63;
	v41 =	vmul.f32 v21, v21;
	v16 =	vadd.f32 v39, v10  }
0x3ce: {  	v20 =	vsub.f32 v20, v14;
	v42 =	vmul.f32 v13, v13;
	v27 =	vmul.f32 v19, v19  }
0x3cf: {  	v25 =	vld.idx.msk [tilespmem:v25+s2+$0x0], $0xffff;
	v43 =	vmul.f32 v9, v9;
	v10 =	vsub.f32 v23, v63;
	v16 =	vadd.f32 v41, v16  }
0x3d0: {  	v50 =	vmul.f32 v15, v15;
	v45 =	vmul.f32 v20, v20;
	v44 =	vadd.f32 v27, v42  }
0x3d1: {  	v28 =	vmul.f32 v10, v10;
	v46 =	vshrl.u32 v16, $0x1;
	v29 =	vmul.f32 $5.000000000e-01, v16  }
0x3d2: {  	v26 =	vmul.f32 v8, v8;
	v27 =	vsub.s32 $0x5F3759DF, v46;
	v47 =	vadd.f32 v45, v44  }
0x3d3: {  	v48 =	vmul.f32 v11, v11;
	v22 =	vadd.f32 v28, v43;
	v49 =	vmul.f32 v27, v29  }
0x3d4: {  	v14 =	vsub.f32 v25, v14;
	v51 =	vshrl.u32 v47, $0x1;
	v30 =	vmul.f32 $5.000000000e-01, v47  }
0x3d5: {  	v22 =	vadd.f32 v26, v22;
	v23 =	vmul.f32 v27, v49;
	v52 =	vsub.s32 $0x5F3759DF, v51  }
0x3d6: {  	v18 =	vadd.f32 v48, v50;
	v53 =	vmul.f32 v14, v14;
	v28 =	vmul.f32 v52, v30  }
0x3d7: {  	v31 =	vshrl.u32 v22, $0x1;
	v32 =	vmul.f32 $5.000000000e-01, v22;
	v23 =	vsub.f32 $1.500000000e+00, v23  }
0x3d8: {  	v18 =	vadd.f32 v53, v18;
	v31 =	vsub.s32 $0x5F3759DF, v31;
	v54 =	vmul.f32 v52, v28  }
0x3d9: {  	v55 =	vmul.f32 v31, v32;
	v23 =	vmul.f32 v27, v23  }
0x3da: {  	v56 =	vshrl.u32 v18, $0x1;
	v33 =	vmul.f32 $5.000000000e-01, v18;
	v25 =	vsub.f32 $1.500000000e+00, v54  }
0x3db: {  	v28 =	vmul.f32 v31, v55;
	v27 =	vsub.s32 $0x5F3759DF, v56;
	v29 =	vmul.f32 v23, v29  }
0x3dc: {  	v57 =	vmul.f32 v27, v33;
	v25 =	vmul.f32 v52, v25  }
0x3dd: {  	v28 =	vsub.f32 $1.500000000e+00, v28;
	v29 =	vmul.f32 v29, v23  }
0x3de: {  	v26 =	vmul.f32 v27, v57;
	v30 =	vmul.f32 v25, v30  }
0x3df: {  	v28 =	vmul.f32 v31, v28;
	v29 =	vsub.f32 $1.500000000e+00, v29  }
0x3e0: {  	v26 =	vsub.f32 $1.500000000e+00, v26;
	v30 =	vmul.f32 v30, v25  }
0x3e1: {  	v31 =	vmul.f32 v28, v32;
	v23 =	vmul.f32 v29, v23  }
0x3e2: {  	v58 =	vld.idx.msk [tilespmem:v4+s30+$0x0], $0xffff;
	v26 =	vmul.f32 v27, v26;
	v59 =	vsub.f32 $1.500000000e+00, v30  }
0x3e3: {  	v60 =	vmul.f32 v31, v28;
	v23 =	vmul.f32 v23, v16  }
0x3e4: {  	vm0 =	vgt.f32 v16, $0.0e+00;
	v62 =	vmul.f32 v26, v33;
	v61 =	vmul.f32 v59, v25  }
0x3e5: {  	v63 =	vld.idx.msk [tilespmem:v7+s30+$0x0], $0xffff;
	v30 =	vsub.f32 $1.500000000e+00, v60;
	v23 =	vnsel vm0, $0x0, v23  }
0x3e6: {  	v25 =	vmul.f32 v62, v26;
	v16 =	vmul.f32 v61, v47;
	v33 =	vadd.f32 $9.999999930e-09, v23  }
0x3e7: {  	vm1 =	veq.s32 v58, $0x0;
	vm12 =	vgt.f32 v47, $0.0e+00;
	v34 =	vmul.f32 v30, v28  }
0x3e8: {  	v35 =	vld.idx.msk [tilespmem:v5+s30+$0x0], $0xffff;
	v25 =	vsub.f32 $1.500000000e+00, v25;
	v16 =	vnsel vm12, $0x0, v16;
	v29 =	vsel vm1, $0x3F800000, v33  }
0x3e9: {  	v17 =	vmul.f32 v34, v22;
	v36 =	vadd.f32 $9.999999930e-09, v16;
	(erf) = vrcp.f32 v29  }
0x3ea: {  	vm2 =	veq.s32 v63, $0x0;
	vm13 =	vgt.f32 v22, $0.0e+00;
	v37 =	vmul.f32 v25, v26  }
0x3eb: {  	v38 =	vld.idx.msk [tilespmem:v6+s30+$0x0], $0xffff;
	v17 =	vnsel vm13, $0x0, v17;
	v39 =	vsel vm2, $0x3F800000, v36  }
0x3ec: {  	v40 =	vadd.f32 $9.999999930e-09, v17;
	v22 =	vmul.f32 v37, v18;
	(erf) = vrcp.f32 v39  }
0x3ed: {  	vm14 =	veq.s32 v35, $0x0;
	vm3 =	vgt.f32 v18, $0.0e+00  }
0x3ee: {  	v41 =	vsel vm14, $0x3F800000, v40;
	v22 =	vnsel vm3, $0x0, v22  }
0x3ef: {  	(erf) = vrcp.f32 v41;
	v42 =	vadd.f32 $9.999999930e-09, v22  }
0x3f0: {  	vm15 =	veq.s32 v38, $0x0;
	v43 =	vadd.s32 s9, v0;
	v23 =	vsel vm1, $0x0, v23  }
0x3f1: {  	v45 =	vadd.s32 s9, v2;
	[tilespmem:v4+s4+$0x0] =	vst.idx.msk $0xffff, v23;
	v4 =	vsel vm2, $0x0, v16;
	v44 =	vsel vm15, $0x3F800000, v42  }
0x3f2: {  	s15 =	sadd.s32 $0x3, s9;
	v46 =	vadd.s32 s9, v3;
	[tilespmem:v7+s4+$0x0] =	vst.idx.msk $0xffff, v4;
	v4 =	vsel vm14, $0x0, v17;
	v47 =	vpop (erf);
	(erf) = vrcp.f32 v44  }
0x3f3: {  	[tilespmem:v5+s4+$0x0] =	vst.idx.msk $0xffff, v4;
	v5 =	vadd.s32 s15, v0;
	v4 =	vsel vm15, $0x0, v22;
	v48 =	vmul.f32 v47, v24  }
0x3f4: {  	v49 =	vadd.s32 s15, v2;
	[tilespmem:v6+s4+$0x0] =	vst.idx.msk $0xffff, v4;
	v4 =	vmul.f32 v47, v12  }
0x3f5: {  	s16 =	sadd.s32 $0x6, s9;
	v51 =	vadd.s32 s15, v3;
	v50 =	vmul.f32 v47, v21;
	[tilespmem:v43+s5+$0x0] =	vst.idx.msk $0xffff, v48;
	v52 =	vpop (erf)  }
0x3f6: {  	v53 =	vadd.s32 s16, v0;
	[tilespmem:v45+s5+$0x0] =	vst.idx.msk $0xffff, v4;
	v4 =	vmul.f32 v52, v13  }
0x3f7: {  	v55 =	vadd.s32 s16, v2;
	v54 =	vmul.f32 v52, v19;
	[tilespmem:v46+s5+$0x0] =	vst.idx.msk $0xffff, v50  }
0x3f8: {  	s22 =	sadd.s32 $0x9, s9;
	v56 =	vpop (erf);
	[tilespmem:v5+s5+$0x0] =	vst.idx.msk $0xffff, v4;
	v4 =	vmul.f32 v52, v20;
	v5 =	vadd.s32 s16, v3  }
0x3f9: {  	v57 =	vadd.s32 s22, v0;
	v9 =	vmul.f32 v56, v9;
	[tilespmem:v49+s5+$0x0] =	vst.idx.msk $0xffff, v54  }
0x3fa: {  	v58 =	vmul.f32 v56, v10;
	[tilespmem:v51+s5+$0x0] =	vst.idx.msk $0xffff, v4;
	v4 =	vadd.s32 s22, v2  }
0x3fb: {  	v60 =	vadd.s32 s22, v3;
	v59 =	vmul.f32 v56, v8;
	[tilespmem:v53+s5+$0x0] =	vst.idx.msk $0xffff, v9;
	v61 =	vpop (erf)  }
0x3fc: {  	[tilespmem:v55+s5+$0x0] =	vst.idx.msk $0xffff, v58;
	v62 =	vmul.f32 v61, v15  }
0x3fd: {  	v63 =	vmul.f32 v61, v11;
	[tilespmem:v5+s5+$0x0] =	vst.idx.msk $0xffff, v59  }
0x3fe: {  	v5 =	vmul.f32 v61, v14;
	[tilespmem:v57+s5+$0x0] =	vst.idx.msk $0xffff, v62  }
0x3ff: {  	[tilespmem:v4+s5+$0x0] =	vst.idx.msk $0xffff, v63  }
0x400: {  	[tilespmem:v60+s5+$0x0] =	vst.idx.msk $0xffff, v5  }
0x401: {  	[hbm4b:s18+s2] =	stream.linear.scatter [tilespmem:s4], [sflag:$0x4], $0x2000, $0x38;
	[tilespmem:$0x19800] =	vst v63  }
0x402: {  	_ = 	snop  }
0x403: {  	[hbm4b:s19+s2] =	stream.linear.scatter [tilespmem:s5], [sflag:$0x4], $0x6000, $0x38;
	[tilespmem:$0x19800] =	vst v63  }
0x404: {  	_ =	swait.ge [sflag:s7], $0x2000  }
0x405: {  	[sflag:s7] =	ssyncset.done $0x0  }
0x406: {  	[sflag:s7] =	ssyncadd.s32 $0xFFFFE000  }
0x407: {  	_ =	swait.ge [sflag:s7], $0x6000  }
0x408: {  	[sflag:s7] =	ssyncset.done $0x0  }
0x409: {  	s8 =	sadd.s32 $0x1, s8;
	[sflag:s7] =	ssyncadd.s32 $0xFFFFA000  }
0x40a: {  	p0 =	sne.s32 s8, s21;
	_ =	swait.ge [sflag:s6], $0x2000  }
.Ltmp4:
0x40b: {  	[sflag:s6] =	ssyncset.done $0x0;
	(pc) =	sbr.rel @p0 .LBB2_1-.Ltmp4, $4  }
0x40c: {  	[sflag:s6] =	ssyncadd.s32 $0xFFFFE000  }
0x40d: {  	_ =	swait.ge [sflag:s6], $0x6000  }
0x40e: {  	[sflag:s6] =	ssyncset.done $0x0  }
0x40f: {  	[sflag:s6] =	ssyncadd.s32 $0xFFFFA000  }
0x410: {  	_ =	sfence.sel $0x180000  }
0x411: {  	[bflag:$0x0] =	sbarrier.arrive $0xFFFF  }
0x412: {  	_ =	strace $0x90000047  }
0x413: {  	s0 =	stileid.u32;
	[bflag:$0x2] =	sbarrier.arrive $0xFFFF  }
0x414: {  	p0 =	sne.s32 s0, $0x0;
	s0 =	rddreg [dreg:$0x5]  }
0x415: {  	s0 =	sadd.s32 @!p0 $0x100000, s0  }
0x416: {  	[sflag:s0] =	ssyncadd.tile.s32 @!p0 $0x1;
	_ =	shalt  }
.Lfunc_end2:
_tile_overlayer_lowered:
.L_overlay_start_2:
0x417: {  	(tag) =	ssettag $0x2  }
0x418: {  	s0 =	rddreg [dreg:$0x0];
	s2 =	stileid.u32  }
0x419: {  	s1 =	rddreg [dreg:$0x1];
	p0 =	sne.s32 s2, $0x0  }
0x41a: {  	s3 =	rddreg [dreg:$0x2];
	[bflag:$0x3] =	sbarrier.arrive $0xFFFF;
	s2 =	simm.s32 @!p0 $0x1C05  }
0x41b: {  	[timem:s3], [sflag:s2] =	dma.local @!p0 [hbm:s0], s1  }
0x41c: {  	s0 =	simm.s32 @!p0 $0x5  }
0x41d: {  	_ =	swait.ge @!p0 [sflag:s0], s1  }
0x41e: {  	s1 =	ssub.s32 @!p0 $0x0, s1;
	[sflag:s0] =	ssyncset.done @!p0 $0x0  }
0x41f: {  	[sflag:s0] =	ssyncadd.s32 @!p0 s1  }
0x420: {  	[bflag:$0x3] =	sbarrier.arrive $0xFFFF  }
0x421: {  	_ =	shalt  }

</sc_bundles>
